<compile_context>
chip_gen: v7x
topology: tpu7x:2x2x1
jax: 0.10.2.dev20260603
libtpu: 0.0.44.dev20260713+nightly
codegen_flags: <defaults>
</compile_context>

<pallas_src>
import functools

import jax
import jax.numpy as jnp
from jax import lax
from jax.experimental import pallas as pl
from jax.experimental.pallas import tpu as pltpu
from jax.experimental.pallas import tpu_sc as plsc

F32 = jnp.float32
NC = 2
NS = 16
KCH = 128
PREC = jax.lax.Precision.DEFAULT


def _mesh():
    return plsc.VectorSubcoreMesh(core_axis_name="c", subcore_axis_name="s")


def _row_split(n):
    base = (n // NS) // 8 * 8
    extra = n - base * NS
    return base, extra



def _make_agg(n, f, n_chunks, edge_split, q0=None):
    n_pad = n + 16
    base, extra = _row_split(n)

    @functools.partial(
        pl.kernel,
        mesh=_mesh(),
        out_type=jax.ShapeDtypeStruct((NC, n, f), F32),
        scratch_types=[
            pltpu.VMEM_SHARED((n_pad, f), F32),
            pltpu.VMEM((KCH,), jnp.int32),
            pltpu.VMEM((KCH,), jnp.int32),
            pltpu.VMEM((KCH, f), F32),
            pltpu.SemaphoreType.DMA,
        ],
    )
    def k(tbl, src3, dst3, out, acc, sidx, didx, rows, sem):
        c = lax.axis_index("c")
        s = lax.axis_index("s")
        if edge_split:
            start = jnp.where(c == 0, 0, q0)
            count = jnp.where(c == 0, q0, n_chunks - q0)
        else:
            start, count = 0, n_chunks
        table = tbl.at[c]
        r0 = s * base
        pltpu.sync_copy(table.at[pl.ds(r0, base)], acc.at[pl.ds(r0, base)])

        @pl.when(s == NS - 1)
        def _init_tail():
            pltpu.sync_copy(table.at[pl.ds(base * NS, extra)],
                            acc.at[pl.ds(base * NS, extra)])

        plsc.subcore_barrier()

        def chunk(j, carry):
            jj = start + j
            pltpu.sync_copy(src3.at[s].at[jj], sidx)
            pltpu.sync_copy(dst3.at[s].at[jj], didx)
            pltpu.async_copy(table.at[sidx], rows, sem).wait()
            pltpu.sync_copy(rows, acc.at[didx], add=True)
            return carry

        lax.fori_loop(0, count, chunk, 0)
        plsc.subcore_barrier()
        pltpu.sync_copy(acc.at[pl.ds(r0, base)], out.at[c].at[pl.ds(r0, base)])

        @pl.when(s == NS - 1)
        def _flush_tail():
            pltpu.sync_copy(acc.at[pl.ds(base * NS, extra)],
                            out.at[c].at[pl.ds(base * NS, extra)])

    return k


def _make_deg(n, ept):
    n_pad = ((n + 16 + 127) // 128) * 128

    @functools.partial(
        pl.kernel,
        mesh=_mesh(),
        out_type=jax.ShapeDtypeStruct((NC, NS, n_pad), F32),
        compiler_params=pltpu.CompilerParams(needs_layout_passes=False),
        scratch_types=[
            pltpu.VMEM((4, n_pad), F32),
            pltpu.VMEM((ept,), jnp.int32),
        ],
    )
    def k(dst2, out, acc, didx):
        c = lax.axis_index("c")
        s = lax.axis_index("s")
        w = s * NC + c

        def zero(i, carry):
            z = jnp.zeros((16,), F32)
            for r in range(4):
                acc[r, pl.ds(i * 16, 16)] = z
            return carry

        lax.fori_loop(0, n_pad // 16, zero, 0)
        pltpu.sync_copy(dst2.at[w], didx)

        lanes = lax.iota(jnp.int32, 16)
        row = lax.bitwise_and(lanes, 3)
        grp = lax.shift_right_logical(lanes, 2)
        ones = jnp.ones((16,), F32)
        masks = [grp == jnp.full((16,), p, jnp.int32) for p in range(4)]

        def scat(g, carry):
            d = didx[pl.ds(g * 16, 16)]
            for p in range(4):
                plsc.addupdate_scatter(acc, [row, d], ones, mask=masks[p])
            return carry

        lax.fori_loop(0, ept // 16, scat, 0)

        def reduce(i, carry):
            sl = pl.ds(i * 16, 16)
            acc[0, sl] = ((acc[0, sl] + acc[1, sl]) +
                          (acc[2, sl] + acc[3, sl]))
            return carry

        lax.fori_loop(0, n_pad // 16, reduce, 0)
        pltpu.sync_copy(acc.at[0], out.at[c].at[s])

    return k



def _tck0(degp, x, n, tn):
    d_in = x.shape[1]

    def body(dp, xr, dinv_ref, g0_ref):
        n_pad = dp.shape[2]
        deg = jnp.sum(dp[...].reshape(2 * NS, n_pad)[:, :n], axis=0)[:, None] + 1.0
        dv = jax.lax.rsqrt(jnp.maximum(deg, 1e-12))
        dinv_ref[...] = dv
        g0 = xr[...] * dv
        g0_ref[0] = g0
        g0_ref[1] = g0

    return pl.pallas_call(
        body,
        out_shape=[
            jax.ShapeDtypeStruct((n, 1), F32),
            jax.ShapeDtypeStruct((2, n, d_in), F32),
        ],
    )(degp, x)


def _tck1(agg0, g0, dinv, W1, b1, W2, n, tn):
    f_in = g0.shape[2]
    h = W1.shape[1]
    f2 = h // 2

    def body(ar, g0r, dv_ref, w1, b1r, w2, out_ref):
        dv = dv_ref[...]
        t = (ar[0] + ar[1] - g0r[0]) * dv
        h1 = jnp.maximum(jnp.dot(t, w1[...], precision=PREC) + b1r[...], 0.0)
        g1 = jnp.dot(h1, w2[...], precision=PREC) * dv
        out_ref[0] = g1[:, :f2]
        out_ref[1] = g1[:, f2:]

    return pl.pallas_call(
        body,
        grid=(n // tn,),
        in_specs=[
            pl.BlockSpec((2, tn, f_in), lambda i: (0, i, 0)),
            pl.BlockSpec((2, tn, f_in), lambda i: (0, i, 0)),
            pl.BlockSpec((tn, 1), lambda i: (i, 0)),
            pl.BlockSpec(W1.shape, lambda i: (0, 0)),
            pl.BlockSpec(b1.shape, lambda i: (0, 0)),
            pl.BlockSpec(W2.shape, lambda i: (0, 0)),
        ],
        out_specs=pl.BlockSpec((2, tn, f2), lambda i: (0, i, 0)),
        out_shape=jax.ShapeDtypeStruct((2, n, f2), F32),
    )(agg0, g0, dinv, W1, b1, W2)


def _tck2(agg1, dinv, b2, W3, Wcp, n, tn):
    f2 = W3.shape[0] // 2

    def body(ar, dv_ref, b2r, w3, wcp, out_ref):
        dv = dv_ref[...]
        h2 = jnp.maximum(
            jnp.concatenate([ar[0], ar[1]], axis=1) * dv + b2r[...], 0.0)
        g2 = jnp.dot(h2, w3[...], precision=PREC)
        g2c = jnp.dot(g2, wcp[...], precision=PREC) * dv
        out_ref[0] = g2c
        out_ref[1] = g2c

    return pl.pallas_call(
        body,
        grid=(n // tn,),
        in_specs=[
            pl.BlockSpec((2, tn, f2), lambda i: (0, i, 0)),
            pl.BlockSpec((tn, 1), lambda i: (i, 0)),
            pl.BlockSpec(b2.shape, lambda i: (0, 0)),
            pl.BlockSpec(W3.shape, lambda i: (0, 0)),
            pl.BlockSpec(Wcp.shape, lambda i: (0, 0)),
        ],
        out_specs=pl.BlockSpec((2, tn, 128), lambda i: (0, i, 0)),
        out_shape=jax.ShapeDtypeStruct((2, n, 128), F32),
    )(agg1, dinv, b2, W3, Wcp)


def _tck3(agg2, g2c, dinv, b3, Wc, bc, n, tn):
    c_out = Wc.shape[1]

    def body(ar, gr, dv_ref, b3r, wc, bcr, out_ref):
        t = (ar[0] + ar[1] - gr[0]) * dv_ref[...]
        b3c = jnp.dot(b3r[...], wc[...], precision=PREC) + bcr[...]
        out_ref[...] = t[:, :c_out] + b3c

    return pl.pallas_call(
        body,
        grid=(n // tn,),
        in_specs=[
            pl.BlockSpec((2, tn, 128), lambda i: (0, i, 0)),
            pl.BlockSpec((2, tn, 128), lambda i: (0, i, 0)),
            pl.BlockSpec((tn, 1), lambda i: (i, 0)),
            pl.BlockSpec(b3.shape, lambda i: (0, 0)),
            pl.BlockSpec(Wc.shape, lambda i: (0, 0)),
            pl.BlockSpec(bc.shape, lambda i: (0, 0)),
        ],
        out_specs=pl.BlockSpec((tn, c_out), lambda i: (i, 0)),
        out_shape=jax.ShapeDtypeStruct((n, c_out), F32),
    )(agg2, g2c, dinv, b3, Wc, bc)



def kernel(x, edge_index, W1, b1, W2, b2, W3, b3, Wc, bc):
    n = x.shape[0]
    e = edge_index.shape[1]
    tn = 2000

    unit = KCH * NC * NS
    e_pad = ((e + unit - 1) // unit) * unit
    pad = e_pad - e
    src = jnp.concatenate([edge_index[0], jnp.zeros((pad,), jnp.int32)])
    dst = jnp.concatenate([edge_index[1], jnp.full((pad,), n, jnp.int32)])
    cha = e_pad // (NS * KCH)
    chd = e_pad // (NC * NS * KCH)
    src3f = src.reshape(NS, cha, KCH)
    dst3f = dst.reshape(NS, cha, KCH)
    dst2 = dst.reshape(NC * NS, chd * KCH)
    q0 = max(1, (cha * 61) // 100)

    degp = _make_deg(n, chd * KCH)(dst2)
    dinv, g0 = _tck0(degp, x, n, tn)
    agg0 = _make_agg(n, g0.shape[2], cha, edge_split=True, q0=q0)(
        g0, src3f, dst3f)
    g1 = _tck1(agg0, g0, dinv, W1, b1.reshape(1, -1), W2, n, tn)
    agg1 = _make_agg(n, g1.shape[2], cha, edge_split=False)(g1, src3f, dst3f)
    Wcp = jnp.zeros((Wc.shape[0], 128), F32).at[:, :Wc.shape[1]].set(Wc)
    g2c = _tck2(agg1, dinv, b2.reshape(1, -1), W3, Wcp, n, tn)
    agg2 = _make_agg(n, 128, cha, edge_split=True, q0=q0)(g2c, src3f, dst3f)
    logits = _tck3(agg2, g2c, dinv, b3.reshape(1, -1), Wc, bc.reshape(1, -1),
                   n, tn)
    return logits

# --- scband reference (transcript-rebuilt; emitter-appended) ---
"""Pipeline reference for scband-gcnnet-33131377721795 (READ-ONLY COPY).

The authoritative reference and input builder live on the scoring server;
editing this copy changes nothing except your own understanding.
"""

import jax, jax.numpy as jnp
import numpy as np

N = 10000
E = 320000
D_IN = 128
H = 256
C = 40


def setup_inputs(seed: int = 0) -> dict:
    key = jax.random.key(seed)
    ks = jax.random.split(key, 12)
    x = jax.random.normal(ks[0], (N, D_IN), dtype=jnp.float32)
    edge_index = jax.random.randint(ks[1], (2, E), 0, N, dtype=jnp.int32)
    def glorot(k, fan_in, fan_out):
        s = jnp.sqrt(2.0 / (fan_in + fan_out))
        return jax.random.normal(k, (fan_in, fan_out), dtype=jnp.float32) * s
    W1 = glorot(ks[2], D_IN, H)
    b1 = jnp.zeros((H,), dtype=jnp.float32)
    W2 = glorot(ks[3], H, H)
    b2 = jnp.zeros((H,), dtype=jnp.float32)
    W3 = glorot(ks[4], H, H)
    b3 = jnp.zeros((H,), dtype=jnp.float32)
    Wc = glorot(ks[5], H, C)
    bc = jnp.zeros((C,), dtype=jnp.float32)
    return {"x": x, "edge_index": edge_index, "W1": W1, "b1": b1,
            "W2": W2, "b2": b2, "W3": W3, "b3": b3, "Wc": Wc, "bc": bc}


def _gcn_conv(x, src, dst, W, b):
    # PyG GCNConv with normalize=True: add self-loops, symmetric D^-1/2 (A+I) D^-1/2
    n = x.shape[0]
    h = x @ W
    loop = jnp.arange(n, dtype=src.dtype)
    src_sl = jnp.concatenate([src, loop])
    dst_sl = jnp.concatenate([dst, loop])
    deg = jnp.zeros((n,), dtype=h.dtype).at[dst_sl].add(1.0)
    dinv = jax.lax.rsqrt(jnp.maximum(deg, 1e-12))
    norm = dinv[src_sl] * dinv[dst_sl]
    msgs = h[src_sl] * norm[:, None]
    out = jnp.zeros_like(h).at[dst_sl].add(msgs)
    return out + b


def reference(x, edge_index, W1, b1, W2, b2, W3, b3, Wc, bc):
    src = edge_index[0]
    dst = edge_index[1]
    h = _gcn_conv(x, src, dst, W1, b1)
    h = jax.nn.relu(h)
    h = _gcn_conv(h, src, dst, W2, b2)
    h = jax.nn.relu(h)
    h = _gcn_conv(h, src, dst, W3, b3)
    logits = h @ Wc + bc
    return logits

if __name__ == "__main__":
    import jax
    _d = setup_inputs()
    print(jax.jit(kernel)(*tuple(_d.values())))

</pallas_src>

<mosaic_0001>
#map = affine_map<(d0, d1) -> (0, 0, 0)>
module attributes {stable_mosaic.version = 14 : i64} {
  func.func @k(%arg0: i32, %arg1: i32, %arg2: memref<2x10000x128xf32, #tpu.memory_space<hbm>>, %arg3: memref<16x158x128xi32, #tpu.memory_space<hbm>>, %arg4: memref<16x158x128xi32, #tpu.memory_space<hbm>>, %arg5: memref<2x10000x128xf32, #tpu.memory_space<hbm>>, %arg6: memref<10016x128xf32, #tpu.memory_space<vmem_shared>>, %arg7: memref<128xi32, #tpu.memory_space<vmem>>, %arg8: memref<128xi32, #tpu.memory_space<vmem>>, %arg9: memref<128x128xf32, #tpu.memory_space<vmem>>, %arg10: memref<!tpu.dma_semaphore, #tpu.memory_space<semaphore_mem>>) attributes {dimension_semantics = [#tpu.dimension_semantics<core_parallel>, #tpu.dimension_semantics<subcore_parallel>], iteration_bounds = array<i64: 2, 16>, scalar_prefetch = 0 : i64, scratch_operands = 5 : i64, tpu.core_type = #tpu.core_type<sc_vector_subcore>, window_params = [{transform_indices = #map}, {transform_indices = #map}, {transform_indices = #map}, {transform_indices = #map}]} {
    %eq3A = arith.constant 0 : i32
    %eq3A_0 = arith.cmpi eq, %arg0, %eq3A : i32
    %jit3A = arith.constant 0 : i32
    %jit3A_1 = arith.constant 96 : i32
    %select_n3A = arith.select %eq3A_0, %jit3A, %jit3A_1 : i32
    %eq3A_2 = arith.constant 0 : i32
    %eq3A_3 = arith.cmpi eq, %arg0, %eq3A_2 : i32
    %jit3A_4 = arith.constant 96 : i32
    %jit3A_5 = arith.constant 62 : i32
    %select_n3A_6 = arith.select %eq3A_3, %jit3A_4, %jit3A_5 : i32
    %mul3A = arith.constant 624 : i32
    %mul3A_7 = arith.muli %arg1, %mul3A : i32
    "tpu.region"() ({
      %run_scoped3A = tpu.sem_alloc : memref<!tpu.dma_semaphore, #tpu.memory_space<semaphore_mem>>
      %dma_start3A = arith.constant 0 : i32
      %dma_start3A_26 = tpu.memref_slice %arg6[%mul3A_7, %dma_start3A] : memref<10016x128xf32, #tpu.memory_space<vmem_shared>> -> memref<624x128xf32, #tpu.memory_space<vmem_shared>>
      %dma_start3A_27 = arith.constant 0 : i32
      %dma_start3A_28 = arith.constant 0 : i32
      %dma_start3A_29 = tpu.memref_slice %arg2[%arg0, %dma_start3A_27, %dma_start3A_28] : memref<2x10000x128xf32, #tpu.memory_space<hbm>> -> memref<1x10000x128xf32, #tpu.memory_space<hbm>>
      %dma_start3A_30 = tpu.memref_squeeze %dma_start3A_29 : memref<1x10000x128xf32, #tpu.memory_space<hbm>> -> memref<10000x128xf32, #tpu.memory_space<hbm>>
      %dma_start3A_31 = arith.constant 0 : i32
      %dma_start3A_32 = tpu.memref_slice %dma_start3A_30[%mul3A_7, %dma_start3A_31] : memref<10000x128xf32, #tpu.memory_space<hbm>> -> memref<624x128xf32, #tpu.memory_space<hbm>>
      tpu.enqueue_dma source(%dma_start3A_32 : memref<624x128xf32, #tpu.memory_space<hbm>>) target(%dma_start3A_26 : memref<624x128xf32, #tpu.memory_space<vmem_shared>>) target_semaphore(%run_scoped3A : memref<!tpu.dma_semaphore, #tpu.memory_space<semaphore_mem>>)
      %dma_wait3A = arith.constant 0 : i32
      %dma_wait3A_33 = tpu.memref_slice %arg6[%mul3A_7, %dma_wait3A] : memref<10016x128xf32, #tpu.memory_space<vmem_shared>> -> memref<624x128xf32, #tpu.memory_space<vmem_shared>>
      %dma_wait3A_34 = arith.constant 0 : i32
      %dma_wait3A_35 = arith.constant 0 : i32
      %dma_wait3A_36 = tpu.memref_slice %arg2[%arg0, %dma_wait3A_34, %dma_wait3A_35] : memref<2x10000x128xf32, #tpu.memory_space<hbm>> -> memref<1x10000x128xf32, #tpu.memory_space<hbm>>
      %dma_wait3A_37 = tpu.memref_squeeze %dma_wait3A_36 : memref<1x10000x128xf32, #tpu.memory_space<hbm>> -> memref<10000x128xf32, #tpu.memory_space<hbm>>
      %dma_wait3A_38 = arith.constant 0 : i32
      %dma_wait3A_39 = tpu.memref_slice %dma_wait3A_37[%mul3A_7, %dma_wait3A_38] : memref<10000x128xf32, #tpu.memory_space<hbm>> -> memref<624x128xf32, #tpu.memory_space<hbm>>
      tpu.wait_dma2 semaphore(%run_scoped3A : memref<!tpu.dma_semaphore, #tpu.memory_space<semaphore_mem>>) src(%dma_wait3A_39 : memref<624x128xf32, #tpu.memory_space<hbm>>) dst(%dma_wait3A_33 : memref<624x128xf32, #tpu.memory_space<vmem_shared>>)
      tpu.yield
    }) : () -> ()
    %eq3A_8 = arith.constant 15 : i32
    %eq3A_9 = arith.cmpi eq, %arg1, %eq3A_8 : i32
    %convert_element_type3A = arith.extui %eq3A_9 : i1 to i32
    %cond3A = arith.constant 0 : i32
    %cond3A_10 = arith.cmpi ne, %convert_element_type3A, %cond3A : i32
    scf.if %cond3A_10 {
      "tpu.region"() ({
        %run_scoped3A = tpu.sem_alloc : memref<!tpu.dma_semaphore, #tpu.memory_space<semaphore_mem>>
        %dma_start3A = arith.constant 9984 : i32
        %dma_start3A_26 = arith.constant 0 : i32
        %dma_start3A_27 = tpu.memref_slice %arg6[%dma_start3A, %dma_start3A_26] : memref<10016x128xf32, #tpu.memory_space<vmem_shared>> -> memref<16x128xf32, #tpu.memory_space<vmem_shared>>
        %dma_start3A_28 = arith.constant 0 : i32
        %dma_start3A_29 = arith.constant 0 : i32
        %dma_start3A_30 = tpu.memref_slice %arg2[%arg0, %dma_start3A_28, %dma_start3A_29] : memref<2x10000x128xf32, #tpu.memory_space<hbm>> -> memref<1x10000x128xf32, #tpu.memory_space<hbm>>
        %dma_start3A_31 = tpu.memref_squeeze %dma_start3A_30 : memref<1x10000x128xf32, #tpu.memory_space<hbm>> -> memref<10000x128xf32, #tpu.memory_space<hbm>>
        %dma_start3A_32 = arith.constant 9984 : i32
        %dma_start3A_33 = arith.constant 0 : i32
        %dma_start3A_34 = tpu.memref_slice %dma_start3A_31[%dma_start3A_32, %dma_start3A_33] : memref<10000x128xf32, #tpu.memory_space<hbm>> -> memref<16x128xf32, #tpu.memory_space<hbm>>
        tpu.enqueue_dma source(%dma_start3A_34 : memref<16x128xf32, #tpu.memory_space<hbm>>) target(%dma_start3A_27 : memref<16x128xf32, #tpu.memory_space<vmem_shared>>) target_semaphore(%run_scoped3A : memref<!tpu.dma_semaphore, #tpu.memory_space<semaphore_mem>>)
        %dma_wait3A = arith.constant 9984 : i32
        %dma_wait3A_35 = arith.constant 0 : i32
        %dma_wait3A_36 = tpu.memref_slice %arg6[%dma_wait3A, %dma_wait3A_35] : memref<10016x128xf32, #tpu.memory_space<vmem_shared>> -> memref<16x128xf32, #tpu.memory_space<vmem_shared>>
        %dma_wait3A_37 = arith.constant 0 : i32
        %dma_wait3A_38 = arith.constant 0 : i32
        %dma_wait3A_39 = tpu.memref_slice %arg2[%arg0, %dma_wait3A_37, %dma_wait3A_38] : memref<2x10000x128xf32, #tpu.memory_space<hbm>> -> memref<1x10000x128xf32, #tpu.memory_space<hbm>>
        %dma_wait3A_40 = tpu.memref_squeeze %dma_wait3A_39 : memref<1x10000x128xf32, #tpu.memory_space<hbm>> -> memref<10000x128xf32, #tpu.memory_space<hbm>>
        %dma_wait3A_41 = arith.constant 9984 : i32
        %dma_wait3A_42 = arith.constant 0 : i32
        %dma_wait3A_43 = tpu.memref_slice %dma_wait3A_40[%dma_wait3A_41, %dma_wait3A_42] : memref<10000x128xf32, #tpu.memory_space<hbm>> -> memref<16x128xf32, #tpu.memory_space<hbm>>
        tpu.wait_dma2 semaphore(%run_scoped3A : memref<!tpu.dma_semaphore, #tpu.memory_space<semaphore_mem>>) src(%dma_wait3A_43 : memref<16x128xf32, #tpu.memory_space<hbm>>) dst(%dma_wait3A_36 : memref<16x128xf32, #tpu.memory_space<vmem_shared>>)
        tpu.yield
      }) : () -> ()
    } else {
    }
    %barrier3A = arith.constant 0 : index
    tpu.barrier barrier_id(%barrier3A)
    %while3A = arith.constant 0 : i32
    %while3A_11 = arith.constant 0 : i32
    %while3A_12 = arith.subi %select_n3A_6, %while3A_11 : i32
    %while3A_13 = arith.addi %while3A_11, %while3A_12 : i32
    %while3A_14 = arith.constant 1 : i32
    %while3A_15 = arith.divsi %while3A_12, %while3A_14 : i32
    %while3A_16 = arith.muli %while3A_15, %while3A_14 : i32
    %while3A_17 = arith.addi %while3A_11, %while3A_16 : i32
    %while3A_18 = arith.constant 1 : i32
    scf.for %while3A_26 = %while3A_11 to %while3A_17 step %while3A_18  : i32 {
      %add3A = arith.addi %select_n3A, %while3A_26 : i32
      "tpu.region"() ({
        %run_scoped3A = tpu.sem_alloc : memref<!tpu.dma_semaphore, #tpu.memory_space<semaphore_mem>>
        %dma_start3A_39 = arith.constant 0 : i32
        %dma_start3A_40 = arith.constant 0 : i32
        %dma_start3A_41 = tpu.memref_slice %arg3[%arg1, %dma_start3A_39, %dma_start3A_40] : memref<16x158x128xi32, #tpu.memory_space<hbm>> -> memref<1x158x128xi32, #tpu.memory_space<hbm>>
        %dma_start3A_42 = tpu.memref_squeeze %dma_start3A_41 : memref<1x158x128xi32, #tpu.memory_space<hbm>> -> memref<158x128xi32, #tpu.memory_space<hbm>>
        %dma_start3A_43 = arith.constant 0 : i32
        %dma_start3A_44 = tpu.memref_slice %dma_start3A_42[%add3A, %dma_start3A_43] : memref<158x128xi32, #tpu.memory_space<hbm>> -> memref<1x128xi32, #tpu.memory_space<hbm>>
        %dma_start3A_45 = tpu.memref_squeeze %dma_start3A_44 : memref<1x128xi32, #tpu.memory_space<hbm>> -> memref<128xi32, #tpu.memory_space<hbm>>
        %dma_start3A_46 = arith.constant 0 : i32
        %dma_start3A_47 = arith.constant 0 : i32
        %dma_start3A_48 = tpu.memref_slice %arg3[%arg1, %dma_start3A_46, %dma_start3A_47] : memref<16x158x128xi32, #tpu.memory_space<hbm>> -> memref<1x158x128xi32, #tpu.memory_space<hbm>>
        %dma_start3A_49 = tpu.memref_squeeze %dma_start3A_48 : memref<1x158x128xi32, #tpu.memory_space<hbm>> -> memref<158x128xi32, #tpu.memory_space<hbm>>
        %dma_start3A_50 = arith.constant 0 : i32
        %dma_start3A_51 = tpu.memref_slice %dma_start3A_49[%add3A, %dma_start3A_50] : memref<158x128xi32, #tpu.memory_space<hbm>> -> memref<1x128xi32, #tpu.memory_space<hbm>>
        %dma_start3A_52 = tpu.memref_squeeze %dma_start3A_51 : memref<1x128xi32, #tpu.memory_space<hbm>> -> memref<128xi32, #tpu.memory_space<hbm>>
        tpu.enqueue_dma source(%dma_start3A_52 : memref<128xi32, #tpu.memory_space<hbm>>) target(%arg7 : memref<128xi32, #tpu.memory_space<vmem>>) target_semaphore(%run_scoped3A : memref<!tpu.dma_semaphore, #tpu.memory_space<semaphore_mem>>)
        %dma_wait3A_53 = arith.constant 0 : i32
        %dma_wait3A_54 = arith.constant 0 : i32
        %dma_wait3A_55 = tpu.memref_slice %arg3[%arg1, %dma_wait3A_53, %dma_wait3A_54] : memref<16x158x128xi32, #tpu.memory_space<hbm>> -> memref<1x158x128xi32, #tpu.memory_space<hbm>>
        %dma_wait3A_56 = tpu.memref_squeeze %dma_wait3A_55 : memref<1x158x128xi32, #tpu.memory_space<hbm>> -> memref<158x128xi32, #tpu.memory_space<hbm>>
        %dma_wait3A_57 = arith.constant 0 : i32
        %dma_wait3A_58 = tpu.memref_slice %dma_wait3A_56[%add3A, %dma_wait3A_57] : memref<158x128xi32, #tpu.memory_space<hbm>> -> memref<1x128xi32, #tpu.memory_space<hbm>>
        %dma_wait3A_59 = tpu.memref_squeeze %dma_wait3A_58 : memref<1x128xi32, #tpu.memory_space<hbm>> -> memref<128xi32, #tpu.memory_space<hbm>>
        %dma_wait3A_60 = arith.constant 0 : i32
        %dma_wait3A_61 = arith.constant 0 : i32
        %dma_wait3A_62 = tpu.memref_slice %arg3[%arg1, %dma_wait3A_60, %dma_wait3A_61] : memref<16x158x128xi32, #tpu.memory_space<hbm>> -> memref<1x158x128xi32, #tpu.memory_space<hbm>>
        %dma_wait3A_63 = tpu.memref_squeeze %dma_wait3A_62 : memref<1x158x128xi32, #tpu.memory_space<hbm>> -> memref<158x128xi32, #tpu.memory_space<hbm>>
        %dma_wait3A_64 = arith.constant 0 : i32
        %dma_wait3A_65 = tpu.memref_slice %dma_wait3A_63[%add3A, %dma_wait3A_64] : memref<158x128xi32, #tpu.memory_space<hbm>> -> memref<1x128xi32, #tpu.memory_space<hbm>>
        %dma_wait3A_66 = tpu.memref_squeeze %dma_wait3A_65 : memref<1x128xi32, #tpu.memory_space<hbm>> -> memref<128xi32, #tpu.memory_space<hbm>>
        tpu.wait_dma2 semaphore(%run_scoped3A : memref<!tpu.dma_semaphore, #tpu.memory_space<semaphore_mem>>) src(%dma_wait3A_66 : memref<128xi32, #tpu.memory_space<hbm>>) dst(%arg7 : memref<128xi32, #tpu.memory_space<vmem>>)
        tpu.yield
      }) : () -> ()
      "tpu.region"() ({
        %run_scoped3A = tpu.sem_alloc : memref<!tpu.dma_semaphore, #tpu.memory_space<semaphore_mem>>
        %dma_start3A_39 = arith.constant 0 : i32
        %dma_start3A_40 = arith.constant 0 : i32
        %dma_start3A_41 = tpu.memref_slice %arg4[%arg1, %dma_start3A_39, %dma_start3A_40] : memref<16x158x128xi32, #tpu.memory_space<hbm>> -> memref<1x158x128xi32, #tpu.memory_space<hbm>>
        %dma_start3A_42 = tpu.memref_squeeze %dma_start3A_41 : memref<1x158x128xi32, #tpu.memory_space<hbm>> -> memref<158x128xi32, #tpu.memory_space<hbm>>
        %dma_start3A_43 = arith.constant 0 : i32
        %dma_start3A_44 = tpu.memref_slice %dma_start3A_42[%add3A, %dma_start3A_43] : memref<158x128xi32, #tpu.memory_space<hbm>> -> memref<1x128xi32, #tpu.memory_space<hbm>>
        %dma_start3A_45 = tpu.memref_squeeze %dma_start3A_44 : memref<1x128xi32, #tpu.memory_space<hbm>> -> memref<128xi32, #tpu.memory_space<hbm>>
        %dma_start3A_46 = arith.constant 0 : i32
        %dma_start3A_47 = arith.constant 0 : i32
        %dma_start3A_48 = tpu.memref_slice %arg4[%arg1, %dma_start3A_46, %dma_start3A_47] : memref<16x158x128xi32, #tpu.memory_space<hbm>> -> memref<1x158x128xi32, #tpu.memory_space<hbm>>
        %dma_start3A_49 = tpu.memref_squeeze %dma_start3A_48 : memref<1x158x128xi32, #tpu.memory_space<hbm>> -> memref<158x128xi32, #tpu.memory_space<hbm>>
        %dma_start3A_50 = arith.constant 0 : i32
        %dma_start3A_51 = tpu.memref_slice %dma_start3A_49[%add3A, %dma_start3A_50] : memref<158x128xi32, #tpu.memory_space<hbm>> -> memref<1x128xi32, #tpu.memory_space<hbm>>
        %dma_start3A_52 = tpu.memref_squeeze %dma_start3A_51 : memref<1x128xi32, #tpu.memory_space<hbm>> -> memref<128xi32, #tpu.memory_space<hbm>>
        tpu.enqueue_dma source(%dma_start3A_52 : memref<128xi32, #tpu.memory_space<hbm>>) target(%arg8 : memref<128xi32, #tpu.memory_space<vmem>>) target_semaphore(%run_scoped3A : memref<!tpu.dma_semaphore, #tpu.memory_space<semaphore_mem>>)
        %dma_wait3A_53 = arith.constant 0 : i32
        %dma_wait3A_54 = arith.constant 0 : i32
        %dma_wait3A_55 = tpu.memref_slice %arg4[%arg1, %dma_wait3A_53, %dma_wait3A_54] : memref<16x158x128xi32, #tpu.memory_space<hbm>> -> memref<1x158x128xi32, #tpu.memory_space<hbm>>
        %dma_wait3A_56 = tpu.memref_squeeze %dma_wait3A_55 : memref<1x158x128xi32, #tpu.memory_space<hbm>> -> memref<158x128xi32, #tpu.memory_space<hbm>>
        %dma_wait3A_57 = arith.constant 0 : i32
        %dma_wait3A_58 = tpu.memref_slice %dma_wait3A_56[%add3A, %dma_wait3A_57] : memref<158x128xi32, #tpu.memory_space<hbm>> -> memref<1x128xi32, #tpu.memory_space<hbm>>
        %dma_wait3A_59 = tpu.memref_squeeze %dma_wait3A_58 : memref<1x128xi32, #tpu.memory_space<hbm>> -> memref<128xi32, #tpu.memory_space<hbm>>
        %dma_wait3A_60 = arith.constant 0 : i32
        %dma_wait3A_61 = arith.constant 0 : i32
        %dma_wait3A_62 = tpu.memref_slice %arg4[%arg1, %dma_wait3A_60, %dma_wait3A_61] : memref<16x158x128xi32, #tpu.memory_space<hbm>> -> memref<1x158x128xi32, #tpu.memory_space<hbm>>
        %dma_wait3A_63 = tpu.memref_squeeze %dma_wait3A_62 : memref<1x158x128xi32, #tpu.memory_space<hbm>> -> memref<158x128xi32, #tpu.memory_space<hbm>>
        %dma_wait3A_64 = arith.constant 0 : i32
        %dma_wait3A_65 = tpu.memref_slice %dma_wait3A_63[%add3A, %dma_wait3A_64] : memref<158x128xi32, #tpu.memory_space<hbm>> -> memref<1x128xi32, #tpu.memory_space<hbm>>
        %dma_wait3A_66 = tpu.memref_squeeze %dma_wait3A_65 : memref<1x128xi32, #tpu.memory_space<hbm>> -> memref<128xi32, #tpu.memory_space<hbm>>
        tpu.wait_dma2 semaphore(%run_scoped3A : memref<!tpu.dma_semaphore, #tpu.memory_space<semaphore_mem>>) src(%dma_wait3A_66 : memref<128xi32, #tpu.memory_space<hbm>>) dst(%arg8 : memref<128xi32, #tpu.memory_space<vmem>>)
        tpu.yield
      }) : () -> ()
      %dma_start3A = arith.constant 0 : i32
      %dma_start3A_27 = arith.constant 0 : i32
      %dma_start3A_28 = tpu.memref_slice %arg2[%arg0, %dma_start3A, %dma_start3A_27] : memref<2x10000x128xf32, #tpu.memory_space<hbm>> -> memref<1x10000x128xf32, #tpu.memory_space<hbm>>
      %dma_start3A_29 = tpu.memref_squeeze %dma_start3A_28 : memref<1x10000x128xf32, #tpu.memory_space<hbm>> -> memref<10000x128xf32, #tpu.memory_space<hbm>>
      %dma_start3A_30 = arith.constant 0 : i32
      %dma_start3A_31 = arith.constant 0 : i32
      %dma_start3A_32 = tpu.memref_slice %dma_start3A_29[%dma_start3A_30, %dma_start3A_31] : memref<10000x128xf32, #tpu.memory_space<hbm>> -> memref<10000x128xf32, #tpu.memory_space<hbm>>
      tpu.enqueue_indirect_dma source(%dma_start3A_32 : memref<10000x128xf32, #tpu.memory_space<hbm>>) target(%arg9 : memref<128x128xf32, #tpu.memory_space<vmem>>) offsets(%arg7 : memref<128xi32, #tpu.memory_space<vmem>>) semaphore(%arg10 : memref<!tpu.dma_semaphore, #tpu.memory_space<semaphore_mem>>)
      %dma_wait3A = arith.constant 0 : i32
      %dma_wait3A_33 = arith.constant 0 : i32
      %dma_wait3A_34 = tpu.memref_slice %arg2[%arg0, %dma_wait3A, %dma_wait3A_33] : memref<2x10000x128xf32, #tpu.memory_space<hbm>> -> memref<1x10000x128xf32, #tpu.memory_space<hbm>>
      %dma_wait3A_35 = tpu.memref_squeeze %dma_wait3A_34 : memref<1x10000x128xf32, #tpu.memory_space<hbm>> -> memref<10000x128xf32, #tpu.memory_space<hbm>>
      %dma_wait3A_36 = arith.constant 0 : i32
      %dma_wait3A_37 = arith.constant 0 : i32
      %dma_wait3A_38 = tpu.memref_slice %dma_wait3A_35[%dma_wait3A_36, %dma_wait3A_37] : memref<10000x128xf32, #tpu.memory_space<hbm>> -> memref<10000x128xf32, #tpu.memory_space<hbm>>
      tpu.wait_indirect_dma semaphore(%arg10 : memref<!tpu.dma_semaphore, #tpu.memory_space<semaphore_mem>>) src(%dma_wait3A_38 : memref<10000x128xf32, #tpu.memory_space<hbm>>) dst(%arg9 : memref<128x128xf32, #tpu.memory_space<vmem>>)
      "tpu.region"() ({
        %run_scoped3A = tpu.sem_alloc : memref<!tpu.dma_semaphore, #tpu.memory_space<semaphore_mem>>
        %dma_start3A_39 = arith.constant 0 : i32
        %dma_start3A_40 = arith.constant 0 : i32
        %dma_start3A_41 = tpu.memref_slice %arg6[%dma_start3A_39, %dma_start3A_40] : memref<10016x128xf32, #tpu.memory_space<vmem_shared>> -> memref<10016x128xf32, #tpu.memory_space<vmem_shared>>
        tpu.enqueue_indirect_dma source(%arg9 : memref<128x128xf32, #tpu.memory_space<vmem>>) target(%dma_start3A_41 : memref<10016x128xf32, #tpu.memory_space<vmem_shared>>) offsets(%arg8 : memref<128xi32, #tpu.memory_space<vmem>>) semaphore(%run_scoped3A : memref<!tpu.dma_semaphore, #tpu.memory_space<semaphore_mem>>) {add = true}
        %dma_wait3A_42 = arith.constant 0 : i32
        %dma_wait3A_43 = arith.constant 0 : i32
        %dma_wait3A_44 = tpu.memref_slice %arg6[%dma_wait3A_42, %dma_wait3A_43] : memref<10016x128xf32, #tpu.memory_space<vmem_shared>> -> memref<10016x128xf32, #tpu.memory_space<vmem_shared>>
        tpu.wait_indirect_dma semaphore(%run_scoped3A : memref<!tpu.dma_semaphore, #tpu.memory_space<semaphore_mem>>) src(%arg9 : memref<128x128xf32, #tpu.memory_space<vmem>>) dst(%dma_wait3A_44 : memref<10016x128xf32, #tpu.memory_space<vmem_shared>>)
        tpu.yield
      }) : () -> ()
    }
    %while3A_19 = arith.constant 1 : i32
    scf.for %while3A_26 = %while3A_17 to %while3A_13 step %while3A_19  : i32 {
      %add3A = arith.addi %select_n3A, %while3A_26 : i32
      "tpu.region"() ({
        %run_scoped3A = tpu.sem_alloc : memref<!tpu.dma_semaphore, #tpu.memory_space<semaphore_mem>>
        %dma_start3A_39 = arith.constant 0 : i32
        %dma_start3A_40 = arith.constant 0 : i32
        %dma_start3A_41 = tpu.memref_slice %arg3[%arg1, %dma_start3A_39, %dma_start3A_40] : memref<16x158x128xi32, #tpu.memory_space<hbm>> -> memref<1x158x128xi32, #tpu.memory_space<hbm>>
        %dma_start3A_42 = tpu.memref_squeeze %dma_start3A_41 : memref<1x158x128xi32, #tpu.memory_space<hbm>> -> memref<158x128xi32, #tpu.memory_space<hbm>>
        %dma_start3A_43 = arith.constant 0 : i32
        %dma_start3A_44 = tpu.memref_slice %dma_start3A_42[%add3A, %dma_start3A_43] : memref<158x128xi32, #tpu.memory_space<hbm>> -> memref<1x128xi32, #tpu.memory_space<hbm>>
        %dma_start3A_45 = tpu.memref_squeeze %dma_start3A_44 : memref<1x128xi32, #tpu.memory_space<hbm>> -> memref<128xi32, #tpu.memory_space<hbm>>
        %dma_start3A_46 = arith.constant 0 : i32
        %dma_start3A_47 = arith.constant 0 : i32
        %dma_start3A_48 = tpu.memref_slice %arg3[%arg1, %dma_start3A_46, %dma_start3A_47] : memref<16x158x128xi32, #tpu.memory_space<hbm>> -> memref<1x158x128xi32, #tpu.memory_space<hbm>>
        %dma_start3A_49 = tpu.memref_squeeze %dma_start3A_48 : memref<1x158x128xi32, #tpu.memory_space<hbm>> -> memref<158x128xi32, #tpu.memory_space<hbm>>
        %dma_start3A_50 = arith.constant 0 : i32
        %dma_start3A_51 = tpu.memref_slice %dma_start3A_49[%add3A, %dma_start3A_50] : memref<158x128xi32, #tpu.memory_space<hbm>> -> memref<1x128xi32, #tpu.memory_space<hbm>>
        %dma_start3A_52 = tpu.memref_squeeze %dma_start3A_51 : memref<1x128xi32, #tpu.memory_space<hbm>> -> memref<128xi32, #tpu.memory_space<hbm>>
        tpu.enqueue_dma source(%dma_start3A_52 : memref<128xi32, #tpu.memory_space<hbm>>) target(%arg7 : memref<128xi32, #tpu.memory_space<vmem>>) target_semaphore(%run_scoped3A : memref<!tpu.dma_semaphore, #tpu.memory_space<semaphore_mem>>)
        %dma_wait3A_53 = arith.constant 0 : i32
        %dma_wait3A_54 = arith.constant 0 : i32
        %dma_wait3A_55 = tpu.memref_slice %arg3[%arg1, %dma_wait3A_53, %dma_wait3A_54] : memref<16x158x128xi32, #tpu.memory_space<hbm>> -> memref<1x158x128xi32, #tpu.memory_space<hbm>>
        %dma_wait3A_56 = tpu.memref_squeeze %dma_wait3A_55 : memref<1x158x128xi32, #tpu.memory_space<hbm>> -> memref<158x128xi32, #tpu.memory_space<hbm>>
        %dma_wait3A_57 = arith.constant 0 : i32
        %dma_wait3A_58 = tpu.memref_slice %dma_wait3A_56[%add3A, %dma_wait3A_57] : memref<158x128xi32, #tpu.memory_space<hbm>> -> memref<1x128xi32, #tpu.memory_space<hbm>>
        %dma_wait3A_59 = tpu.memref_squeeze %dma_wait3A_58 : memref<1x128xi32, #tpu.memory_space<hbm>> -> memref<128xi32, #tpu.memory_space<hbm>>
        %dma_wait3A_60 = arith.constant 0 : i32
        %dma_wait3A_61 = arith.constant 0 : i32
        %dma_wait3A_62 = tpu.memref_slice %arg3[%arg1, %dma_wait3A_60, %dma_wait3A_61] : memref<16x158x128xi32, #tpu.memory_space<hbm>> -> memref<1x158x128xi32, #tpu.memory_space<hbm>>
        %dma_wait3A_63 = tpu.memref_squeeze %dma_wait3A_62 : memref<1x158x128xi32, #tpu.memory_space<hbm>> -> memref<158x128xi32, #tpu.memory_space<hbm>>
        %dma_wait3A_64 = arith.constant 0 : i32
        %dma_wait3A_65 = tpu.memref_slice %dma_wait3A_63[%add3A, %dma_wait3A_64] : memref<158x128xi32, #tpu.memory_space<hbm>> -> memref<1x128xi32, #tpu.memory_space<hbm>>
        %dma_wait3A_66 = tpu.memref_squeeze %dma_wait3A_65 : memref<1x128xi32, #tpu.memory_space<hbm>> -> memref<128xi32, #tpu.memory_space<hbm>>
        tpu.wait_dma2 semaphore(%run_scoped3A : memref<!tpu.dma_semaphore, #tpu.memory_space<semaphore_mem>>) src(%dma_wait3A_66 : memref<128xi32, #tpu.memory_space<hbm>>) dst(%arg7 : memref<128xi32, #tpu.memory_space<vmem>>)
        tpu.yield
      }) : () -> ()
      "tpu.region"() ({
        %run_scoped3A = tpu.sem_alloc : memref<!tpu.dma_semaphore, #tpu.memory_space<semaphore_mem>>
        %dma_start3A_39 = arith.constant 0 : i32
        %dma_start3A_40 = arith.constant 0 : i32
        %dma_start3A_41 = tpu.memref_slice %arg4[%arg1, %dma_start3A_39, %dma_start3A_40] : memref<16x158x128xi32, #tpu.memory_space<hbm>> -> memref<1x158x128xi32, #tpu.memory_space<hbm>>
        %dma_start3A_42 = tpu.memref_squeeze %dma_start3A_41 : memref<1x158x128xi32, #tpu.memory_space<hbm>> -> memref<158x128xi32, #tpu.memory_space<hbm>>
        %dma_start3A_43 = arith.constant 0 : i32
        %dma_start3A_44 = tpu.memref_slice %dma_start3A_42[%add3A, %dma_start3A_43] : memref<158x128xi32, #tpu.memory_space<hbm>> -> memref<1x128xi32, #tpu.memory_space<hbm>>
        %dma_start3A_45 = tpu.memref_squeeze %dma_start3A_44 : memref<1x128xi32, #tpu.memory_space<hbm>> -> memref<128xi32, #tpu.memory_space<hbm>>
        %dma_start3A_46 = arith.constant 0 : i32
        %dma_start3A_47 = arith.constant 0 : i32
        %dma_start3A_48 = tpu.memref_slice %arg4[%arg1, %dma_start3A_46, %dma_start3A_47] : memref<16x158x128xi32, #tpu.memory_space<hbm>> -> memref<1x158x128xi32, #tpu.memory_space<hbm>>
        %dma_start3A_49 = tpu.memref_squeeze %dma_start3A_48 : memref<1x158x128xi32, #tpu.memory_space<hbm>> -> memref<158x128xi32, #tpu.memory_space<hbm>>
        %dma_start3A_50 = arith.constant 0 : i32
        %dma_start3A_51 = tpu.memref_slice %dma_start3A_49[%add3A, %dma_start3A_50] : memref<158x128xi32, #tpu.memory_space<hbm>> -> memref<1x128xi32, #tpu.memory_space<hbm>>
        %dma_start3A_52 = tpu.memref_squeeze %dma_start3A_51 : memref<1x128xi32, #tpu.memory_space<hbm>> -> memref<128xi32, #tpu.memory_space<hbm>>
        tpu.enqueue_dma source(%dma_start3A_52 : memref<128xi32, #tpu.memory_space<hbm>>) target(%arg8 : memref<128xi32, #tpu.memory_space<vmem>>) target_semaphore(%run_scoped3A : memref<!tpu.dma_semaphore, #tpu.memory_space<semaphore_mem>>)
        %dma_wait3A_53 = arith.constant 0 : i32
        %dma_wait3A_54 = arith.constant 0 : i32
        %dma_wait3A_55 = tpu.memref_slice %arg4[%arg1, %dma_wait3A_53, %dma_wait3A_54] : memref<16x158x128xi32, #tpu.memory_space<hbm>> -> memref<1x158x128xi32, #tpu.memory_space<hbm>>
        %dma_wait3A_56 = tpu.memref_squeeze %dma_wait3A_55 : memref<1x158x128xi32, #tpu.memory_space<hbm>> -> memref<158x128xi32, #tpu.memory_space<hbm>>
        %dma_wait3A_57 = arith.constant 0 : i32
        %dma_wait3A_58 = tpu.memref_slice %dma_wait3A_56[%add3A, %dma_wait3A_57] : memref<158x128xi32, #tpu.memory_space<hbm>> -> memref<1x128xi32, #tpu.memory_space<hbm>>
        %dma_wait3A_59 = tpu.memref_squeeze %dma_wait3A_58 : memref<1x128xi32, #tpu.memory_space<hbm>> -> memref<128xi32, #tpu.memory_space<hbm>>
        %dma_wait3A_60 = arith.constant 0 : i32
        %dma_wait3A_61 = arith.constant 0 : i32
        %dma_wait3A_62 = tpu.memref_slice %arg4[%arg1, %dma_wait3A_60, %dma_wait3A_61] : memref<16x158x128xi32, #tpu.memory_space<hbm>> -> memref<1x158x128xi32, #tpu.memory_space<hbm>>
        %dma_wait3A_63 = tpu.memref_squeeze %dma_wait3A_62 : memref<1x158x128xi32, #tpu.memory_space<hbm>> -> memref<158x128xi32, #tpu.memory_space<hbm>>
        %dma_wait3A_64 = arith.constant 0 : i32
        %dma_wait3A_65 = tpu.memref_slice %dma_wait3A_63[%add3A, %dma_wait3A_64] : memref<158x128xi32, #tpu.memory_space<hbm>> -> memref<1x128xi32, #tpu.memory_space<hbm>>
        %dma_wait3A_66 = tpu.memref_squeeze %dma_wait3A_65 : memref<1x128xi32, #tpu.memory_space<hbm>> -> memref<128xi32, #tpu.memory_space<hbm>>
        tpu.wait_dma2 semaphore(%run_scoped3A : memref<!tpu.dma_semaphore, #tpu.memory_space<semaphore_mem>>) src(%dma_wait3A_66 : memref<128xi32, #tpu.memory_space<hbm>>) dst(%arg8 : memref<128xi32, #tpu.memory_space<vmem>>)
        tpu.yield
      }) : () -> ()
      %dma_start3A = arith.constant 0 : i32
      %dma_start3A_27 = arith.constant 0 : i32
      %dma_start3A_28 = tpu.memref_slice %arg2[%arg0, %dma_start3A, %dma_start3A_27] : memref<2x10000x128xf32, #tpu.memory_space<hbm>> -> memref<1x10000x128xf32, #tpu.memory_space<hbm>>
      %dma_start3A_29 = tpu.memref_squeeze %dma_start3A_28 : memref<1x10000x128xf32, #tpu.memory_space<hbm>> -> memref<10000x128xf32, #tpu.memory_space<hbm>>
      %dma_start3A_30 = arith.constant 0 : i32
      %dma_start3A_31 = arith.constant 0 : i32
      %dma_start3A_32 = tpu.memref_slice %dma_start3A_29[%dma_start3A_30, %dma_start3A_31] : memref<10000x128xf32, #tpu.memory_space<hbm>> -> memref<10000x128xf32, #tpu.memory_space<hbm>>
      tpu.enqueue_indirect_dma source(%dma_start3A_32 : memref<10000x128xf32, #tpu.memory_space<hbm>>) target(%arg9 : memref<128x128xf32, #tpu.memory_space<vmem>>) offsets(%arg7 : memref<128xi32, #tpu.memory_space<vmem>>) semaphore(%arg10 : memref<!tpu.dma_semaphore, #tpu.memory_space<semaphore_mem>>)
      %dma_wait3A = arith.constant 0 : i32
      %dma_wait3A_33 = arith.constant 0 : i32
      %dma_wait3A_34 = tpu.memref_slice %arg2[%arg0, %dma_wait3A, %dma_wait3A_33] : memref<2x10000x128xf32, #tpu.memory_space<hbm>> -> memref<1x10000x128xf32, #tpu.memory_space<hbm>>
      %dma_wait3A_35 = tpu.memref_squeeze %dma_wait3A_34 : memref<1x10000x128xf32, #tpu.memory_space<hbm>> -> memref<10000x128xf32, #tpu.memory_space<hbm>>
      %dma_wait3A_36 = arith.constant 0 : i32
      %dma_wait3A_37 = arith.constant 0 : i32
      %dma_wait3A_38 = tpu.memref_slice %dma_wait3A_35[%dma_wait3A_36, %dma_wait3A_37] : memref<10000x128xf32, #tpu.memory_space<hbm>> -> memref<10000x128xf32, #tpu.memory_space<hbm>>
      tpu.wait_indirect_dma semaphore(%arg10 : memref<!tpu.dma_semaphore, #tpu.memory_space<semaphore_mem>>) src(%dma_wait3A_38 : memref<10000x128xf32, #tpu.memory_space<hbm>>) dst(%arg9 : memref<128x128xf32, #tpu.memory_space<vmem>>)
      "tpu.region"() ({
        %run_scoped3A = tpu.sem_alloc : memref<!tpu.dma_semaphore, #tpu.memory_space<semaphore_mem>>
        %dma_start3A_39 = arith.constant 0 : i32
        %dma_start3A_40 = arith.constant 0 : i32
        %dma_start3A_41 = tpu.memref_slice %arg6[%dma_start3A_39, %dma_start3A_40] : memref<10016x128xf32, #tpu.memory_space<vmem_shared>> -> memref<10016x128xf32, #tpu.memory_space<vmem_shared>>
        tpu.enqueue_indirect_dma source(%arg9 : memref<128x128xf32, #tpu.memory_space<vmem>>) target(%dma_start3A_41 : memref<10016x128xf32, #tpu.memory_space<vmem_shared>>) offsets(%arg8 : memref<128xi32, #tpu.memory_space<vmem>>) semaphore(%run_scoped3A : memref<!tpu.dma_semaphore, #tpu.memory_space<semaphore_mem>>) {add = true}
        %dma_wait3A_42 = arith.constant 0 : i32
        %dma_wait3A_43 = arith.constant 0 : i32
        %dma_wait3A_44 = tpu.memref_slice %arg6[%dma_wait3A_42, %dma_wait3A_43] : memref<10016x128xf32, #tpu.memory_space<vmem_shared>> -> memref<10016x128xf32, #tpu.memory_space<vmem_shared>>
        tpu.wait_indirect_dma semaphore(%run_scoped3A : memref<!tpu.dma_semaphore, #tpu.memory_space<semaphore_mem>>) src(%arg9 : memref<128x128xf32, #tpu.memory_space<vmem>>) dst(%dma_wait3A_44 : memref<10016x128xf32, #tpu.memory_space<vmem_shared>>)
        tpu.yield
      }) : () -> ()
    }
    %barrier3A_20 = arith.constant 0 : index
    tpu.barrier barrier_id(%barrier3A_20)
    "tpu.region"() ({
      %run_scoped3A = tpu.sem_alloc : memref<!tpu.dma_semaphore, #tpu.memory_space<semaphore_mem>>
      %dma_start3A = arith.constant 0 : i32
      %dma_start3A_26 = arith.constant 0 : i32
      %dma_start3A_27 = tpu.memref_slice %arg5[%arg0, %dma_start3A, %dma_start3A_26] : memref<2x10000x128xf32, #tpu.memory_space<hbm>> -> memref<1x10000x128xf32, #tpu.memory_space<hbm>>
      %dma_start3A_28 = tpu.memref_squeeze %dma_start3A_27 : memref<1x10000x128xf32, #tpu.memory_space<hbm>> -> memref<10000x128xf32, #tpu.memory_space<hbm>>
      %dma_start3A_29 = arith.constant 0 : i32
      %dma_start3A_30 = tpu.memref_slice %dma_start3A_28[%mul3A_7, %dma_start3A_29] : memref<10000x128xf32, #tpu.memory_space<hbm>> -> memref<624x128xf32, #tpu.memory_space<hbm>>
      %dma_start3A_31 = arith.constant 0 : i32
      %dma_start3A_32 = tpu.memref_slice %arg6[%mul3A_7, %dma_start3A_31] : memref<10016x128xf32, #tpu.memory_space<vmem_shared>> -> memref<624x128xf32, #tpu.memory_space<vmem_shared>>
      tpu.enqueue_dma source(%dma_start3A_32 : memref<624x128xf32, #tpu.memory_space<vmem_shared>>) target(%dma_start3A_30 : memref<624x128xf32, #tpu.memory_space<hbm>>) target_semaphore(%run_scoped3A : memref<!tpu.dma_semaphore, #tpu.memory_space<semaphore_mem>>)
      %dma_wait3A = arith.constant 0 : i32
      %dma_wait3A_33 = arith.constant 0 : i32
      %dma_wait3A_34 = tpu.memref_slice %arg5[%arg0, %dma_wait3A, %dma_wait3A_33] : memref<2x10000x128xf32, #tpu.memory_space<hbm>> -> memref<1x10000x128xf32, #tpu.memory_space<hbm>>
      %dma_wait3A_35 = tpu.memref_squeeze %dma_wait3A_34 : memref<1x10000x128xf32, #tpu.memory_space<hbm>> -> memref<10000x128xf32, #tpu.memory_space<hbm>>
      %dma_wait3A_36 = arith.constant 0 : i32
      %dma_wait3A_37 = tpu.memref_slice %dma_wait3A_35[%mul3A_7, %dma_wait3A_36] : memref<10000x128xf32, #tpu.memory_space<hbm>> -> memref<624x128xf32, #tpu.memory_space<hbm>>
      %dma_wait3A_38 = arith.constant 0 : i32
      %dma_wait3A_39 = tpu.memref_slice %arg6[%mul3A_7, %dma_wait3A_38] : memref<10016x128xf32, #tpu.memory_space<vmem_shared>> -> memref<624x128xf32, #tpu.memory_space<vmem_shared>>
      tpu.wait_dma2 semaphore(%run_scoped3A : memref<!tpu.dma_semaphore, #tpu.memory_space<semaphore_mem>>) src(%dma_wait3A_39 : memref<624x128xf32, #tpu.memory_space<vmem_shared>>) dst(%dma_wait3A_37 : memref<624x128xf32, #tpu.memory_space<hbm>>)
      tpu.yield
    }) : () -> ()
    %eq3A_21 = arith.constant 15 : i32
    %eq3A_22 = arith.cmpi eq, %arg1, %eq3A_21 : i32
    %convert_element_type3A_23 = arith.extui %eq3A_22 : i1 to i32
    %cond3A_24 = arith.constant 0 : i32
    %cond3A_25 = arith.cmpi ne, %convert_element_type3A_23, %cond3A_24 : i32
    scf.if %cond3A_25 {
      "tpu.region"() ({
        %run_scoped3A = tpu.sem_alloc : memref<!tpu.dma_semaphore, #tpu.memory_space<semaphore_mem>>
        %dma_start3A = arith.constant 0 : i32
        %dma_start3A_26 = arith.constant 0 : i32
        %dma_start3A_27 = tpu.memref_slice %arg5[%arg0, %dma_start3A, %dma_start3A_26] : memref<2x10000x128xf32, #tpu.memory_space<hbm>> -> memref<1x10000x128xf32, #tpu.memory_space<hbm>>
        %dma_start3A_28 = tpu.memref_squeeze %dma_start3A_27 : memref<1x10000x128xf32, #tpu.memory_space<hbm>> -> memref<10000x128xf32, #tpu.memory_space<hbm>>
        %dma_start3A_29 = arith.constant 9984 : i32
        %dma_start3A_30 = arith.constant 0 : i32
        %dma_start3A_31 = tpu.memref_slice %dma_start3A_28[%dma_start3A_29, %dma_start3A_30] : memref<10000x128xf32, #tpu.memory_space<hbm>> -> memref<16x128xf32, #tpu.memory_space<hbm>>
        %dma_start3A_32 = arith.constant 9984 : i32
        %dma_start3A_33 = arith.constant 0 : i32
        %dma_start3A_34 = tpu.memref_slice %arg6[%dma_start3A_32, %dma_start3A_33] : memref<10016x128xf32, #tpu.memory_space<vmem_shared>> -> memref<16x128xf32, #tpu.memory_space<vmem_shared>>
        tpu.enqueue_dma source(%dma_start3A_34 : memref<16x128xf32, #tpu.memory_space<vmem_shared>>) target(%dma_start3A_31 : memref<16x128xf32, #tpu.memory_space<hbm>>) target_semaphore(%run_scoped3A : memref<!tpu.dma_semaphore, #tpu.memory_space<semaphore_mem>>)
        %dma_wait3A = arith.constant 0 : i32
        %dma_wait3A_35 = arith.constant 0 : i32
        %dma_wait3A_36 = tpu.memref_slice %arg5[%arg0, %dma_wait3A, %dma_wait3A_35] : memref<2x10000x128xf32, #tpu.memory_space<hbm>> -> memref<1x10000x128xf32, #tpu.memory_space<hbm>>
        %dma_wait3A_37 = tpu.memref_squeeze %dma_wait3A_36 : memref<1x10000x128xf32, #tpu.memory_space<hbm>> -> memref<10000x128xf32, #tpu.memory_space<hbm>>
        %dma_wait3A_38 = arith.constant 9984 : i32
        %dma_wait3A_39 = arith.constant 0 : i32
        %dma_wait3A_40 = tpu.memref_slice %dma_wait3A_37[%dma_wait3A_38, %dma_wait3A_39] : memref<10000x128xf32, #tpu.memory_space<hbm>> -> memref<16x128xf32, #tpu.memory_space<hbm>>
        %dma_wait3A_41 = arith.constant 9984 : i32
        %dma_wait3A_42 = arith.constant 0 : i32
        %dma_wait3A_43 = tpu.memref_slice %arg6[%dma_wait3A_41, %dma_wait3A_42] : memref<10016x128xf32, #tpu.memory_space<vmem_shared>> -> memref<16x128xf32, #tpu.memory_space<vmem_shared>>
        tpu.wait_dma2 semaphore(%run_scoped3A : memref<!tpu.dma_semaphore, #tpu.memory_space<semaphore_mem>>) src(%dma_wait3A_43 : memref<16x128xf32, #tpu.memory_space<vmem_shared>>) dst(%dma_wait3A_40 : memref<16x128xf32, #tpu.memory_space<hbm>>)
        tpu.yield
      }) : () -> ()
    } else {
    }
    return
  }
}

#map = affine_map<(d0, d1) -> (0, 0)>
#map1 = affine_map<(d0, d1) -> (0, 0, 0)>
module attributes {stable_mosaic.version = 14 : i64} {
  func.func @k(%arg0: i32, %arg1: i32, %arg2: memref<32x10112xi32, #tpu.memory_space<hbm>>, %arg3: memref<2x16x10112xf32, #tpu.memory_space<hbm>>, %arg4: memref<4x10112xf32, #tpu.memory_space<vmem>>, %arg5: memref<10112xi32, #tpu.memory_space<vmem>>) attributes {dimension_semantics = [#tpu.dimension_semantics<core_parallel>, #tpu.dimension_semantics<subcore_parallel>], iteration_bounds = array<i64: 2, 16>, scalar_prefetch = 0 : i64, scratch_operands = 2 : i64, tpu.core_type = #tpu.core_type<sc_vector_subcore>, window_params = [{transform_indices = #map}, {transform_indices = #map1}]} {
    %mul3A = arith.constant 2 : i32
    %mul3A_0 = arith.muli %arg1, %mul3A : i32
    %add3A = arith.addi %mul3A_0, %arg0 : i32
    %scan3A = arith.constant 0 : i32
    %scan3A_1 = arith.constant 0 : i32
    %scan3A_2 = arith.constant 632 : i32
    %scan3A_3 = arith.addi %scan3A_1, %scan3A_2 : i32
    %scan3A_4 = arith.constant 1 : i32
    scf.for %scan3A_34 = %scan3A_1 to %scan3A_3 step %scan3A_4  : i32 {
      %broadcast_in_dim3A_35 = arith.constant 0.000000e+00 : f32
      %broadcast_in_dim3A_36 = vector.broadcast %broadcast_in_dim3A_35 : f32 to vector<16xf32>
      %mul3A_37 = arith.constant 16 : i32
      %mul3A_38 = arith.muli %scan3A_34, %mul3A_37 : i32
      %swap3A = arith.constant 0 : i32
      %swap3A_39 = arith.index_cast %swap3A : i32 to index
      %swap3A_40 = arith.index_cast %mul3A_38 : i32 to index
      %swap3A_41 = tpu.vector_load %arg4[%swap3A_39, %swap3A_40] {strides = array<i32>} : memref<4x10112xf32, #tpu.memory_space<vmem>>, vector<16xf32>,
      tpu.vector_store %arg4[%swap3A_39, %swap3A_40], %broadcast_in_dim3A_36 {strides = array<i32>} : memref<4x10112xf32, #tpu.memory_space<vmem>>, vector<16xf32>,
      %mul3A_42 = arith.constant 16 : i32
      %mul3A_43 = arith.muli %scan3A_34, %mul3A_42 : i32
      %swap3A_44 = arith.constant 1 : i32
      %swap3A_45 = arith.index_cast %swap3A_44 : i32 to index
      %swap3A_46 = arith.index_cast %mul3A_43 : i32 to index
      %swap3A_47 = tpu.vector_load %arg4[%swap3A_45, %swap3A_46] {strides = array<i32>} : memref<4x10112xf32, #tpu.memory_space<vmem>>, vector<16xf32>,
      tpu.vector_store %arg4[%swap3A_45, %swap3A_46], %broadcast_in_dim3A_36 {strides = array<i32>} : memref<4x10112xf32, #tpu.memory_space<vmem>>, vector<16xf32>,
      %mul3A_48 = arith.constant 16 : i32
      %mul3A_49 = arith.muli %scan3A_34, %mul3A_48 : i32
      %swap3A_50 = arith.constant 2 : i32
      %swap3A_51 = arith.index_cast %swap3A_50 : i32 to index
      %swap3A_52 = arith.index_cast %mul3A_49 : i32 to index
      %swap3A_53 = tpu.vector_load %arg4[%swap3A_51, %swap3A_52] {strides = array<i32>} : memref<4x10112xf32, #tpu.memory_space<vmem>>, vector<16xf32>,
      tpu.vector_store %arg4[%swap3A_51, %swap3A_52], %broadcast_in_dim3A_36 {strides = array<i32>} : memref<4x10112xf32, #tpu.memory_space<vmem>>, vector<16xf32>,
      %mul3A_54 = arith.constant 16 : i32
      %mul3A_55 = arith.muli %scan3A_34, %mul3A_54 : i32
      %swap3A_56 = arith.constant 3 : i32
      %swap3A_57 = arith.index_cast %swap3A_56 : i32 to index
      %swap3A_58 = arith.index_cast %mul3A_55 : i32 to index
      %swap3A_59 = tpu.vector_load %arg4[%swap3A_57, %swap3A_58] {strides = array<i32>} : memref<4x10112xf32, #tpu.memory_space<vmem>>, vector<16xf32>,
      tpu.vector_store %arg4[%swap3A_57, %swap3A_58], %broadcast_in_dim3A_36 {strides = array<i32>} : memref<4x10112xf32, #tpu.memory_space<vmem>>, vector<16xf32>,
    }
    %scan3A_5 = arith.constant 632 : i32
    "tpu.region"() ({
      %run_scoped3A_34 = tpu.sem_alloc : memref<!tpu.dma_semaphore, #tpu.memory_space<semaphore_mem>>
      %dma_start3A = arith.constant 0 : i32
      %dma_start3A_35 = tpu.memref_slice %arg2[%add3A, %dma_start3A] : memref<32x10112xi32, #tpu.memory_space<hbm>> -> memref<1x10112xi32, #tpu.memory_space<hbm>>
      %dma_start3A_36 = tpu.memref_squeeze %dma_start3A_35 : memref<1x10112xi32, #tpu.memory_space<hbm>> -> memref<10112xi32, #tpu.memory_space<hbm>>
      %dma_start3A_37 = arith.constant 0 : i32
      %dma_start3A_38 = tpu.memref_slice %arg2[%add3A, %dma_start3A_37] : memref<32x10112xi32, #tpu.memory_space<hbm>> -> memref<1x10112xi32, #tpu.memory_space<hbm>>
      %dma_start3A_39 = tpu.memref_squeeze %dma_start3A_38 : memref<1x10112xi32, #tpu.memory_space<hbm>> -> memref<10112xi32, #tpu.memory_space<hbm>>
      tpu.enqueue_dma source(%dma_start3A_39 : memref<10112xi32, #tpu.memory_space<hbm>>) target(%arg5 : memref<10112xi32, #tpu.memory_space<vmem>>) target_semaphore(%run_scoped3A_34 : memref<!tpu.dma_semaphore, #tpu.memory_space<semaphore_mem>>)
      %dma_wait3A = arith.constant 0 : i32
      %dma_wait3A_40 = tpu.memref_slice %arg2[%add3A, %dma_wait3A] : memref<32x10112xi32, #tpu.memory_space<hbm>> -> memref<1x10112xi32, #tpu.memory_space<hbm>>
      %dma_wait3A_41 = tpu.memref_squeeze %dma_wait3A_40 : memref<1x10112xi32, #tpu.memory_space<hbm>> -> memref<10112xi32, #tpu.memory_space<hbm>>
      %dma_wait3A_42 = arith.constant 0 : i32
      %dma_wait3A_43 = tpu.memref_slice %arg2[%add3A, %dma_wait3A_42] : memref<32x10112xi32, #tpu.memory_space<hbm>> -> memref<1x10112xi32, #tpu.memory_space<hbm>>
      %dma_wait3A_44 = tpu.memref_squeeze %dma_wait3A_43 : memref<1x10112xi32, #tpu.memory_space<hbm>> -> memref<10112xi32, #tpu.memory_space<hbm>>
      tpu.wait_dma2 semaphore(%run_scoped3A_34 : memref<!tpu.dma_semaphore, #tpu.memory_space<semaphore_mem>>) src(%dma_wait3A_44 : memref<10112xi32, #tpu.memory_space<hbm>>) dst(%arg5 : memref<10112xi32, #tpu.memory_space<vmem>>)
      tpu.yield
    }) : () -> ()
    %iota3A = tpu.iota {dimensions = array<i32: 0>} : vector<16xi32>
    %and3A = arith.constant 3 : i32
    %and3A_6 = vector.broadcast %and3A : i32 to vector<16xi32>
    %and3A_7 = arith.andi %iota3A, %and3A_6 : vector<16xi32>
    %shift_right_logical3A = arith.constant 2 : i32
    %shift_right_logical3A_8 = vector.broadcast %shift_right_logical3A : i32 to vector<16xi32>
    %shift_right_logical3A_9 = arith.shrui %iota3A, %shift_right_logical3A_8 : vector<16xi32>
    %broadcast_in_dim3A = arith.constant 1.000000e+00 : f32
    %broadcast_in_dim3A_10 = vector.broadcast %broadcast_in_dim3A : f32 to vector<16xf32>
    %broadcast_in_dim3A_11 = arith.constant 0 : i32
    %broadcast_in_dim3A_12 = vector.broadcast %broadcast_in_dim3A_11 : i32 to vector<16xi32>
    %eq3A = arith.cmpi eq, %shift_right_logical3A_9, %broadcast_in_dim3A_12 : vector<16xi32>
    %broadcast_in_dim3A_13 = arith.constant 1 : i32
    %broadcast_in_dim3A_14 = vector.broadcast %broadcast_in_dim3A_13 : i32 to vector<16xi32>
    %eq3A_15 = arith.cmpi eq, %shift_right_logical3A_9, %broadcast_in_dim3A_14 : vector<16xi32>
    %broadcast_in_dim3A_16 = arith.constant 2 : i32
    %broadcast_in_dim3A_17 = vector.broadcast %broadcast_in_dim3A_16 : i32 to vector<16xi32>
    %eq3A_18 = arith.cmpi eq, %shift_right_logical3A_9, %broadcast_in_dim3A_17 : vector<16xi32>
    %broadcast_in_dim3A_19 = arith.constant 3 : i32
    %broadcast_in_dim3A_20 = vector.broadcast %broadcast_in_dim3A_19 : i32 to vector<16xi32>
    %eq3A_21 = arith.cmpi eq, %shift_right_logical3A_9, %broadcast_in_dim3A_20 : vector<16xi32>
    %scan3A_22 = arith.constant 0 : i32
    %scan3A_23 = arith.constant 0 : i32
    %scan3A_24 = arith.constant 632 : i32
    %scan3A_25 = arith.addi %scan3A_23, %scan3A_24 : i32
    %scan3A_26 = arith.constant 1 : i32
    scf.for %scan3A_34 = %scan3A_23 to %scan3A_25 step %scan3A_26  : i32 {
      %mul3A_35 = arith.constant 16 : i32
      %mul3A_36 = arith.muli %scan3A_34, %mul3A_35 : i32
      %get3A = arith.index_cast %mul3A_36 : i32 to index
      %get3A_37 = tpu.vector_load %arg5[%get3A] {strides = array<i32>} : memref<10112xi32, #tpu.memory_space<vmem>>, vector<16xi32>,
      tpu.vector_store_idx %arg4[%and3A_7, %get3A_37], %broadcast_in_dim3A_10 masked %eq3A {add = true} : memref<4x10112xf32, #tpu.memory_space<vmem>>[vector<16xi32>, vector<16xi32>], vector<16xf32>, vector<16xi1>
      tpu.vector_store_idx %arg4[%and3A_7, %get3A_37], %broadcast_in_dim3A_10 masked %eq3A_15 {add = true} : memref<4x10112xf32, #tpu.memory_space<vmem>>[vector<16xi32>, vector<16xi32>], vector<16xf32>, vector<16xi1>
      tpu.vector_store_idx %arg4[%and3A_7, %get3A_37], %broadcast_in_dim3A_10 masked %eq3A_18 {add = true} : memref<4x10112xf32, #tpu.memory_space<vmem>>[vector<16xi32>, vector<16xi32>], vector<16xf32>, vector<16xi1>
      tpu.vector_store_idx %arg4[%and3A_7, %get3A_37], %broadcast_in_dim3A_10 masked %eq3A_21 {add = true} : memref<4x10112xf32, #tpu.memory_space<vmem>>[vector<16xi32>, vector<16xi32>], vector<16xf32>, vector<16xi1>
    }
    %scan3A_27 = arith.constant 632 : i32
    %scan3A_28 = arith.constant 0 : i32
    %scan3A_29 = arith.constant 0 : i32
    %scan3A_30 = arith.constant 632 : i32
    %scan3A_31 = arith.addi %scan3A_29, %scan3A_30 : i32
    %scan3A_32 = arith.constant 1 : i32
    scf.for %scan3A_34 = %scan3A_29 to %scan3A_31 step %scan3A_32  : i32 {
      %mul3A_35 = arith.constant 16 : i32
      %mul3A_36 = arith.muli %scan3A_34, %mul3A_35 : i32
      %get3A = arith.constant 0 : i32
      %get3A_37 = arith.index_cast %get3A : i32 to index
      %get3A_38 = arith.index_cast %mul3A_36 : i32 to index
      %get3A_39 = tpu.vector_load %arg4[%get3A_37, %get3A_38] {strides = array<i32>} : memref<4x10112xf32, #tpu.memory_space<vmem>>, vector<16xf32>,
      %get3A_40 = arith.constant 1 : i32
      %get3A_41 = arith.index_cast %get3A_40 : i32 to index
      %get3A_42 = arith.index_cast %mul3A_36 : i32 to index
      %get3A_43 = tpu.vector_load %arg4[%get3A_41, %get3A_42] {strides = array<i32>} : memref<4x10112xf32, #tpu.memory_space<vmem>>, vector<16xf32>,
      %add3A_44 = arith.addf %get3A_39, %get3A_43 : vector<16xf32>
      %get3A_45 = arith.constant 2 : i32
      %get3A_46 = arith.index_cast %get3A_45 : i32 to index
      %get3A_47 = arith.index_cast %mul3A_36 : i32 to index
      %get3A_48 = tpu.vector_load %arg4[%get3A_46, %get3A_47] {strides = array<i32>} : memref<4x10112xf32, #tpu.memory_space<vmem>>, vector<16xf32>,
      %get3A_49 = arith.constant 3 : i32
      %get3A_50 = arith.index_cast %get3A_49 : i32 to index
      %get3A_51 = arith.index_cast %mul3A_36 : i32 to index
      %get3A_52 = tpu.vector_load %arg4[%get3A_50, %get3A_51] {strides = array<i32>} : memref<4x10112xf32, #tpu.memory_space<vmem>>, vector<16xf32>,
      %add3A_53 = arith.addf %get3A_48, %get3A_52 : vector<16xf32>
      %add3A_54 = arith.addf %add3A_44, %add3A_53 : vector<16xf32>
      %swap3A = arith.constant 0 : i32
      %swap3A_55 = arith.index_cast %swap3A : i32 to index
      %swap3A_56 = arith.index_cast %mul3A_36 : i32 to index
      %swap3A_57 = tpu.vector_load %arg4[%swap3A_55, %swap3A_56] {strides = array<i32>} : memref<4x10112xf32, #tpu.memory_space<vmem>>, vector<16xf32>,
      tpu.vector_store %arg4[%swap3A_55, %swap3A_56], %add3A_54 {strides = array<i32>} : memref<4x10112xf32, #tpu.memory_space<vmem>>, vector<16xf32>,
    }
    %scan3A_33 = arith.constant 632 : i32
    %run_scoped3A = arith.constant 0 : i32
    "tpu.region"() ({
      %run_scoped3A_34 = tpu.sem_alloc : memref<!tpu.dma_semaphore, #tpu.memory_space<semaphore_mem>>
      %dma_start3A = arith.constant 0 : i32
      %dma_start3A_35 = tpu.memref_slice %arg4[%run_scoped3A, %dma_start3A] : memref<4x10112xf32, #tpu.memory_space<vmem>> -> memref<1x10112xf32, #tpu.memory_space<vmem>>
      %dma_start3A_36 = tpu.memref_squeeze %dma_start3A_35 : memref<1x10112xf32, #tpu.memory_space<vmem>> -> memref<10112xf32, #tpu.memory_space<vmem>>
      %dma_start3A_37 = arith.constant 0 : i32
      %dma_start3A_38 = arith.constant 0 : i32
      %dma_start3A_39 = tpu.memref_slice %arg3[%arg0, %dma_start3A_37, %dma_start3A_38] : memref<2x16x10112xf32, #tpu.memory_space<hbm>> -> memref<1x16x10112xf32, #tpu.memory_space<hbm>>
      %dma_start3A_40 = tpu.memref_squeeze %dma_start3A_39 : memref<1x16x10112xf32, #tpu.memory_space<hbm>> -> memref<16x10112xf32, #tpu.memory_space<hbm>>
      %dma_start3A_41 = arith.constant 0 : i32
      %dma_start3A_42 = tpu.memref_slice %dma_start3A_40[%arg1, %dma_start3A_41] : memref<16x10112xf32, #tpu.memory_space<hbm>> -> memref<1x10112xf32, #tpu.memory_space<hbm>>
      %dma_start3A_43 = tpu.memref_squeeze %dma_start3A_42 : memref<1x10112xf32, #tpu.memory_space<hbm>> -> memref<10112xf32, #tpu.memory_space<hbm>>
      %dma_start3A_44 = arith.constant 0 : i32
      %dma_start3A_45 = arith.constant 0 : i32
      %dma_start3A_46 = tpu.memref_slice %arg3[%arg0, %dma_start3A_44, %dma_start3A_45] : memref<2x16x10112xf32, #tpu.memory_space<hbm>> -> memref<1x16x10112xf32, #tpu.memory_space<hbm>>
      %dma_start3A_47 = tpu.memref_squeeze %dma_start3A_46 : memref<1x16x10112xf32, #tpu.memory_space<hbm>> -> memref<16x10112xf32, #tpu.memory_space<hbm>>
      %dma_start3A_48 = arith.constant 0 : i32
      %dma_start3A_49 = tpu.memref_slice %dma_start3A_47[%arg1, %dma_start3A_48] : memref<16x10112xf32, #tpu.memory_space<hbm>> -> memref<1x10112xf32, #tpu.memory_space<hbm>>
      %dma_start3A_50 = tpu.memref_squeeze %dma_start3A_49 : memref<1x10112xf32, #tpu.memory_space<hbm>> -> memref<10112xf32, #tpu.memory_space<hbm>>
      %dma_start3A_51 = arith.constant 0 : i32
      %dma_start3A_52 = tpu.memref_slice %arg4[%run_scoped3A, %dma_start3A_51] : memref<4x10112xf32, #tpu.memory_space<vmem>> -> memref<1x10112xf32, #tpu.memory_space<vmem>>
      %dma_start3A_53 = tpu.memref_squeeze %dma_start3A_52 : memref<1x10112xf32, #tpu.memory_space<vmem>> -> memref<10112xf32, #tpu.memory_space<vmem>>
      tpu.enqueue_dma source(%dma_start3A_53 : memref<10112xf32, #tpu.memory_space<vmem>>) target(%dma_start3A_50 : memref<10112xf32, #tpu.memory_space<hbm>>) target_semaphore(%run_scoped3A_34 : memref<!tpu.dma_semaphore, #tpu.memory_space<semaphore_mem>>)
      %dma_wait3A = arith.constant 0 : i32
      %dma_wait3A_54 = tpu.memref_slice %arg4[%run_scoped3A, %dma_wait3A] : memref<4x10112xf32, #tpu.memory_space<vmem>> -> memref<1x10112xf32, #tpu.memory_space<vmem>>
      %dma_wait3A_55 = tpu.memref_squeeze %dma_wait3A_54 : memref<1x10112xf32, #tpu.memory_space<vmem>> -> memref<10112xf32, #tpu.memory_space<vmem>>
      %dma_wait3A_56 = arith.constant 0 : i32
      %dma_wait3A_57 = arith.constant 0 : i32
      %dma_wait3A_58 = tpu.memref_slice %arg3[%arg0, %dma_wait3A_56, %dma_wait3A_57] : memref<2x16x10112xf32, #tpu.memory_space<hbm>> -> memref<1x16x10112xf32, #tpu.memory_space<hbm>>
      %dma_wait3A_59 = tpu.memref_squeeze %dma_wait3A_58 : memref<1x16x10112xf32, #tpu.memory_space<hbm>> -> memref<16x10112xf32, #tpu.memory_space<hbm>>
      %dma_wait3A_60 = arith.constant 0 : i32
      %dma_wait3A_61 = tpu.memref_slice %dma_wait3A_59[%arg1, %dma_wait3A_60] : memref<16x10112xf32, #tpu.memory_space<hbm>> -> memref<1x10112xf32, #tpu.memory_space<hbm>>
      %dma_wait3A_62 = tpu.memref_squeeze %dma_wait3A_61 : memref<1x10112xf32, #tpu.memory_space<hbm>> -> memref<10112xf32, #tpu.memory_space<hbm>>
      %dma_wait3A_63 = arith.constant 0 : i32
      %dma_wait3A_64 = arith.constant 0 : i32
      %dma_wait3A_65 = tpu.memref_slice %arg3[%arg0, %dma_wait3A_63, %dma_wait3A_64] : memref<2x16x10112xf32, #tpu.memory_space<hbm>> -> memref<1x16x10112xf32, #tpu.memory_space<hbm>>
      %dma_wait3A_66 = tpu.memref_squeeze %dma_wait3A_65 : memref<1x16x10112xf32, #tpu.memory_space<hbm>> -> memref<16x10112xf32, #tpu.memory_space<hbm>>
      %dma_wait3A_67 = arith.constant 0 : i32
      %dma_wait3A_68 = tpu.memref_slice %dma_wait3A_66[%arg1, %dma_wait3A_67] : memref<16x10112xf32, #tpu.memory_space<hbm>> -> memref<1x10112xf32, #tpu.memory_space<hbm>>
      %dma_wait3A_69 = tpu.memref_squeeze %dma_wait3A_68 : memref<1x10112xf32, #tpu.memory_space<hbm>> -> memref<10112xf32, #tpu.memory_space<hbm>>
      %dma_wait3A_70 = arith.constant 0 : i32
      %dma_wait3A_71 = tpu.memref_slice %arg4[%run_scoped3A, %dma_wait3A_70] : memref<4x10112xf32, #tpu.memory_space<vmem>> -> memref<1x10112xf32, #tpu.memory_space<vmem>>
      %dma_wait3A_72 = tpu.memref_squeeze %dma_wait3A_71 : memref<1x10112xf32, #tpu.memory_space<vmem>> -> memref<10112xf32, #tpu.memory_space<vmem>>
      tpu.wait_dma2 semaphore(%run_scoped3A_34 : memref<!tpu.dma_semaphore, #tpu.memory_space<semaphore_mem>>) src(%dma_wait3A_72 : memref<10112xf32, #tpu.memory_space<vmem>>) dst(%dma_wait3A_69 : memref<10112xf32, #tpu.memory_space<hbm>>)
      tpu.yield
    }) : () -> ()
    return
  }
}

#map = affine_map<(d0, d1) -> (0, 0, 0)>
module attributes {stable_mosaic.version = 14 : i64} {
  func.func @k(%arg0: i32, %arg1: i32, %arg2: memref<2x10000x128xf32, #tpu.memory_space<hbm>>, %arg3: memref<16x158x128xi32, #tpu.memory_space<hbm>>, %arg4: memref<16x158x128xi32, #tpu.memory_space<hbm>>, %arg5: memref<2x10000x128xf32, #tpu.memory_space<hbm>>, %arg6: memref<10016x128xf32, #tpu.memory_space<vmem_shared>>, %arg7: memref<128xi32, #tpu.memory_space<vmem>>, %arg8: memref<128xi32, #tpu.memory_space<vmem>>, %arg9: memref<128x128xf32, #tpu.memory_space<vmem>>, %arg10: memref<!tpu.dma_semaphore, #tpu.memory_space<semaphore_mem>>) attributes {dimension_semantics = [#tpu.dimension_semantics<core_parallel>, #tpu.dimension_semantics<subcore_parallel>], iteration_bounds = array<i64: 2, 16>, scalar_prefetch = 0 : i64, scratch_operands = 5 : i64, tpu.core_type = #tpu.core_type<sc_vector_subcore>, window_params = [{transform_indices = #map}, {transform_indices = #map}, {transform_indices = #map}, {transform_indices = #map}]} {
    %mul3A = arith.constant 624 : i32
    %mul3A_0 = arith.muli %arg1, %mul3A : i32
    "tpu.region"() ({
      %run_scoped3A = tpu.sem_alloc : memref<!tpu.dma_semaphore, #tpu.memory_space<semaphore_mem>>
      %dma_start3A = arith.constant 0 : i32
      %dma_start3A_14 = tpu.memref_slice %arg6[%mul3A_0, %dma_start3A] : memref<10016x128xf32, #tpu.memory_space<vmem_shared>> -> memref<624x128xf32, #tpu.memory_space<vmem_shared>>
      %dma_start3A_15 = arith.constant 0 : i32
      %dma_start3A_16 = arith.constant 0 : i32
      %dma_start3A_17 = tpu.memref_slice %arg2[%arg0, %dma_start3A_15, %dma_start3A_16] : memref<2x10000x128xf32, #tpu.memory_space<hbm>> -> memref<1x10000x128xf32, #tpu.memory_space<hbm>>
      %dma_start3A_18 = tpu.memref_squeeze %dma_start3A_17 : memref<1x10000x128xf32, #tpu.memory_space<hbm>> -> memref<10000x128xf32, #tpu.memory_space<hbm>>
      %dma_start3A_19 = arith.constant 0 : i32
      %dma_start3A_20 = tpu.memref_slice %dma_start3A_18[%mul3A_0, %dma_start3A_19] : memref<10000x128xf32, #tpu.memory_space<hbm>> -> memref<624x128xf32, #tpu.memory_space<hbm>>
      tpu.enqueue_dma source(%dma_start3A_20 : memref<624x128xf32, #tpu.memory_space<hbm>>) target(%dma_start3A_14 : memref<624x128xf32, #tpu.memory_space<vmem_shared>>) target_semaphore(%run_scoped3A : memref<!tpu.dma_semaphore, #tpu.memory_space<semaphore_mem>>)
      %dma_wait3A = arith.constant 0 : i32
      %dma_wait3A_21 = tpu.memref_slice %arg6[%mul3A_0, %dma_wait3A] : memref<10016x128xf32, #tpu.memory_space<vmem_shared>> -> memref<624x128xf32, #tpu.memory_space<vmem_shared>>
      %dma_wait3A_22 = arith.constant 0 : i32
      %dma_wait3A_23 = arith.constant 0 : i32
      %dma_wait3A_24 = tpu.memref_slice %arg2[%arg0, %dma_wait3A_22, %dma_wait3A_23] : memref<2x10000x128xf32, #tpu.memory_space<hbm>> -> memref<1x10000x128xf32, #tpu.memory_space<hbm>>
      %dma_wait3A_25 = tpu.memref_squeeze %dma_wait3A_24 : memref<1x10000x128xf32, #tpu.memory_space<hbm>> -> memref<10000x128xf32, #tpu.memory_space<hbm>>
      %dma_wait3A_26 = arith.constant 0 : i32
      %dma_wait3A_27 = tpu.memref_slice %dma_wait3A_25[%mul3A_0, %dma_wait3A_26] : memref<10000x128xf32, #tpu.memory_space<hbm>> -> memref<624x128xf32, #tpu.memory_space<hbm>>
      tpu.wait_dma2 semaphore(%run_scoped3A : memref<!tpu.dma_semaphore, #tpu.memory_space<semaphore_mem>>) src(%dma_wait3A_27 : memref<624x128xf32, #tpu.memory_space<hbm>>) dst(%dma_wait3A_21 : memref<624x128xf32, #tpu.memory_space<vmem_shared>>)
      tpu.yield
    }) : () -> ()
    %eq3A = arith.constant 15 : i32
    %eq3A_1 = arith.cmpi eq, %arg1, %eq3A : i32
    %convert_element_type3A = arith.extui %eq3A_1 : i1 to i32
    %cond3A = arith.constant 0 : i32
    %cond3A_2 = arith.cmpi ne, %convert_element_type3A, %cond3A : i32
    scf.if %cond3A_2 {
      "tpu.region"() ({
        %run_scoped3A = tpu.sem_alloc : memref<!tpu.dma_semaphore, #tpu.memory_space<semaphore_mem>>
        %dma_start3A = arith.constant 9984 : i32
        %dma_start3A_14 = arith.constant 0 : i32
        %dma_start3A_15 = tpu.memref_slice %arg6[%dma_start3A, %dma_start3A_14] : memref<10016x128xf32, #tpu.memory_space<vmem_shared>> -> memref<16x128xf32, #tpu.memory_space<vmem_shared>>
        %dma_start3A_16 = arith.constant 0 : i32
        %dma_start3A_17 = arith.constant 0 : i32
        %dma_start3A_18 = tpu.memref_slice %arg2[%arg0, %dma_start3A_16, %dma_start3A_17] : memref<2x10000x128xf32, #tpu.memory_space<hbm>> -> memref<1x10000x128xf32, #tpu.memory_space<hbm>>
        %dma_start3A_19 = tpu.memref_squeeze %dma_start3A_18 : memref<1x10000x128xf32, #tpu.memory_space<hbm>> -> memref<10000x128xf32, #tpu.memory_space<hbm>>
        %dma_start3A_20 = arith.constant 9984 : i32
        %dma_start3A_21 = arith.constant 0 : i32
        %dma_start3A_22 = tpu.memref_slice %dma_start3A_19[%dma_start3A_20, %dma_start3A_21] : memref<10000x128xf32, #tpu.memory_space<hbm>> -> memref<16x128xf32, #tpu.memory_space<hbm>>
        tpu.enqueue_dma source(%dma_start3A_22 : memref<16x128xf32, #tpu.memory_space<hbm>>) target(%dma_start3A_15 : memref<16x128xf32, #tpu.memory_space<vmem_shared>>) target_semaphore(%run_scoped3A : memref<!tpu.dma_semaphore, #tpu.memory_space<semaphore_mem>>)
        %dma_wait3A = arith.constant 9984 : i32
        %dma_wait3A_23 = arith.constant 0 : i32
        %dma_wait3A_24 = tpu.memref_slice %arg6[%dma_wait3A, %dma_wait3A_23] : memref<10016x128xf32, #tpu.memory_space<vmem_shared>> -> memref<16x128xf32, #tpu.memory_space<vmem_shared>>
        %dma_wait3A_25 = arith.constant 0 : i32
        %dma_wait3A_26 = arith.constant 0 : i32
        %dma_wait3A_27 = tpu.memref_slice %arg2[%arg0, %dma_wait3A_25, %dma_wait3A_26] : memref<2x10000x128xf32, #tpu.memory_space<hbm>> -> memref<1x10000x128xf32, #tpu.memory_space<hbm>>
        %dma_wait3A_28 = tpu.memref_squeeze %dma_wait3A_27 : memref<1x10000x128xf32, #tpu.memory_space<hbm>> -> memref<10000x128xf32, #tpu.memory_space<hbm>>
        %dma_wait3A_29 = arith.constant 9984 : i32
        %dma_wait3A_30 = arith.constant 0 : i32
        %dma_wait3A_31 = tpu.memref_slice %dma_wait3A_28[%dma_wait3A_29, %dma_wait3A_30] : memref<10000x128xf32, #tpu.memory_space<hbm>> -> memref<16x128xf32, #tpu.memory_space<hbm>>
        tpu.wait_dma2 semaphore(%run_scoped3A : memref<!tpu.dma_semaphore, #tpu.memory_space<semaphore_mem>>) src(%dma_wait3A_31 : memref<16x128xf32, #tpu.memory_space<hbm>>) dst(%dma_wait3A_24 : memref<16x128xf32, #tpu.memory_space<vmem_shared>>)
        tpu.yield
      }) : () -> ()
    } else {
    }
    %barrier3A = arith.constant 0 : index
    tpu.barrier barrier_id(%barrier3A)
    %scan3A = arith.constant 0 : i32
    %scan3A_3 = arith.constant 0 : i32
    %scan3A_4 = arith.constant 158 : i32
    %scan3A_5 = arith.addi %scan3A_3, %scan3A_4 : i32
    %scan3A_6 = arith.constant 1 : i32
    scf.for %scan3A_14 = %scan3A_3 to %scan3A_5 step %scan3A_6  : i32 {
      %add3A = arith.constant 0 : i32
      %add3A_15 = arith.addi %add3A, %scan3A_14 : i32
      "tpu.region"() ({
        %run_scoped3A = tpu.sem_alloc : memref<!tpu.dma_semaphore, #tpu.memory_space<semaphore_mem>>
        %dma_start3A_28 = arith.constant 0 : i32
        %dma_start3A_29 = arith.constant 0 : i32
        %dma_start3A_30 = tpu.memref_slice %arg3[%arg1, %dma_start3A_28, %dma_start3A_29] : memref<16x158x128xi32, #tpu.memory_space<hbm>> -> memref<1x158x128xi32, #tpu.memory_space<hbm>>
        %dma_start3A_31 = tpu.memref_squeeze %dma_start3A_30 : memref<1x158x128xi32, #tpu.memory_space<hbm>> -> memref<158x128xi32, #tpu.memory_space<hbm>>
        %dma_start3A_32 = arith.constant 0 : i32
        %dma_start3A_33 = tpu.memref_slice %dma_start3A_31[%add3A_15, %dma_start3A_32] : memref<158x128xi32, #tpu.memory_space<hbm>> -> memref<1x128xi32, #tpu.memory_space<hbm>>
        %dma_start3A_34 = tpu.memref_squeeze %dma_start3A_33 : memref<1x128xi32, #tpu.memory_space<hbm>> -> memref<128xi32, #tpu.memory_space<hbm>>
        %dma_start3A_35 = arith.constant 0 : i32
        %dma_start3A_36 = arith.constant 0 : i32
        %dma_start3A_37 = tpu.memref_slice %arg3[%arg1, %dma_start3A_35, %dma_start3A_36] : memref<16x158x128xi32, #tpu.memory_space<hbm>> -> memref<1x158x128xi32, #tpu.memory_space<hbm>>
        %dma_start3A_38 = tpu.memref_squeeze %dma_start3A_37 : memref<1x158x128xi32, #tpu.memory_space<hbm>> -> memref<158x128xi32, #tpu.memory_space<hbm>>
        %dma_start3A_39 = arith.constant 0 : i32
        %dma_start3A_40 = tpu.memref_slice %dma_start3A_38[%add3A_15, %dma_start3A_39] : memref<158x128xi32, #tpu.memory_space<hbm>> -> memref<1x128xi32, #tpu.memory_space<hbm>>
        %dma_start3A_41 = tpu.memref_squeeze %dma_start3A_40 : memref<1x128xi32, #tpu.memory_space<hbm>> -> memref<128xi32, #tpu.memory_space<hbm>>
        tpu.enqueue_dma source(%dma_start3A_41 : memref<128xi32, #tpu.memory_space<hbm>>) target(%arg7 : memref<128xi32, #tpu.memory_space<vmem>>) target_semaphore(%run_scoped3A : memref<!tpu.dma_semaphore, #tpu.memory_space<semaphore_mem>>)
        %dma_wait3A_42 = arith.constant 0 : i32
        %dma_wait3A_43 = arith.constant 0 : i32
        %dma_wait3A_44 = tpu.memref_slice %arg3[%arg1, %dma_wait3A_42, %dma_wait3A_43] : memref<16x158x128xi32, #tpu.memory_space<hbm>> -> memref<1x158x128xi32, #tpu.memory_space<hbm>>
        %dma_wait3A_45 = tpu.memref_squeeze %dma_wait3A_44 : memref<1x158x128xi32, #tpu.memory_space<hbm>> -> memref<158x128xi32, #tpu.memory_space<hbm>>
        %dma_wait3A_46 = arith.constant 0 : i32
        %dma_wait3A_47 = tpu.memref_slice %dma_wait3A_45[%add3A_15, %dma_wait3A_46] : memref<158x128xi32, #tpu.memory_space<hbm>> -> memref<1x128xi32, #tpu.memory_space<hbm>>
        %dma_wait3A_48 = tpu.memref_squeeze %dma_wait3A_47 : memref<1x128xi32, #tpu.memory_space<hbm>> -> memref<128xi32, #tpu.memory_space<hbm>>
        %dma_wait3A_49 = arith.constant 0 : i32
        %dma_wait3A_50 = arith.constant 0 : i32
        %dma_wait3A_51 = tpu.memref_slice %arg3[%arg1, %dma_wait3A_49, %dma_wait3A_50] : memref<16x158x128xi32, #tpu.memory_space<hbm>> -> memref<1x158x128xi32, #tpu.memory_space<hbm>>
        %dma_wait3A_52 = tpu.memref_squeeze %dma_wait3A_51 : memref<1x158x128xi32, #tpu.memory_space<hbm>> -> memref<158x128xi32, #tpu.memory_space<hbm>>
        %dma_wait3A_53 = arith.constant 0 : i32
        %dma_wait3A_54 = tpu.memref_slice %dma_wait3A_52[%add3A_15, %dma_wait3A_53] : memref<158x128xi32, #tpu.memory_space<hbm>> -> memref<1x128xi32, #tpu.memory_space<hbm>>
        %dma_wait3A_55 = tpu.memref_squeeze %dma_wait3A_54 : memref<1x128xi32, #tpu.memory_space<hbm>> -> memref<128xi32, #tpu.memory_space<hbm>>
        tpu.wait_dma2 semaphore(%run_scoped3A : memref<!tpu.dma_semaphore, #tpu.memory_space<semaphore_mem>>) src(%dma_wait3A_55 : memref<128xi32, #tpu.memory_space<hbm>>) dst(%arg7 : memref<128xi32, #tpu.memory_space<vmem>>)
        tpu.yield
      }) : () -> ()
      "tpu.region"() ({
        %run_scoped3A = tpu.sem_alloc : memref<!tpu.dma_semaphore, #tpu.memory_space<semaphore_mem>>
        %dma_start3A_28 = arith.constant 0 : i32
        %dma_start3A_29 = arith.constant 0 : i32
        %dma_start3A_30 = tpu.memref_slice %arg4[%arg1, %dma_start3A_28, %dma_start3A_29] : memref<16x158x128xi32, #tpu.memory_space<hbm>> -> memref<1x158x128xi32, #tpu.memory_space<hbm>>
        %dma_start3A_31 = tpu.memref_squeeze %dma_start3A_30 : memref<1x158x128xi32, #tpu.memory_space<hbm>> -> memref<158x128xi32, #tpu.memory_space<hbm>>
        %dma_start3A_32 = arith.constant 0 : i32
        %dma_start3A_33 = tpu.memref_slice %dma_start3A_31[%add3A_15, %dma_start3A_32] : memref<158x128xi32, #tpu.memory_space<hbm>> -> memref<1x128xi32, #tpu.memory_space<hbm>>
        %dma_start3A_34 = tpu.memref_squeeze %dma_start3A_33 : memref<1x128xi32, #tpu.memory_space<hbm>> -> memref<128xi32, #tpu.memory_space<hbm>>
        %dma_start3A_35 = arith.constant 0 : i32
        %dma_start3A_36 = arith.constant 0 : i32
        %dma_start3A_37 = tpu.memref_slice %arg4[%arg1, %dma_start3A_35, %dma_start3A_36] : memref<16x158x128xi32, #tpu.memory_space<hbm>> -> memref<1x158x128xi32, #tpu.memory_space<hbm>>
        %dma_start3A_38 = tpu.memref_squeeze %dma_start3A_37 : memref<1x158x128xi32, #tpu.memory_space<hbm>> -> memref<158x128xi32, #tpu.memory_space<hbm>>
        %dma_start3A_39 = arith.constant 0 : i32
        %dma_start3A_40 = tpu.memref_slice %dma_start3A_38[%add3A_15, %dma_start3A_39] : memref<158x128xi32, #tpu.memory_space<hbm>> -> memref<1x128xi32, #tpu.memory_space<hbm>>
        %dma_start3A_41 = tpu.memref_squeeze %dma_start3A_40 : memref<1x128xi32, #tpu.memory_space<hbm>> -> memref<128xi32, #tpu.memory_space<hbm>>
        tpu.enqueue_dma source(%dma_start3A_41 : memref<128xi32, #tpu.memory_space<hbm>>) target(%arg8 : memref<128xi32, #tpu.memory_space<vmem>>) target_semaphore(%run_scoped3A : memref<!tpu.dma_semaphore, #tpu.memory_space<semaphore_mem>>)
        %dma_wait3A_42 = arith.constant 0 : i32
        %dma_wait3A_43 = arith.constant 0 : i32
        %dma_wait3A_44 = tpu.memref_slice %arg4[%arg1, %dma_wait3A_42, %dma_wait3A_43] : memref<16x158x128xi32, #tpu.memory_space<hbm>> -> memref<1x158x128xi32, #tpu.memory_space<hbm>>
        %dma_wait3A_45 = tpu.memref_squeeze %dma_wait3A_44 : memref<1x158x128xi32, #tpu.memory_space<hbm>> -> memref<158x128xi32, #tpu.memory_space<hbm>>
        %dma_wait3A_46 = arith.constant 0 : i32
        %dma_wait3A_47 = tpu.memref_slice %dma_wait3A_45[%add3A_15, %dma_wait3A_46] : memref<158x128xi32, #tpu.memory_space<hbm>> -> memref<1x128xi32, #tpu.memory_space<hbm>>
        %dma_wait3A_48 = tpu.memref_squeeze %dma_wait3A_47 : memref<1x128xi32, #tpu.memory_space<hbm>> -> memref<128xi32, #tpu.memory_space<hbm>>
        %dma_wait3A_49 = arith.constant 0 : i32
        %dma_wait3A_50 = arith.constant 0 : i32
        %dma_wait3A_51 = tpu.memref_slice %arg4[%arg1, %dma_wait3A_49, %dma_wait3A_50] : memref<16x158x128xi32, #tpu.memory_space<hbm>> -> memref<1x158x128xi32, #tpu.memory_space<hbm>>
        %dma_wait3A_52 = tpu.memref_squeeze %dma_wait3A_51 : memref<1x158x128xi32, #tpu.memory_space<hbm>> -> memref<158x128xi32, #tpu.memory_space<hbm>>
        %dma_wait3A_53 = arith.constant 0 : i32
        %dma_wait3A_54 = tpu.memref_slice %dma_wait3A_52[%add3A_15, %dma_wait3A_53] : memref<158x128xi32, #tpu.memory_space<hbm>> -> memref<1x128xi32, #tpu.memory_space<hbm>>
        %dma_wait3A_55 = tpu.memref_squeeze %dma_wait3A_54 : memref<1x128xi32, #tpu.memory_space<hbm>> -> memref<128xi32, #tpu.memory_space<hbm>>
        tpu.wait_dma2 semaphore(%run_scoped3A : memref<!tpu.dma_semaphore, #tpu.memory_space<semaphore_mem>>) src(%dma_wait3A_55 : memref<128xi32, #tpu.memory_space<hbm>>) dst(%arg8 : memref<128xi32, #tpu.memory_space<vmem>>)
        tpu.yield
      }) : () -> ()
      %dma_start3A = arith.constant 0 : i32
      %dma_start3A_16 = arith.constant 0 : i32
      %dma_start3A_17 = tpu.memref_slice %arg2[%arg0, %dma_start3A, %dma_start3A_16] : memref<2x10000x128xf32, #tpu.memory_space<hbm>> -> memref<1x10000x128xf32, #tpu.memory_space<hbm>>
      %dma_start3A_18 = tpu.memref_squeeze %dma_start3A_17 : memref<1x10000x128xf32, #tpu.memory_space<hbm>> -> memref<10000x128xf32, #tpu.memory_space<hbm>>
      %dma_start3A_19 = arith.constant 0 : i32
      %dma_start3A_20 = arith.constant 0 : i32
      %dma_start3A_21 = tpu.memref_slice %dma_start3A_18[%dma_start3A_19, %dma_start3A_20] : memref<10000x128xf32, #tpu.memory_space<hbm>> -> memref<10000x128xf32, #tpu.memory_space<hbm>>
      tpu.enqueue_indirect_dma source(%dma_start3A_21 : memref<10000x128xf32, #tpu.memory_space<hbm>>) target(%arg9 : memref<128x128xf32, #tpu.memory_space<vmem>>) offsets(%arg7 : memref<128xi32, #tpu.memory_space<vmem>>) semaphore(%arg10 : memref<!tpu.dma_semaphore, #tpu.memory_space<semaphore_mem>>)
      %dma_wait3A = arith.constant 0 : i32
      %dma_wait3A_22 = arith.constant 0 : i32
      %dma_wait3A_23 = tpu.memref_slice %arg2[%arg0, %dma_wait3A, %dma_wait3A_22] : memref<2x10000x128xf32, #tpu.memory_space<hbm>> -> memref<1x10000x128xf32, #tpu.memory_space<hbm>>
      %dma_wait3A_24 = tpu.memref_squeeze %dma_wait3A_23 : memref<1x10000x128xf32, #tpu.memory_space<hbm>> -> memref<10000x128xf32, #tpu.memory_space<hbm>>
      %dma_wait3A_25 = arith.constant 0 : i32
      %dma_wait3A_26 = arith.constant 0 : i32
      %dma_wait3A_27 = tpu.memref_slice %dma_wait3A_24[%dma_wait3A_25, %dma_wait3A_26] : memref<10000x128xf32, #tpu.memory_space<hbm>> -> memref<10000x128xf32, #tpu.memory_space<hbm>>
      tpu.wait_indirect_dma semaphore(%arg10 : memref<!tpu.dma_semaphore, #tpu.memory_space<semaphore_mem>>) src(%dma_wait3A_27 : memref<10000x128xf32, #tpu.memory_space<hbm>>) dst(%arg9 : memref<128x128xf32, #tpu.memory_space<vmem>>)
      "tpu.region"() ({
        %run_scoped3A = tpu.sem_alloc : memref<!tpu.dma_semaphore, #tpu.memory_space<semaphore_mem>>
        %dma_start3A_28 = arith.constant 0 : i32
        %dma_start3A_29 = arith.constant 0 : i32
        %dma_start3A_30 = tpu.memref_slice %arg6[%dma_start3A_28, %dma_start3A_29] : memref<10016x128xf32, #tpu.memory_space<vmem_shared>> -> memref<10016x128xf32, #tpu.memory_space<vmem_shared>>
        tpu.enqueue_indirect_dma source(%arg9 : memref<128x128xf32, #tpu.memory_space<vmem>>) target(%dma_start3A_30 : memref<10016x128xf32, #tpu.memory_space<vmem_shared>>) offsets(%arg8 : memref<128xi32, #tpu.memory_space<vmem>>) semaphore(%run_scoped3A : memref<!tpu.dma_semaphore, #tpu.memory_space<semaphore_mem>>) {add = true}
        %dma_wait3A_31 = arith.constant 0 : i32
        %dma_wait3A_32 = arith.constant 0 : i32
        %dma_wait3A_33 = tpu.memref_slice %arg6[%dma_wait3A_31, %dma_wait3A_32] : memref<10016x128xf32, #tpu.memory_space<vmem_shared>> -> memref<10016x128xf32, #tpu.memory_space<vmem_shared>>
        tpu.wait_indirect_dma semaphore(%run_scoped3A : memref<!tpu.dma_semaphore, #tpu.memory_space<semaphore_mem>>) src(%arg9 : memref<128x128xf32, #tpu.memory_space<vmem>>) dst(%dma_wait3A_33 : memref<10016x128xf32, #tpu.memory_space<vmem_shared>>)
        tpu.yield
      }) : () -> ()
    }
    %scan3A_7 = arith.constant 158 : i32
    %barrier3A_8 = arith.constant 0 : index
    tpu.barrier barrier_id(%barrier3A_8)
    "tpu.region"() ({
      %run_scoped3A = tpu.sem_alloc : memref<!tpu.dma_semaphore, #tpu.memory_space<semaphore_mem>>
      %dma_start3A = arith.constant 0 : i32
      %dma_start3A_14 = arith.constant 0 : i32
      %dma_start3A_15 = tpu.memref_slice %arg5[%arg0, %dma_start3A, %dma_start3A_14] : memref<2x10000x128xf32, #tpu.memory_space<hbm>> -> memref<1x10000x128xf32, #tpu.memory_space<hbm>>
      %dma_start3A_16 = tpu.memref_squeeze %dma_start3A_15 : memref<1x10000x128xf32, #tpu.memory_space<hbm>> -> memref<10000x128xf32, #tpu.memory_space<hbm>>
      %dma_start3A_17 = arith.constant 0 : i32
      %dma_start3A_18 = tpu.memref_slice %dma_start3A_16[%mul3A_0, %dma_start3A_17] : memref<10000x128xf32, #tpu.memory_space<hbm>> -> memref<624x128xf32, #tpu.memory_space<hbm>>
      %dma_start3A_19 = arith.constant 0 : i32
      %dma_start3A_20 = tpu.memref_slice %arg6[%mul3A_0, %dma_start3A_19] : memref<10016x128xf32, #tpu.memory_space<vmem_shared>> -> memref<624x128xf32, #tpu.memory_space<vmem_shared>>
      tpu.enqueue_dma source(%dma_start3A_20 : memref<624x128xf32, #tpu.memory_space<vmem_shared>>) target(%dma_start3A_18 : memref<624x128xf32, #tpu.memory_space<hbm>>) target_semaphore(%run_scoped3A : memref<!tpu.dma_semaphore, #tpu.memory_space<semaphore_mem>>)
      %dma_wait3A = arith.constant 0 : i32
      %dma_wait3A_21 = arith.constant 0 : i32
      %dma_wait3A_22 = tpu.memref_slice %arg5[%arg0, %dma_wait3A, %dma_wait3A_21] : memref<2x10000x128xf32, #tpu.memory_space<hbm>> -> memref<1x10000x128xf32, #tpu.memory_space<hbm>>
      %dma_wait3A_23 = tpu.memref_squeeze %dma_wait3A_22 : memref<1x10000x128xf32, #tpu.memory_space<hbm>> -> memref<10000x128xf32, #tpu.memory_space<hbm>>
      %dma_wait3A_24 = arith.constant 0 : i32
      %dma_wait3A_25 = tpu.memref_slice %dma_wait3A_23[%mul3A_0, %dma_wait3A_24] : memref<10000x128xf32, #tpu.memory_space<hbm>> -> memref<624x128xf32, #tpu.memory_space<hbm>>
      %dma_wait3A_26 = arith.constant 0 : i32
      %dma_wait3A_27 = tpu.memref_slice %arg6[%mul3A_0, %dma_wait3A_26] : memref<10016x128xf32, #tpu.memory_space<vmem_shared>> -> memref<624x128xf32, #tpu.memory_space<vmem_shared>>
      tpu.wait_dma2 semaphore(%run_scoped3A : memref<!tpu.dma_semaphore, #tpu.memory_space<semaphore_mem>>) src(%dma_wait3A_27 : memref<624x128xf32, #tpu.memory_space<vmem_shared>>) dst(%dma_wait3A_25 : memref<624x128xf32, #tpu.memory_space<hbm>>)
      tpu.yield
    }) : () -> ()
    %eq3A_9 = arith.constant 15 : i32
    %eq3A_10 = arith.cmpi eq, %arg1, %eq3A_9 : i32
    %convert_element_type3A_11 = arith.extui %eq3A_10 : i1 to i32
    %cond3A_12 = arith.constant 0 : i32
    %cond3A_13 = arith.cmpi ne, %convert_element_type3A_11, %cond3A_12 : i32
    scf.if %cond3A_13 {
      "tpu.region"() ({
        %run_scoped3A = tpu.sem_alloc : memref<!tpu.dma_semaphore, #tpu.memory_space<semaphore_mem>>
        %dma_start3A = arith.constant 0 : i32
        %dma_start3A_14 = arith.constant 0 : i32
        %dma_start3A_15 = tpu.memref_slice %arg5[%arg0, %dma_start3A, %dma_start3A_14] : memref<2x10000x128xf32, #tpu.memory_space<hbm>> -> memref<1x10000x128xf32, #tpu.memory_space<hbm>>
        %dma_start3A_16 = tpu.memref_squeeze %dma_start3A_15 : memref<1x10000x128xf32, #tpu.memory_space<hbm>> -> memref<10000x128xf32, #tpu.memory_space<hbm>>
        %dma_start3A_17 = arith.constant 9984 : i32
        %dma_start3A_18 = arith.constant 0 : i32
        %dma_start3A_19 = tpu.memref_slice %dma_start3A_16[%dma_start3A_17, %dma_start3A_18] : memref<10000x128xf32, #tpu.memory_space<hbm>> -> memref<16x128xf32, #tpu.memory_space<hbm>>
        %dma_start3A_20 = arith.constant 9984 : i32
        %dma_start3A_21 = arith.constant 0 : i32
        %dma_start3A_22 = tpu.memref_slice %arg6[%dma_start3A_20, %dma_start3A_21] : memref<10016x128xf32, #tpu.memory_space<vmem_shared>> -> memref<16x128xf32, #tpu.memory_space<vmem_shared>>
        tpu.enqueue_dma source(%dma_start3A_22 : memref<16x128xf32, #tpu.memory_space<vmem_shared>>) target(%dma_start3A_19 : memref<16x128xf32, #tpu.memory_space<hbm>>) target_semaphore(%run_scoped3A : memref<!tpu.dma_semaphore, #tpu.memory_space<semaphore_mem>>)
        %dma_wait3A = arith.constant 0 : i32
        %dma_wait3A_23 = arith.constant 0 : i32
        %dma_wait3A_24 = tpu.memref_slice %arg5[%arg0, %dma_wait3A, %dma_wait3A_23] : memref<2x10000x128xf32, #tpu.memory_space<hbm>> -> memref<1x10000x128xf32, #tpu.memory_space<hbm>>
        %dma_wait3A_25 = tpu.memref_squeeze %dma_wait3A_24 : memref<1x10000x128xf32, #tpu.memory_space<hbm>> -> memref<10000x128xf32, #tpu.memory_space<hbm>>
        %dma_wait3A_26 = arith.constant 9984 : i32
        %dma_wait3A_27 = arith.constant 0 : i32
        %dma_wait3A_28 = tpu.memref_slice %dma_wait3A_25[%dma_wait3A_26, %dma_wait3A_27] : memref<10000x128xf32, #tpu.memory_space<hbm>> -> memref<16x128xf32, #tpu.memory_space<hbm>>
        %dma_wait3A_29 = arith.constant 9984 : i32
        %dma_wait3A_30 = arith.constant 0 : i32
        %dma_wait3A_31 = tpu.memref_slice %arg6[%dma_wait3A_29, %dma_wait3A_30] : memref<10016x128xf32, #tpu.memory_space<vmem_shared>> -> memref<16x128xf32, #tpu.memory_space<vmem_shared>>
        tpu.wait_dma2 semaphore(%run_scoped3A : memref<!tpu.dma_semaphore, #tpu.memory_space<semaphore_mem>>) src(%dma_wait3A_31 : memref<16x128xf32, #tpu.memory_space<vmem_shared>>) dst(%dma_wait3A_28 : memref<16x128xf32, #tpu.memory_space<hbm>>)
        tpu.yield
      }) : () -> ()
    } else {
    }
    return
  }
}

#map = affine_map<(d0, d1) -> (0, 0, 0)>
module attributes {stable_mosaic.version = 14 : i64} {
  func.func @k(%arg0: i32, %arg1: i32, %arg2: memref<2x10000x128xf32, #tpu.memory_space<hbm>>, %arg3: memref<16x158x128xi32, #tpu.memory_space<hbm>>, %arg4: memref<16x158x128xi32, #tpu.memory_space<hbm>>, %arg5: memref<2x10000x128xf32, #tpu.memory_space<hbm>>, %arg6: memref<10016x128xf32, #tpu.memory_space<vmem_shared>>, %arg7: memref<128xi32, #tpu.memory_space<vmem>>, %arg8: memref<128xi32, #tpu.memory_space<vmem>>, %arg9: memref<128x128xf32, #tpu.memory_space<vmem>>, %arg10: memref<!tpu.dma_semaphore, #tpu.memory_space<semaphore_mem>>) attributes {dimension_semantics = [#tpu.dimension_semantics<core_parallel>, #tpu.dimension_semantics<subcore_parallel>], iteration_bounds = array<i64: 2, 16>, scalar_prefetch = 0 : i64, scratch_operands = 5 : i64, tpu.core_type = #tpu.core_type<sc_vector_subcore>, window_params = [{transform_indices = #map}, {transform_indices = #map}, {transform_indices = #map}, {transform_indices = #map}]} {
    %eq3A = arith.constant 0 : i32
    %eq3A_0 = arith.cmpi eq, %arg0, %eq3A : i32
    %jit3A = arith.constant 0 : i32
    %jit3A_1 = arith.constant 96 : i32
    %select_n3A = arith.select %eq3A_0, %jit3A, %jit3A_1 : i32
    %eq3A_2 = arith.constant 0 : i32
    %eq3A_3 = arith.cmpi eq, %arg0, %eq3A_2 : i32
    %jit3A_4 = arith.constant 96 : i32
    %jit3A_5 = arith.constant 62 : i32
    %select_n3A_6 = arith.select %eq3A_3, %jit3A_4, %jit3A_5 : i32
    %mul3A = arith.constant 624 : i32
    %mul3A_7 = arith.muli %arg1, %mul3A : i32
    "tpu.region"() ({
      %run_scoped3A = tpu.sem_alloc : memref<!tpu.dma_semaphore, #tpu.memory_space<semaphore_mem>>
      %dma_start3A = arith.constant 0 : i32
      %dma_start3A_26 = tpu.memref_slice %arg6[%mul3A_7, %dma_start3A] : memref<10016x128xf32, #tpu.memory_space<vmem_shared>> -> memref<624x128xf32, #tpu.memory_space<vmem_shared>>
      %dma_start3A_27 = arith.constant 0 : i32
      %dma_start3A_28 = arith.constant 0 : i32
      %dma_start3A_29 = tpu.memref_slice %arg2[%arg0, %dma_start3A_27, %dma_start3A_28] : memref<2x10000x128xf32, #tpu.memory_space<hbm>> -> memref<1x10000x128xf32, #tpu.memory_space<hbm>>
      %dma_start3A_30 = tpu.memref_squeeze %dma_start3A_29 : memref<1x10000x128xf32, #tpu.memory_space<hbm>> -> memref<10000x128xf32, #tpu.memory_space<hbm>>
      %dma_start3A_31 = arith.constant 0 : i32
      %dma_start3A_32 = tpu.memref_slice %dma_start3A_30[%mul3A_7, %dma_start3A_31] : memref<10000x128xf32, #tpu.memory_space<hbm>> -> memref<624x128xf32, #tpu.memory_space<hbm>>
      tpu.enqueue_dma source(%dma_start3A_32 : memref<624x128xf32, #tpu.memory_space<hbm>>) target(%dma_start3A_26 : memref<624x128xf32, #tpu.memory_space<vmem_shared>>) target_semaphore(%run_scoped3A : memref<!tpu.dma_semaphore, #tpu.memory_space<semaphore_mem>>)
      %dma_wait3A = arith.constant 0 : i32
      %dma_wait3A_33 = tpu.memref_slice %arg6[%mul3A_7, %dma_wait3A] : memref<10016x128xf32, #tpu.memory_space<vmem_shared>> -> memref<624x128xf32, #tpu.memory_space<vmem_shared>>
      %dma_wait3A_34 = arith.constant 0 : i32
      %dma_wait3A_35 = arith.constant 0 : i32
      %dma_wait3A_36 = tpu.memref_slice %arg2[%arg0, %dma_wait3A_34, %dma_wait3A_35] : memref<2x10000x128xf32, #tpu.memory_space<hbm>> -> memref<1x10000x128xf32, #tpu.memory_space<hbm>>
      %dma_wait3A_37 = tpu.memref_squeeze %dma_wait3A_36 : memref<1x10000x128xf32, #tpu.memory_space<hbm>> -> memref<10000x128xf32, #tpu.memory_space<hbm>>
      %dma_wait3A_38 = arith.constant 0 : i32
      %dma_wait3A_39 = tpu.memref_slice %dma_wait3A_37[%mul3A_7, %dma_wait3A_38] : memref<10000x128xf32, #tpu.memory_space<hbm>> -> memref<624x128xf32, #tpu.memory_space<hbm>>
      tpu.wait_dma2 semaphore(%run_scoped3A : memref<!tpu.dma_semaphore, #tpu.memory_space<semaphore_mem>>) src(%dma_wait3A_39 : memref<624x128xf32, #tpu.memory_space<hbm>>) dst(%dma_wait3A_33 : memref<624x128xf32, #tpu.memory_space<vmem_shared>>)
      tpu.yield
    }) : () -> ()
    %eq3A_8 = arith.constant 15 : i32
    %eq3A_9 = arith.cmpi eq, %arg1, %eq3A_8 : i32
    %convert_element_type3A = arith.extui %eq3A_9 : i1 to i32
    %cond3A = arith.constant 0 : i32
    %cond3A_10 = arith.cmpi ne, %convert_element_type3A, %cond3A : i32
    scf.if %cond3A_10 {
      "tpu.region"() ({
        %run_scoped3A = tpu.sem_alloc : memref<!tpu.dma_semaphore, #tpu.memory_space<semaphore_mem>>
        %dma_start3A = arith.constant 9984 : i32
        %dma_start3A_26 = arith.constant 0 : i32
        %dma_start3A_27 = tpu.memref_slice %arg6[%dma_start3A, %dma_start3A_26] : memref<10016x128xf32, #tpu.memory_space<vmem_shared>> -> memref<16x128xf32, #tpu.memory_space<vmem_shared>>
        %dma_start3A_28 = arith.constant 0 : i32
        %dma_start3A_29 = arith.constant 0 : i32
        %dma_start3A_30 = tpu.memref_slice %arg2[%arg0, %dma_start3A_28, %dma_start3A_29] : memref<2x10000x128xf32, #tpu.memory_space<hbm>> -> memref<1x10000x128xf32, #tpu.memory_space<hbm>>
        %dma_start3A_31 = tpu.memref_squeeze %dma_start3A_30 : memref<1x10000x128xf32, #tpu.memory_space<hbm>> -> memref<10000x128xf32, #tpu.memory_space<hbm>>
        %dma_start3A_32 = arith.constant 9984 : i32
        %dma_start3A_33 = arith.constant 0 : i32
        %dma_start3A_34 = tpu.memref_slice %dma_start3A_31[%dma_start3A_32, %dma_start3A_33] : memref<10000x128xf32, #tpu.memory_space<hbm>> -> memref<16x128xf32, #tpu.memory_space<hbm>>
        tpu.enqueue_dma source(%dma_start3A_34 : memref<16x128xf32, #tpu.memory_space<hbm>>) target(%dma_start3A_27 : memref<16x128xf32, #tpu.memory_space<vmem_shared>>) target_semaphore(%run_scoped3A : memref<!tpu.dma_semaphore, #tpu.memory_space<semaphore_mem>>)
        %dma_wait3A = arith.constant 9984 : i32
        %dma_wait3A_35 = arith.constant 0 : i32
        %dma_wait3A_36 = tpu.memref_slice %arg6[%dma_wait3A, %dma_wait3A_35] : memref<10016x128xf32, #tpu.memory_space<vmem_shared>> -> memref<16x128xf32, #tpu.memory_space<vmem_shared>>
        %dma_wait3A_37 = arith.constant 0 : i32
        %dma_wait3A_38 = arith.constant 0 : i32
        %dma_wait3A_39 = tpu.memref_slice %arg2[%arg0, %dma_wait3A_37, %dma_wait3A_38] : memref<2x10000x128xf32, #tpu.memory_space<hbm>> -> memref<1x10000x128xf32, #tpu.memory_space<hbm>>
        %dma_wait3A_40 = tpu.memref_squeeze %dma_wait3A_39 : memref<1x10000x128xf32, #tpu.memory_space<hbm>> -> memref<10000x128xf32, #tpu.memory_space<hbm>>
        %dma_wait3A_41 = arith.constant 9984 : i32
        %dma_wait3A_42 = arith.constant 0 : i32
        %dma_wait3A_43 = tpu.memref_slice %dma_wait3A_40[%dma_wait3A_41, %dma_wait3A_42] : memref<10000x128xf32, #tpu.memory_space<hbm>> -> memref<16x128xf32, #tpu.memory_space<hbm>>
        tpu.wait_dma2 semaphore(%run_scoped3A : memref<!tpu.dma_semaphore, #tpu.memory_space<semaphore_mem>>) src(%dma_wait3A_43 : memref<16x128xf32, #tpu.memory_space<hbm>>) dst(%dma_wait3A_36 : memref<16x128xf32, #tpu.memory_space<vmem_shared>>)
        tpu.yield
      }) : () -> ()
    } else {
    }
    %barrier3A = arith.constant 0 : index
    tpu.barrier barrier_id(%barrier3A)
    %while3A = arith.constant 0 : i32
    %while3A_11 = arith.constant 0 : i32
    %while3A_12 = arith.subi %select_n3A_6, %while3A_11 : i32
    %while3A_13 = arith.addi %while3A_11, %while3A_12 : i32
    %while3A_14 = arith.constant 1 : i32
    %while3A_15 = arith.divsi %while3A_12, %while3A_14 : i32
    %while3A_16 = arith.muli %while3A_15, %while3A_14 : i32
    %while3A_17 = arith.addi %while3A_11, %while3A_16 : i32
    %while3A_18 = arith.constant 1 : i32
    scf.for %while3A_26 = %while3A_11 to %while3A_17 step %while3A_18  : i32 {
      %add3A = arith.addi %select_n3A, %while3A_26 : i32
      "tpu.region"() ({
        %run_scoped3A = tpu.sem_alloc : memref<!tpu.dma_semaphore, #tpu.memory_space<semaphore_mem>>
        %dma_start3A_39 = arith.constant 0 : i32
        %dma_start3A_40 = arith.constant 0 : i32
        %dma_start3A_41 = tpu.memref_slice %arg3[%arg1, %dma_start3A_39, %dma_start3A_40] : memref<16x158x128xi32, #tpu.memory_space<hbm>> -> memref<1x158x128xi32, #tpu.memory_space<hbm>>
        %dma_start3A_42 = tpu.memref_squeeze %dma_start3A_41 : memref<1x158x128xi32, #tpu.memory_space<hbm>> -> memref<158x128xi32, #tpu.memory_space<hbm>>
        %dma_start3A_43 = arith.constant 0 : i32
        %dma_start3A_44 = tpu.memref_slice %dma_start3A_42[%add3A, %dma_start3A_43] : memref<158x128xi32, #tpu.memory_space<hbm>> -> memref<1x128xi32, #tpu.memory_space<hbm>>
        %dma_start3A_45 = tpu.memref_squeeze %dma_start3A_44 : memref<1x128xi32, #tpu.memory_space<hbm>> -> memref<128xi32, #tpu.memory_space<hbm>>
        %dma_start3A_46 = arith.constant 0 : i32
        %dma_start3A_47 = arith.constant 0 : i32
        %dma_start3A_48 = tpu.memref_slice %arg3[%arg1, %dma_start3A_46, %dma_start3A_47] : memref<16x158x128xi32, #tpu.memory_space<hbm>> -> memref<1x158x128xi32, #tpu.memory_space<hbm>>
        %dma_start3A_49 = tpu.memref_squeeze %dma_start3A_48 : memref<1x158x128xi32, #tpu.memory_space<hbm>> -> memref<158x128xi32, #tpu.memory_space<hbm>>
        %dma_start3A_50 = arith.constant 0 : i32
        %dma_start3A_51 = tpu.memref_slice %dma_start3A_49[%add3A, %dma_start3A_50] : memref<158x128xi32, #tpu.memory_space<hbm>> -> memref<1x128xi32, #tpu.memory_space<hbm>>
        %dma_start3A_52 = tpu.memref_squeeze %dma_start3A_51 : memref<1x128xi32, #tpu.memory_space<hbm>> -> memref<128xi32, #tpu.memory_space<hbm>>
        tpu.enqueue_dma source(%dma_start3A_52 : memref<128xi32, #tpu.memory_space<hbm>>) target(%arg7 : memref<128xi32, #tpu.memory_space<vmem>>) target_semaphore(%run_scoped3A : memref<!tpu.dma_semaphore, #tpu.memory_space<semaphore_mem>>)
        %dma_wait3A_53 = arith.constant 0 : i32
        %dma_wait3A_54 = arith.constant 0 : i32
        %dma_wait3A_55 = tpu.memref_slice %arg3[%arg1, %dma_wait3A_53, %dma_wait3A_54] : memref<16x158x128xi32, #tpu.memory_space<hbm>> -> memref<1x158x128xi32, #tpu.memory_space<hbm>>
        %dma_wait3A_56 = tpu.memref_squeeze %dma_wait3A_55 : memref<1x158x128xi32, #tpu.memory_space<hbm>> -> memref<158x128xi32, #tpu.memory_space<hbm>>
        %dma_wait3A_57 = arith.constant 0 : i32
        %dma_wait3A_58 = tpu.memref_slice %dma_wait3A_56[%add3A, %dma_wait3A_57] : memref<158x128xi32, #tpu.memory_space<hbm>> -> memref<1x128xi32, #tpu.memory_space<hbm>>
        %dma_wait3A_59 = tpu.memref_squeeze %dma_wait3A_58 : memref<1x128xi32, #tpu.memory_space<hbm>> -> memref<128xi32, #tpu.memory_space<hbm>>
        %dma_wait3A_60 = arith.constant 0 : i32
        %dma_wait3A_61 = arith.constant 0 : i32
        %dma_wait3A_62 = tpu.memref_slice %arg3[%arg1, %dma_wait3A_60, %dma_wait3A_61] : memref<16x158x128xi32, #tpu.memory_space<hbm>> -> memref<1x158x128xi32, #tpu.memory_space<hbm>>
        %dma_wait3A_63 = tpu.memref_squeeze %dma_wait3A_62 : memref<1x158x128xi32, #tpu.memory_space<hbm>> -> memref<158x128xi32, #tpu.memory_space<hbm>>
        %dma_wait3A_64 = arith.constant 0 : i32
        %dma_wait3A_65 = tpu.memref_slice %dma_wait3A_63[%add3A, %dma_wait3A_64] : memref<158x128xi32, #tpu.memory_space<hbm>> -> memref<1x128xi32, #tpu.memory_space<hbm>>
        %dma_wait3A_66 = tpu.memref_squeeze %dma_wait3A_65 : memref<1x128xi32, #tpu.memory_space<hbm>> -> memref<128xi32, #tpu.memory_space<hbm>>
        tpu.wait_dma2 semaphore(%run_scoped3A : memref<!tpu.dma_semaphore, #tpu.memory_space<semaphore_mem>>) src(%dma_wait3A_66 : memref<128xi32, #tpu.memory_space<hbm>>) dst(%arg7 : memref<128xi32, #tpu.memory_space<vmem>>)
        tpu.yield
      }) : () -> ()
      "tpu.region"() ({
        %run_scoped3A = tpu.sem_alloc : memref<!tpu.dma_semaphore, #tpu.memory_space<semaphore_mem>>
        %dma_start3A_39 = arith.constant 0 : i32
        %dma_start3A_40 = arith.constant 0 : i32
        %dma_start3A_41 = tpu.memref_slice %arg4[%arg1, %dma_start3A_39, %dma_start3A_40] : memref<16x158x128xi32, #tpu.memory_space<hbm>> -> memref<1x158x128xi32, #tpu.memory_space<hbm>>
        %dma_start3A_42 = tpu.memref_squeeze %dma_start3A_41 : memref<1x158x128xi32, #tpu.memory_space<hbm>> -> memref<158x128xi32, #tpu.memory_space<hbm>>
        %dma_start3A_43 = arith.constant 0 : i32
        %dma_start3A_44 = tpu.memref_slice %dma_start3A_42[%add3A, %dma_start3A_43] : memref<158x128xi32, #tpu.memory_space<hbm>> -> memref<1x128xi32, #tpu.memory_space<hbm>>
        %dma_start3A_45 = tpu.memref_squeeze %dma_start3A_44 : memref<1x128xi32, #tpu.memory_space<hbm>> -> memref<128xi32, #tpu.memory_space<hbm>>
        %dma_start3A_46 = arith.constant 0 : i32
        %dma_start3A_47 = arith.constant 0 : i32
        %dma_start3A_48 = tpu.memref_slice %arg4[%arg1, %dma_start3A_46, %dma_start3A_47] : memref<16x158x128xi32, #tpu.memory_space<hbm>> -> memref<1x158x128xi32, #tpu.memory_space<hbm>>
        %dma_start3A_49 = tpu.memref_squeeze %dma_start3A_48 : memref<1x158x128xi32, #tpu.memory_space<hbm>> -> memref<158x128xi32, #tpu.memory_space<hbm>>
        %dma_start3A_50 = arith.constant 0 : i32
        %dma_start3A_51 = tpu.memref_slice %dma_start3A_49[%add3A, %dma_start3A_50] : memref<158x128xi32, #tpu.memory_space<hbm>> -> memref<1x128xi32, #tpu.memory_space<hbm>>
        %dma_start3A_52 = tpu.memref_squeeze %dma_start3A_51 : memref<1x128xi32, #tpu.memory_space<hbm>> -> memref<128xi32, #tpu.memory_space<hbm>>
        tpu.enqueue_dma source(%dma_start3A_52 : memref<128xi32, #tpu.memory_space<hbm>>) target(%arg8 : memref<128xi32, #tpu.memory_space<vmem>>) target_semaphore(%run_scoped3A : memref<!tpu.dma_semaphore, #tpu.memory_space<semaphore_mem>>)
        %dma_wait3A_53 = arith.constant 0 : i32
        %dma_wait3A_54 = arith.constant 0 : i32
        %dma_wait3A_55 = tpu.memref_slice %arg4[%arg1, %dma_wait3A_53, %dma_wait3A_54] : memref<16x158x128xi32, #tpu.memory_space<hbm>> -> memref<1x158x128xi32, #tpu.memory_space<hbm>>
        %dma_wait3A_56 = tpu.memref_squeeze %dma_wait3A_55 : memref<1x158x128xi32, #tpu.memory_space<hbm>> -> memref<158x128xi32, #tpu.memory_space<hbm>>
        %dma_wait3A_57 = arith.constant 0 : i32
        %dma_wait3A_58 = tpu.memref_slice %dma_wait3A_56[%add3A, %dma_wait3A_57] : memref<158x128xi32, #tpu.memory_space<hbm>> -> memref<1x128xi32, #tpu.memory_space<hbm>>
        %dma_wait3A_59 = tpu.memref_squeeze %dma_wait3A_58 : memref<1x128xi32, #tpu.memory_space<hbm>> -> memref<128xi32, #tpu.memory_space<hbm>>
        %dma_wait3A_60 = arith.constant 0 : i32
        %dma_wait3A_61 = arith.constant 0 : i32
        %dma_wait3A_62 = tpu.memref_slice %arg4[%arg1, %dma_wait3A_60, %dma_wait3A_61] : memref<16x158x128xi32, #tpu.memory_space<hbm>> -> memref<1x158x128xi32, #tpu.memory_space<hbm>>
        %dma_wait3A_63 = tpu.memref_squeeze %dma_wait3A_62 : memref<1x158x128xi32, #tpu.memory_space<hbm>> -> memref<158x128xi32, #tpu.memory_space<hbm>>
        %dma_wait3A_64 = arith.constant 0 : i32
        %dma_wait3A_65 = tpu.memref_slice %dma_wait3A_63[%add3A, %dma_wait3A_64] : memref<158x128xi32, #tpu.memory_space<hbm>> -> memref<1x128xi32, #tpu.memory_space<hbm>>
        %dma_wait3A_66 = tpu.memref_squeeze %dma_wait3A_65 : memref<1x128xi32, #tpu.memory_space<hbm>> -> memref<128xi32, #tpu.memory_space<hbm>>
        tpu.wait_dma2 semaphore(%run_scoped3A : memref<!tpu.dma_semaphore, #tpu.memory_space<semaphore_mem>>) src(%dma_wait3A_66 : memref<128xi32, #tpu.memory_space<hbm>>) dst(%arg8 : memref<128xi32, #tpu.memory_space<vmem>>)
        tpu.yield
      }) : () -> ()
      %dma_start3A = arith.constant 0 : i32
      %dma_start3A_27 = arith.constant 0 : i32
      %dma_start3A_28 = tpu.memref_slice %arg2[%arg0, %dma_start3A, %dma_start3A_27] : memref<2x10000x128xf32, #tpu.memory_space<hbm>> -> memref<1x10000x128xf32, #tpu.memory_space<hbm>>
      %dma_start3A_29 = tpu.memref_squeeze %dma_start3A_28 : memref<1x10000x128xf32, #tpu.memory_space<hbm>> -> memref<10000x128xf32, #tpu.memory_space<hbm>>
      %dma_start3A_30 = arith.constant 0 : i32
      %dma_start3A_31 = arith.constant 0 : i32
      %dma_start3A_32 = tpu.memref_slice %dma_start3A_29[%dma_start3A_30, %dma_start3A_31] : memref<10000x128xf32, #tpu.memory_space<hbm>> -> memref<10000x128xf32, #tpu.memory_space<hbm>>
      tpu.enqueue_indirect_dma source(%dma_start3A_32 : memref<10000x128xf32, #tpu.memory_space<hbm>>) target(%arg9 : memref<128x128xf32, #tpu.memory_space<vmem>>) offsets(%arg7 : memref<128xi32, #tpu.memory_space<vmem>>) semaphore(%arg10 : memref<!tpu.dma_semaphore, #tpu.memory_space<semaphore_mem>>)
      %dma_wait3A = arith.constant 0 : i32
      %dma_wait3A_33 = arith.constant 0 : i32
      %dma_wait3A_34 = tpu.memref_slice %arg2[%arg0, %dma_wait3A, %dma_wait3A_33] : memref<2x10000x128xf32, #tpu.memory_space<hbm>> -> memref<1x10000x128xf32, #tpu.memory_space<hbm>>
      %dma_wait3A_35 = tpu.memref_squeeze %dma_wait3A_34 : memref<1x10000x128xf32, #tpu.memory_space<hbm>> -> memref<10000x128xf32, #tpu.memory_space<hbm>>
      %dma_wait3A_36 = arith.constant 0 : i32
      %dma_wait3A_37 = arith.constant 0 : i32
      %dma_wait3A_38 = tpu.memref_slice %dma_wait3A_35[%dma_wait3A_36, %dma_wait3A_37] : memref<10000x128xf32, #tpu.memory_space<hbm>> -> memref<10000x128xf32, #tpu.memory_space<hbm>>
      tpu.wait_indirect_dma semaphore(%arg10 : memref<!tpu.dma_semaphore, #tpu.memory_space<semaphore_mem>>) src(%dma_wait3A_38 : memref<10000x128xf32, #tpu.memory_space<hbm>>) dst(%arg9 : memref<128x128xf32, #tpu.memory_space<vmem>>)
      "tpu.region"() ({
        %run_scoped3A = tpu.sem_alloc : memref<!tpu.dma_semaphore, #tpu.memory_space<semaphore_mem>>
        %dma_start3A_39 = arith.constant 0 : i32
        %dma_start3A_40 = arith.constant 0 : i32
        %dma_start3A_41 = tpu.memref_slice %arg6[%dma_start3A_39, %dma_start3A_40] : memref<10016x128xf32, #tpu.memory_space<vmem_shared>> -> memref<10016x128xf32, #tpu.memory_space<vmem_shared>>
        tpu.enqueue_indirect_dma source(%arg9 : memref<128x128xf32, #tpu.memory_space<vmem>>) target(%dma_start3A_41 : memref<10016x128xf32, #tpu.memory_space<vmem_shared>>) offsets(%arg8 : memref<128xi32, #tpu.memory_space<vmem>>) semaphore(%run_scoped3A : memref<!tpu.dma_semaphore, #tpu.memory_space<semaphore_mem>>) {add = true}
        %dma_wait3A_42 = arith.constant 0 : i32
        %dma_wait3A_43 = arith.constant 0 : i32
        %dma_wait3A_44 = tpu.memref_slice %arg6[%dma_wait3A_42, %dma_wait3A_43] : memref<10016x128xf32, #tpu.memory_space<vmem_shared>> -> memref<10016x128xf32, #tpu.memory_space<vmem_shared>>
        tpu.wait_indirect_dma semaphore(%run_scoped3A : memref<!tpu.dma_semaphore, #tpu.memory_space<semaphore_mem>>) src(%arg9 : memref<128x128xf32, #tpu.memory_space<vmem>>) dst(%dma_wait3A_44 : memref<10016x128xf32, #tpu.memory_space<vmem_shared>>)
        tpu.yield
      }) : () -> ()
    }
    %while3A_19 = arith.constant 1 : i32
    scf.for %while3A_26 = %while3A_17 to %while3A_13 step %while3A_19  : i32 {
      %add3A = arith.addi %select_n3A, %while3A_26 : i32
      "tpu.region"() ({
        %run_scoped3A = tpu.sem_alloc : memref<!tpu.dma_semaphore, #tpu.memory_space<semaphore_mem>>
        %dma_start3A_39 = arith.constant 0 : i32
        %dma_start3A_40 = arith.constant 0 : i32
        %dma_start3A_41 = tpu.memref_slice %arg3[%arg1, %dma_start3A_39, %dma_start3A_40] : memref<16x158x128xi32, #tpu.memory_space<hbm>> -> memref<1x158x128xi32, #tpu.memory_space<hbm>>
        %dma_start3A_42 = tpu.memref_squeeze %dma_start3A_41 : memref<1x158x128xi32, #tpu.memory_space<hbm>> -> memref<158x128xi32, #tpu.memory_space<hbm>>
        %dma_start3A_43 = arith.constant 0 : i32
        %dma_start3A_44 = tpu.memref_slice %dma_start3A_42[%add3A, %dma_start3A_43] : memref<158x128xi32, #tpu.memory_space<hbm>> -> memref<1x128xi32, #tpu.memory_space<hbm>>
        %dma_start3A_45 = tpu.memref_squeeze %dma_start3A_44 : memref<1x128xi32, #tpu.memory_space<hbm>> -> memref<128xi32, #tpu.memory_space<hbm>>
        %dma_start3A_46 = arith.constant 0 : i32
        %dma_start3A_47 = arith.constant 0 : i32
        %dma_start3A_48 = tpu.memref_slice %arg3[%arg1, %dma_start3A_46, %dma_start3A_47] : memref<16x158x128xi32, #tpu.memory_space<hbm>> -> memref<1x158x128xi32, #tpu.memory_space<hbm>>
        %dma_start3A_49 = tpu.memref_squeeze %dma_start3A_48 : memref<1x158x128xi32, #tpu.memory_space<hbm>> -> memref<158x128xi32, #tpu.memory_space<hbm>>
        %dma_start3A_50 = arith.constant 0 : i32
        %dma_start3A_51 = tpu.memref_slice %dma_start3A_49[%add3A, %dma_start3A_50] : memref<158x128xi32, #tpu.memory_space<hbm>> -> memref<1x128xi32, #tpu.memory_space<hbm>>
        %dma_start3A_52 = tpu.memref_squeeze %dma_start3A_51 : memref<1x128xi32, #tpu.memory_space<hbm>> -> memref<128xi32, #tpu.memory_space<hbm>>
        tpu.enqueue_dma source(%dma_start3A_52 : memref<128xi32, #tpu.memory_space<hbm>>) target(%arg7 : memref<128xi32, #tpu.memory_space<vmem>>) target_semaphore(%run_scoped3A : memref<!tpu.dma_semaphore, #tpu.memory_space<semaphore_mem>>)
        %dma_wait3A_53 = arith.constant 0 : i32
        %dma_wait3A_54 = arith.constant 0 : i32
        %dma_wait3A_55 = tpu.memref_slice %arg3[%arg1, %dma_wait3A_53, %dma_wait3A_54] : memref<16x158x128xi32, #tpu.memory_space<hbm>> -> memref<1x158x128xi32, #tpu.memory_space<hbm>>
        %dma_wait3A_56 = tpu.memref_squeeze %dma_wait3A_55 : memref<1x158x128xi32, #tpu.memory_space<hbm>> -> memref<158x128xi32, #tpu.memory_space<hbm>>
        %dma_wait3A_57 = arith.constant 0 : i32
        %dma_wait3A_58 = tpu.memref_slice %dma_wait3A_56[%add3A, %dma_wait3A_57] : memref<158x128xi32, #tpu.memory_space<hbm>> -> memref<1x128xi32, #tpu.memory_space<hbm>>
        %dma_wait3A_59 = tpu.memref_squeeze %dma_wait3A_58 : memref<1x128xi32, #tpu.memory_space<hbm>> -> memref<128xi32, #tpu.memory_space<hbm>>
        %dma_wait3A_60 = arith.constant 0 : i32
        %dma_wait3A_61 = arith.constant 0 : i32
        %dma_wait3A_62 = tpu.memref_slice %arg3[%arg1, %dma_wait3A_60, %dma_wait3A_61] : memref<16x158x128xi32, #tpu.memory_space<hbm>> -> memref<1x158x128xi32, #tpu.memory_space<hbm>>
        %dma_wait3A_63 = tpu.memref_squeeze %dma_wait3A_62 : memref<1x158x128xi32, #tpu.memory_space<hbm>> -> memref<158x128xi32, #tpu.memory_space<hbm>>
        %dma_wait3A_64 = arith.constant 0 : i32
        %dma_wait3A_65 = tpu.memref_slice %dma_wait3A_63[%add3A, %dma_wait3A_64] : memref<158x128xi32, #tpu.memory_space<hbm>> -> memref<1x128xi32, #tpu.memory_space<hbm>>
        %dma_wait3A_66 = tpu.memref_squeeze %dma_wait3A_65 : memref<1x128xi32, #tpu.memory_space<hbm>> -> memref<128xi32, #tpu.memory_space<hbm>>
        tpu.wait_dma2 semaphore(%run_scoped3A : memref<!tpu.dma_semaphore, #tpu.memory_space<semaphore_mem>>) src(%dma_wait3A_66 : memref<128xi32, #tpu.memory_space<hbm>>) dst(%arg7 : memref<128xi32, #tpu.memory_space<vmem>>)
        tpu.yield
      }) : () -> ()
      "tpu.region"() ({
        %run_scoped3A = tpu.sem_alloc : memref<!tpu.dma_semaphore, #tpu.memory_space<semaphore_mem>>
        %dma_start3A_39 = arith.constant 0 : i32
        %dma_start3A_40 = arith.constant 0 : i32
        %dma_start3A_41 = tpu.memref_slice %arg4[%arg1, %dma_start3A_39, %dma_start3A_40] : memref<16x158x128xi32, #tpu.memory_space<hbm>> -> memref<1x158x128xi32, #tpu.memory_space<hbm>>
        %dma_start3A_42 = tpu.memref_squeeze %dma_start3A_41 : memref<1x158x128xi32, #tpu.memory_space<hbm>> -> memref<158x128xi32, #tpu.memory_space<hbm>>
        %dma_start3A_43 = arith.constant 0 : i32
        %dma_start3A_44 = tpu.memref_slice %dma_start3A_42[%add3A, %dma_start3A_43] : memref<158x128xi32, #tpu.memory_space<hbm>> -> memref<1x128xi32, #tpu.memory_space<hbm>>
        %dma_start3A_45 = tpu.memref_squeeze %dma_start3A_44 : memref<1x128xi32, #tpu.memory_space<hbm>> -> memref<128xi32, #tpu.memory_space<hbm>>
        %dma_start3A_46 = arith.constant 0 : i32
        %dma_start3A_47 = arith.constant 0 : i32
        %dma_start3A_48 = tpu.memref_slice %arg4[%arg1, %dma_start3A_46, %dma_start3A_47] : memref<16x158x128xi32, #tpu.memory_space<hbm>> -> memref<1x158x128xi32, #tpu.memory_space<hbm>>
        %dma_start3A_49 = tpu.memref_squeeze %dma_start3A_48 : memref<1x158x128xi32, #tpu.memory_space<hbm>> -> memref<158x128xi32, #tpu.memory_space<hbm>>
        %dma_start3A_50 = arith.constant 0 : i32
        %dma_start3A_51 = tpu.memref_slice %dma_start3A_49[%add3A, %dma_start3A_50] : memref<158x128xi32, #tpu.memory_space<hbm>> -> memref<1x128xi32, #tpu.memory_space<hbm>>
        %dma_start3A_52 = tpu.memref_squeeze %dma_start3A_51 : memref<1x128xi32, #tpu.memory_space<hbm>> -> memref<128xi32, #tpu.memory_space<hbm>>
        tpu.enqueue_dma source(%dma_start3A_52 : memref<128xi32, #tpu.memory_space<hbm>>) target(%arg8 : memref<128xi32, #tpu.memory_space<vmem>>) target_semaphore(%run_scoped3A : memref<!tpu.dma_semaphore, #tpu.memory_space<semaphore_mem>>)
        %dma_wait3A_53 = arith.constant 0 : i32
        %dma_wait3A_54 = arith.constant 0 : i32
        %dma_wait3A_55 = tpu.memref_slice %arg4[%arg1, %dma_wait3A_53, %dma_wait3A_54] : memref<16x158x128xi32, #tpu.memory_space<hbm>> -> memref<1x158x128xi32, #tpu.memory_space<hbm>>
        %dma_wait3A_56 = tpu.memref_squeeze %dma_wait3A_55 : memref<1x158x128xi32, #tpu.memory_space<hbm>> -> memref<158x128xi32, #tpu.memory_space<hbm>>
        %dma_wait3A_57 = arith.constant 0 : i32
        %dma_wait3A_58 = tpu.memref_slice %dma_wait3A_56[%add3A, %dma_wait3A_57] : memref<158x128xi32, #tpu.memory_space<hbm>> -> memref<1x128xi32, #tpu.memory_space<hbm>>
        %dma_wait3A_59 = tpu.memref_squeeze %dma_wait3A_58 : memref<1x128xi32, #tpu.memory_space<hbm>> -> memref<128xi32, #tpu.memory_space<hbm>>
        %dma_wait3A_60 = arith.constant 0 : i32
        %dma_wait3A_61 = arith.constant 0 : i32
        %dma_wait3A_62 = tpu.memref_slice %arg4[%arg1, %dma_wait3A_60, %dma_wait3A_61] : memref<16x158x128xi32, #tpu.memory_space<hbm>> -> memref<1x158x128xi32, #tpu.memory_space<hbm>>
        %dma_wait3A_63 = tpu.memref_squeeze %dma_wait3A_62 : memref<1x158x128xi32, #tpu.memory_space<hbm>> -> memref<158x128xi32, #tpu.memory_space<hbm>>
        %dma_wait3A_64 = arith.constant 0 : i32
        %dma_wait3A_65 = tpu.memref_slice %dma_wait3A_63[%add3A, %dma_wait3A_64] : memref<158x128xi32, #tpu.memory_space<hbm>> -> memref<1x128xi32, #tpu.memory_space<hbm>>
        %dma_wait3A_66 = tpu.memref_squeeze %dma_wait3A_65 : memref<1x128xi32, #tpu.memory_space<hbm>> -> memref<128xi32, #tpu.memory_space<hbm>>
        tpu.wait_dma2 semaphore(%run_scoped3A : memref<!tpu.dma_semaphore, #tpu.memory_space<semaphore_mem>>) src(%dma_wait3A_66 : memref<128xi32, #tpu.memory_space<hbm>>) dst(%arg8 : memref<128xi32, #tpu.memory_space<vmem>>)
        tpu.yield
      }) : () -> ()
      %dma_start3A = arith.constant 0 : i32
      %dma_start3A_27 = arith.constant 0 : i32
      %dma_start3A_28 = tpu.memref_slice %arg2[%arg0, %dma_start3A, %dma_start3A_27] : memref<2x10000x128xf32, #tpu.memory_space<hbm>> -> memref<1x10000x128xf32, #tpu.memory_space<hbm>>
      %dma_start3A_29 = tpu.memref_squeeze %dma_start3A_28 : memref<1x10000x128xf32, #tpu.memory_space<hbm>> -> memref<10000x128xf32, #tpu.memory_space<hbm>>
      %dma_start3A_30 = arith.constant 0 : i32
      %dma_start3A_31 = arith.constant 0 : i32
      %dma_start3A_32 = tpu.memref_slice %dma_start3A_29[%dma_start3A_30, %dma_start3A_31] : memref<10000x128xf32, #tpu.memory_space<hbm>> -> memref<10000x128xf32, #tpu.memory_space<hbm>>
      tpu.enqueue_indirect_dma source(%dma_start3A_32 : memref<10000x128xf32, #tpu.memory_space<hbm>>) target(%arg9 : memref<128x128xf32, #tpu.memory_space<vmem>>) offsets(%arg7 : memref<128xi32, #tpu.memory_space<vmem>>) semaphore(%arg10 : memref<!tpu.dma_semaphore, #tpu.memory_space<semaphore_mem>>)
      %dma_wait3A = arith.constant 0 : i32
      %dma_wait3A_33 = arith.constant 0 : i32
      %dma_wait3A_34 = tpu.memref_slice %arg2[%arg0, %dma_wait3A, %dma_wait3A_33] : memref<2x10000x128xf32, #tpu.memory_space<hbm>> -> memref<1x10000x128xf32, #tpu.memory_space<hbm>>
      %dma_wait3A_35 = tpu.memref_squeeze %dma_wait3A_34 : memref<1x10000x128xf32, #tpu.memory_space<hbm>> -> memref<10000x128xf32, #tpu.memory_space<hbm>>
      %dma_wait3A_36 = arith.constant 0 : i32
      %dma_wait3A_37 = arith.constant 0 : i32
      %dma_wait3A_38 = tpu.memref_slice %dma_wait3A_35[%dma_wait3A_36, %dma_wait3A_37] : memref<10000x128xf32, #tpu.memory_space<hbm>> -> memref<10000x128xf32, #tpu.memory_space<hbm>>
      tpu.wait_indirect_dma semaphore(%arg10 : memref<!tpu.dma_semaphore, #tpu.memory_space<semaphore_mem>>) src(%dma_wait3A_38 : memref<10000x128xf32, #tpu.memory_space<hbm>>) dst(%arg9 : memref<128x128xf32, #tpu.memory_space<vmem>>)
      "tpu.region"() ({
        %run_scoped3A = tpu.sem_alloc : memref<!tpu.dma_semaphore, #tpu.memory_space<semaphore_mem>>
        %dma_start3A_39 = arith.constant 0 : i32
        %dma_start3A_40 = arith.constant 0 : i32
        %dma_start3A_41 = tpu.memref_slice %arg6[%dma_start3A_39, %dma_start3A_40] : memref<10016x128xf32, #tpu.memory_space<vmem_shared>> -> memref<10016x128xf32, #tpu.memory_space<vmem_shared>>
        tpu.enqueue_indirect_dma source(%arg9 : memref<128x128xf32, #tpu.memory_space<vmem>>) target(%dma_start3A_41 : memref<10016x128xf32, #tpu.memory_space<vmem_shared>>) offsets(%arg8 : memref<128xi32, #tpu.memory_space<vmem>>) semaphore(%run_scoped3A : memref<!tpu.dma_semaphore, #tpu.memory_space<semaphore_mem>>) {add = true}
        %dma_wait3A_42 = arith.constant 0 : i32
        %dma_wait3A_43 = arith.constant 0 : i32
        %dma_wait3A_44 = tpu.memref_slice %arg6[%dma_wait3A_42, %dma_wait3A_43] : memref<10016x128xf32, #tpu.memory_space<vmem_shared>> -> memref<10016x128xf32, #tpu.memory_space<vmem_shared>>
        tpu.wait_indirect_dma semaphore(%run_scoped3A : memref<!tpu.dma_semaphore, #tpu.memory_space<semaphore_mem>>) src(%arg9 : memref<128x128xf32, #tpu.memory_space<vmem>>) dst(%dma_wait3A_44 : memref<10016x128xf32, #tpu.memory_space<vmem_shared>>)
        tpu.yield
      }) : () -> ()
    }
    %barrier3A_20 = arith.constant 0 : index
    tpu.barrier barrier_id(%barrier3A_20)
    "tpu.region"() ({
      %run_scoped3A = tpu.sem_alloc : memref<!tpu.dma_semaphore, #tpu.memory_space<semaphore_mem>>
      %dma_start3A = arith.constant 0 : i32
      %dma_start3A_26 = arith.constant 0 : i32
      %dma_start3A_27 = tpu.memref_slice %arg5[%arg0, %dma_start3A, %dma_start3A_26] : memref<2x10000x128xf32, #tpu.memory_space<hbm>> -> memref<1x10000x128xf32, #tpu.memory_space<hbm>>
      %dma_start3A_28 = tpu.memref_squeeze %dma_start3A_27 : memref<1x10000x128xf32, #tpu.memory_space<hbm>> -> memref<10000x128xf32, #tpu.memory_space<hbm>>
      %dma_start3A_29 = arith.constant 0 : i32
      %dma_start3A_30 = tpu.memref_slice %dma_start3A_28[%mul3A_7, %dma_start3A_29] : memref<10000x128xf32, #tpu.memory_space<hbm>> -> memref<624x128xf32, #tpu.memory_space<hbm>>
      %dma_start3A_31 = arith.constant 0 : i32
      %dma_start3A_32 = tpu.memref_slice %arg6[%mul3A_7, %dma_start3A_31] : memref<10016x128xf32, #tpu.memory_space<vmem_shared>> -> memref<624x128xf32, #tpu.memory_space<vmem_shared>>
      tpu.enqueue_dma source(%dma_start3A_32 : memref<624x128xf32, #tpu.memory_space<vmem_shared>>) target(%dma_start3A_30 : memref<624x128xf32, #tpu.memory_space<hbm>>) target_semaphore(%run_scoped3A : memref<!tpu.dma_semaphore, #tpu.memory_space<semaphore_mem>>)
      %dma_wait3A = arith.constant 0 : i32
      %dma_wait3A_33 = arith.constant 0 : i32
      %dma_wait3A_34 = tpu.memref_slice %arg5[%arg0, %dma_wait3A, %dma_wait3A_33] : memref<2x10000x128xf32, #tpu.memory_space<hbm>> -> memref<1x10000x128xf32, #tpu.memory_space<hbm>>
      %dma_wait3A_35 = tpu.memref_squeeze %dma_wait3A_34 : memref<1x10000x128xf32, #tpu.memory_space<hbm>> -> memref<10000x128xf32, #tpu.memory_space<hbm>>
      %dma_wait3A_36 = arith.constant 0 : i32
      %dma_wait3A_37 = tpu.memref_slice %dma_wait3A_35[%mul3A_7, %dma_wait3A_36] : memref<10000x128xf32, #tpu.memory_space<hbm>> -> memref<624x128xf32, #tpu.memory_space<hbm>>
      %dma_wait3A_38 = arith.constant 0 : i32
      %dma_wait3A_39 = tpu.memref_slice %arg6[%mul3A_7, %dma_wait3A_38] : memref<10016x128xf32, #tpu.memory_space<vmem_shared>> -> memref<624x128xf32, #tpu.memory_space<vmem_shared>>
      tpu.wait_dma2 semaphore(%run_scoped3A : memref<!tpu.dma_semaphore, #tpu.memory_space<semaphore_mem>>) src(%dma_wait3A_39 : memref<624x128xf32, #tpu.memory_space<vmem_shared>>) dst(%dma_wait3A_37 : memref<624x128xf32, #tpu.memory_space<hbm>>)
      tpu.yield
    }) : () -> ()
    %eq3A_21 = arith.constant 15 : i32
    %eq3A_22 = arith.cmpi eq, %arg1, %eq3A_21 : i32
    %convert_element_type3A_23 = arith.extui %eq3A_22 : i1 to i32
    %cond3A_24 = arith.constant 0 : i32
    %cond3A_25 = arith.cmpi ne, %convert_element_type3A_23, %cond3A_24 : i32
    scf.if %cond3A_25 {
      "tpu.region"() ({
        %run_scoped3A = tpu.sem_alloc : memref<!tpu.dma_semaphore, #tpu.memory_space<semaphore_mem>>
        %dma_start3A = arith.constant 0 : i32
        %dma_start3A_26 = arith.constant 0 : i32
        %dma_start3A_27 = tpu.memref_slice %arg5[%arg0, %dma_start3A, %dma_start3A_26] : memref<2x10000x128xf32, #tpu.memory_space<hbm>> -> memref<1x10000x128xf32, #tpu.memory_space<hbm>>
        %dma_start3A_28 = tpu.memref_squeeze %dma_start3A_27 : memref<1x10000x128xf32, #tpu.memory_space<hbm>> -> memref<10000x128xf32, #tpu.memory_space<hbm>>
        %dma_start3A_29 = arith.constant 9984 : i32
        %dma_start3A_30 = arith.constant 0 : i32
        %dma_start3A_31 = tpu.memref_slice %dma_start3A_28[%dma_start3A_29, %dma_start3A_30] : memref<10000x128xf32, #tpu.memory_space<hbm>> -> memref<16x128xf32, #tpu.memory_space<hbm>>
        %dma_start3A_32 = arith.constant 9984 : i32
        %dma_start3A_33 = arith.constant 0 : i32
        %dma_start3A_34 = tpu.memref_slice %arg6[%dma_start3A_32, %dma_start3A_33] : memref<10016x128xf32, #tpu.memory_space<vmem_shared>> -> memref<16x128xf32, #tpu.memory_space<vmem_shared>>
        tpu.enqueue_dma source(%dma_start3A_34 : memref<16x128xf32, #tpu.memory_space<vmem_shared>>) target(%dma_start3A_31 : memref<16x128xf32, #tpu.memory_space<hbm>>) target_semaphore(%run_scoped3A : memref<!tpu.dma_semaphore, #tpu.memory_space<semaphore_mem>>)
        %dma_wait3A = arith.constant 0 : i32
        %dma_wait3A_35 = arith.constant 0 : i32
        %dma_wait3A_36 = tpu.memref_slice %arg5[%arg0, %dma_wait3A, %dma_wait3A_35] : memref<2x10000x128xf32, #tpu.memory_space<hbm>> -> memref<1x10000x128xf32, #tpu.memory_space<hbm>>
        %dma_wait3A_37 = tpu.memref_squeeze %dma_wait3A_36 : memref<1x10000x128xf32, #tpu.memory_space<hbm>> -> memref<10000x128xf32, #tpu.memory_space<hbm>>
        %dma_wait3A_38 = arith.constant 9984 : i32
        %dma_wait3A_39 = arith.constant 0 : i32
        %dma_wait3A_40 = tpu.memref_slice %dma_wait3A_37[%dma_wait3A_38, %dma_wait3A_39] : memref<10000x128xf32, #tpu.memory_space<hbm>> -> memref<16x128xf32, #tpu.memory_space<hbm>>
        %dma_wait3A_41 = arith.constant 9984 : i32
        %dma_wait3A_42 = arith.constant 0 : i32
        %dma_wait3A_43 = tpu.memref_slice %arg6[%dma_wait3A_41, %dma_wait3A_42] : memref<10016x128xf32, #tpu.memory_space<vmem_shared>> -> memref<16x128xf32, #tpu.memory_space<vmem_shared>>
        tpu.wait_dma2 semaphore(%run_scoped3A : memref<!tpu.dma_semaphore, #tpu.memory_space<semaphore_mem>>) src(%dma_wait3A_43 : memref<16x128xf32, #tpu.memory_space<vmem_shared>>) dst(%dma_wait3A_40 : memref<16x128xf32, #tpu.memory_space<hbm>>)
        tpu.yield
      }) : () -> ()
    } else {
    }
    return
  }
}

module attributes {stable_mosaic.version = 14 : i64} {
  func.func @body(%arg0: memref<2x16x10112xf32, #tpu.memory_space<vmem>>, %arg1: memref<10000x128xf32, #tpu.memory_space<vmem>>, %arg2: memref<10000x1xf32, #tpu.memory_space<vmem>>, %arg3: memref<2x10000x128xf32, #tpu.memory_space<vmem>>) attributes {dimension_semantics = [], scalar_prefetch = 0 : i64, scratch_operands = 0 : i64, tpu.core_type = #tpu.core_type<tc>} {
    %get3A = arith.constant 0 : index
    %get3A_0 = arith.constant 0 : index
    %get3A_1 = arith.constant 0 : index
    %get3A_2 = vector.load %arg0[%get3A, %get3A_0, %get3A_1] : memref<2x16x10112xf32, #tpu.memory_space<vmem>>, vector<2x16x10112xf32>
    %reshape3A = vector.shape_cast %get3A_2 : vector<2x16x10112xf32> to vector<32x10112xf32>
    %slice3A = vector.extract_strided_slice %reshape3A {offsets = [0, 0], sizes = [32, 10000], strides = [1, 1]} : vector<32x10112xf32> to vector<32x10000xf32>
    %reduce_sum3A = arith.constant dense<0.000000e+00> : vector<10000xf32>
    %reduce_sum3A_3 = vector.multi_reduction <add>, %slice3A, %reduce_sum3A [0] : vector<32x10000xf32> to vector<10000xf32>
    %broadcast_in_dim3A = vector.shape_cast %reduce_sum3A_3 : vector<10000xf32> to vector<10000x1xf32>
    %add3A = arith.constant 1.000000e+00 : f32
    %add3A_4 = vector.broadcast %add3A : f32 to vector<10000x1xf32>
    %add3A_5 = arith.addf %broadcast_in_dim3A, %add3A_4 : vector<10000x1xf32>
    %max3A = arith.constant 9.99999996E-13 : f32
    %max3A_6 = vector.broadcast %max3A : f32 to vector<10000x1xf32>
    %max3A_7 = arith.maximumf %add3A_5, %max3A_6 : vector<10000x1xf32>
    %rsqrt3A = math.rsqrt %max3A_7 : vector<10000x1xf32>
    %swap3A = arith.constant 0 : index
    %swap3A_8 = arith.constant 0 : index
    %swap3A_9 = vector.load %arg2[%swap3A, %swap3A_8] : memref<10000x1xf32, #tpu.memory_space<vmem>>, vector<10000x1xf32>
    tpu.vector_store %arg2[%swap3A, %swap3A_8], %rsqrt3A {strides = array<i32>} : memref<10000x1xf32, #tpu.memory_space<vmem>>, vector<10000x1xf32>,
    %get3A_10 = arith.constant 0 : index
    %get3A_11 = arith.constant 0 : index
    %get3A_12 = vector.load %arg1[%get3A_10, %get3A_11] : memref<10000x128xf32, #tpu.memory_space<vmem>>, vector<10000x128xf32>
    %mul3A = vector.broadcast %rsqrt3A : vector<10000x1xf32> to vector<10000x128xf32>
    %mul3A_13 = arith.mulf %get3A_12, %mul3A : vector<10000x128xf32>
    %swap3A_14 = arith.constant 0 : index
    %swap3A_15 = arith.constant 0 : index
    %swap3A_16 = arith.constant 0 : index
    %swap3A_17 = vector.load %arg3[%swap3A_14, %swap3A_15, %swap3A_16] : memref<2x10000x128xf32, #tpu.memory_space<vmem>>, vector<1x10000x128xf32>
    %swap3A_18 = vector.shape_cast %swap3A_17 : vector<1x10000x128xf32> to vector<10000x128xf32>
    %swap3A_19 = vector.shape_cast %mul3A_13 : vector<10000x128xf32> to vector<1x10000x128xf32>
    tpu.vector_store %arg3[%swap3A_14, %swap3A_15, %swap3A_16], %swap3A_19 {strides = array<i32>} : memref<2x10000x128xf32, #tpu.memory_space<vmem>>, vector<1x10000x128xf32>,
    %swap3A_20 = arith.constant 1 : index
    %swap3A_21 = arith.constant 0 : index
    %swap3A_22 = arith.constant 0 : index
    %swap3A_23 = vector.load %arg3[%swap3A_20, %swap3A_21, %swap3A_22] : memref<2x10000x128xf32, #tpu.memory_space<vmem>>, vector<1x10000x128xf32>
    %swap3A_24 = vector.shape_cast %swap3A_23 : vector<1x10000x128xf32> to vector<10000x128xf32>
    %swap3A_25 = vector.shape_cast %mul3A_13 : vector<10000x128xf32> to vector<1x10000x128xf32>
    tpu.vector_store %arg3[%swap3A_20, %swap3A_21, %swap3A_22], %swap3A_25 {strides = array<i32>} : memref<2x10000x128xf32, #tpu.memory_space<vmem>>, vector<1x10000x128xf32>,
    return
  }
}

module attributes {stable_mosaic.version = 14 : i64} {
  func.func @body(%arg0: i32, %arg1: memref<2x2000x128xf32, #tpu.memory_space<vmem>>, %arg2: memref<2x2000x128xf32, #tpu.memory_space<vmem>>, %arg3: memref<2000x1xf32, #tpu.memory_space<vmem>>, %arg4: memref<128x256xf32, #tpu.memory_space<vmem>>, %arg5: memref<1x256xf32, #tpu.memory_space<vmem>>, %arg6: memref<256x256xf32, #tpu.memory_space<vmem>>, %arg7: memref<2x2000x128xf32, #tpu.memory_space<vmem>>) attributes {dimension_semantics = [#tpu.dimension_semantics<arbitrary>], iteration_bounds = array<i64: 5>, scalar_prefetch = 0 : i64, scratch_operands = 0 : i64, tpu.core_type = #tpu.core_type<tc>, window_params = [{transform_indices = @transform_0, window_bounds = array<i64: 2, 2000, 128>}, {transform_indices = @transform_1, window_bounds = array<i64: 2, 2000, 128>}, {transform_indices = @transform_2, window_bounds = array<i64: 2000, 1>}, {pipeline_mode = #tpu.pipeline_mode<synchronous>, transform_indices = @transform_3, window_bounds = array<i64: 128, 256>}, {pipeline_mode = #tpu.pipeline_mode<synchronous>, transform_indices = @transform_4, window_bounds = array<i64: 1, 256>}, {pipeline_mode = #tpu.pipeline_mode<synchronous>, transform_indices = @transform_5, window_bounds = array<i64: 256, 256>}, {transform_indices = @transform_6, window_bounds = array<i64: 2, 2000, 128>}]} {
    %get3A = arith.constant 0 : index
    %get3A_0 = arith.constant 0 : index
    %get3A_1 = vector.load %arg3[%get3A, %get3A_0] : memref<2000x1xf32, #tpu.memory_space<vmem>>, vector<2000x1xf32>
    %get3A_2 = arith.constant 0 : index
    %get3A_3 = arith.constant 0 : index
    %get3A_4 = arith.constant 0 : index
    %get3A_5 = vector.load %arg1[%get3A_2, %get3A_3, %get3A_4] : memref<2x2000x128xf32, #tpu.memory_space<vmem>>, vector<1x2000x128xf32>
    %get3A_6 = vector.shape_cast %get3A_5 : vector<1x2000x128xf32> to vector<2000x128xf32>
    %get3A_7 = arith.constant 1 : index
    %get3A_8 = arith.constant 0 : index
    %get3A_9 = arith.constant 0 : index
    %get3A_10 = vector.load %arg1[%get3A_7, %get3A_8, %get3A_9] : memref<2x2000x128xf32, #tpu.memory_space<vmem>>, vector<1x2000x128xf32>
    %get3A_11 = vector.shape_cast %get3A_10 : vector<1x2000x128xf32> to vector<2000x128xf32>
    %add3A = arith.addf %get3A_6, %get3A_11 : vector<2000x128xf32>
    %get3A_12 = arith.constant 0 : index
    %get3A_13 = arith.constant 0 : index
    %get3A_14 = arith.constant 0 : index
    %get3A_15 = vector.load %arg2[%get3A_12, %get3A_13, %get3A_14] : memref<2x2000x128xf32, #tpu.memory_space<vmem>>, vector<1x2000x128xf32>
    %get3A_16 = vector.shape_cast %get3A_15 : vector<1x2000x128xf32> to vector<2000x128xf32>
    %sub3A = arith.subf %add3A, %get3A_16 : vector<2000x128xf32>
    %mul3A = vector.broadcast %get3A_1 : vector<2000x1xf32> to vector<2000x128xf32>
    %mul3A_17 = arith.mulf %sub3A, %mul3A : vector<2000x128xf32>
    %get3A_18 = arith.constant 0 : index
    %get3A_19 = arith.constant 0 : index
    %get3A_20 = vector.load %arg4[%get3A_18, %get3A_19] : memref<128x256xf32, #tpu.memory_space<vmem>>, vector<128x256xf32>
    %dot_general3A = arith.constant dense<0.000000e+00> : vector<2000x256xf32>
    %dot_general3A_21 = tpu.matmul %mul3A_17, %get3A_20, %dot_general3A {dimension_numbers = #tpu.dot_dimension_numbers<[1], [0], [0], [1], [0, 0, 1, 1], [], []>, transpose_lhs_hint = false} : vector<2000x128xf32>, vector<128x256xf32>, vector<2000x256xf32> -> vector<2000x256xf32>
    %get3A_22 = arith.constant 0 : index
    %get3A_23 = arith.constant 0 : index
    %get3A_24 = vector.load %arg5[%get3A_22, %get3A_23] : memref<1x256xf32, #tpu.memory_space<vmem>>, vector<1x256xf32>
    %add3A_25 = vector.broadcast %get3A_24 : vector<1x256xf32> to vector<2000x256xf32>
    %add3A_26 = arith.addf %dot_general3A_21, %add3A_25 : vector<2000x256xf32>
    %max3A = arith.constant 0.000000e+00 : f32
    %max3A_27 = vector.broadcast %max3A : f32 to vector<2000x256xf32>
    %max3A_28 = arith.maximumf %add3A_26, %max3A_27 : vector<2000x256xf32>
    %get3A_29 = arith.constant 0 : index
    %get3A_30 = arith.constant 0 : index
    %get3A_31 = vector.load %arg6[%get3A_29, %get3A_30] : memref<256x256xf32, #tpu.memory_space<vmem>>, vector<256x256xf32>
    %dot_general3A_32 = arith.constant dense<0.000000e+00> : vector<2000x256xf32>
    %dot_general3A_33 = tpu.matmul %max3A_28, %get3A_31, %dot_general3A_32 {dimension_numbers = #tpu.dot_dimension_numbers<[1], [0], [0], [1], [0, 0, 1, 1], [], []>, transpose_lhs_hint = false} : vector<2000x256xf32>, vector<256x256xf32>, vector<2000x256xf32> -> vector<2000x256xf32>
    %mul3A_34 = vector.broadcast %get3A_1 : vector<2000x1xf32> to vector<2000x256xf32>
    %mul3A_35 = arith.mulf %dot_general3A_33, %mul3A_34 : vector<2000x256xf32>
    %slice3A = vector.extract_strided_slice %mul3A_35 {offsets = [0, 0], sizes = [2000, 128], strides = [1, 1]} : vector<2000x256xf32> to vector<2000x128xf32>
    %swap3A = arith.constant 0 : index
    %swap3A_36 = arith.constant 0 : index
    %swap3A_37 = arith.constant 0 : index
    %swap3A_38 = vector.load %arg7[%swap3A, %swap3A_36, %swap3A_37] : memref<2x2000x128xf32, #tpu.memory_space<vmem>>, vector<1x2000x128xf32>
    %swap3A_39 = vector.shape_cast %swap3A_38 : vector<1x2000x128xf32> to vector<2000x128xf32>
    %swap3A_40 = vector.shape_cast %slice3A : vector<2000x128xf32> to vector<1x2000x128xf32>
    tpu.vector_store %arg7[%swap3A, %swap3A_36, %swap3A_37], %swap3A_40 {strides = array<i32>} : memref<2x2000x128xf32, #tpu.memory_space<vmem>>, vector<1x2000x128xf32>,
    %slice3A_41 = vector.extract_strided_slice %mul3A_35 {offsets = [0, 128], sizes = [2000, 128], strides = [1, 1]} : vector<2000x256xf32> to vector<2000x128xf32>
    %swap3A_42 = arith.constant 1 : index
    %swap3A_43 = arith.constant 0 : index
    %swap3A_44 = arith.constant 0 : index
    %swap3A_45 = vector.load %arg7[%swap3A_42, %swap3A_43, %swap3A_44] : memref<2x2000x128xf32, #tpu.memory_space<vmem>>, vector<1x2000x128xf32>
    %swap3A_46 = vector.shape_cast %swap3A_45 : vector<1x2000x128xf32> to vector<2000x128xf32>
    %swap3A_47 = vector.shape_cast %slice3A_41 : vector<2000x128xf32> to vector<1x2000x128xf32>
    tpu.vector_store %arg7[%swap3A_42, %swap3A_43, %swap3A_44], %swap3A_47 {strides = array<i32>} : memref<2x2000x128xf32, #tpu.memory_space<vmem>>, vector<1x2000x128xf32>,
    return
  }
  func.func @transform_0(%arg0: i32) -> (i32, i32, i32) {
    %c0_i32 = arith.constant 0 : i32
    %c0_i32_0 = arith.constant 0 : i32
    %c0_i32_1 = arith.constant 0 : i32
    return %c0_i32, %arg0, %c0_i32_0 : i32, i32, i32
  }
  func.func @transform_1(%arg0: i32) -> (i32, i32, i32) {
    %c0_i32 = arith.constant 0 : i32
    %c0_i32_0 = arith.constant 0 : i32
    %c0_i32_1 = arith.constant 0 : i32
    return %c0_i32, %arg0, %c0_i32_0 : i32, i32, i32
  }
  func.func @transform_2(%arg0: i32) -> (i32, i32) {
    %c0_i32 = arith.constant 0 : i32
    %c0_i32_0 = arith.constant 0 : i32
    return %arg0, %c0_i32 : i32, i32
  }
  func.func @transform_3(%arg0: i32) -> (i32, i32) {
    %c0_i32 = arith.constant 0 : i32
    %c0_i32_0 = arith.constant 0 : i32
    %c0_i32_1 = arith.constant 0 : i32
    return %c0_i32, %c0_i32_0 : i32, i32
  }
  func.func @transform_4(%arg0: i32) -> (i32, i32) {
    %c0_i32 = arith.constant 0 : i32
    %c0_i32_0 = arith.constant 0 : i32
    %c0_i32_1 = arith.constant 0 : i32
    return %c0_i32, %c0_i32_0 : i32, i32
  }
  func.func @transform_5(%arg0: i32) -> (i32, i32) {
    %c0_i32 = arith.constant 0 : i32
    %c0_i32_0 = arith.constant 0 : i32
    %c0_i32_1 = arith.constant 0 : i32
    return %c0_i32, %c0_i32_0 : i32, i32
  }
  func.func @transform_6(%arg0: i32) -> (i32, i32, i32) {
    %c0_i32 = arith.constant 0 : i32
    %c0_i32_0 = arith.constant 0 : i32
    %c0_i32_1 = arith.constant 0 : i32
    return %c0_i32, %arg0, %c0_i32_0 : i32, i32, i32
  }
}

module attributes {stable_mosaic.version = 14 : i64} {
  func.func @body(%arg0: i32, %arg1: memref<2x2000x128xf32, #tpu.memory_space<vmem>>, %arg2: memref<2000x1xf32, #tpu.memory_space<vmem>>, %arg3: memref<1x256xf32, #tpu.memory_space<vmem>>, %arg4: memref<256x256xf32, #tpu.memory_space<vmem>>, %arg5: memref<256x128xf32, #tpu.memory_space<vmem>>, %arg6: memref<2x2000x128xf32, #tpu.memory_space<vmem>>) attributes {dimension_semantics = [#tpu.dimension_semantics<arbitrary>], iteration_bounds = array<i64: 5>, scalar_prefetch = 0 : i64, scratch_operands = 0 : i64, tpu.core_type = #tpu.core_type<tc>, window_params = [{transform_indices = @transform_0, window_bounds = array<i64: 2, 2000, 128>}, {transform_indices = @transform_1, window_bounds = array<i64: 2000, 1>}, {pipeline_mode = #tpu.pipeline_mode<synchronous>, transform_indices = @transform_2, window_bounds = array<i64: 1, 256>}, {pipeline_mode = #tpu.pipeline_mode<synchronous>, transform_indices = @transform_3, window_bounds = array<i64: 256, 256>}, {pipeline_mode = #tpu.pipeline_mode<synchronous>, transform_indices = @transform_4, window_bounds = array<i64: 256, 128>}, {transform_indices = @transform_5, window_bounds = array<i64: 2, 2000, 128>}]} {
    %get3A = arith.constant 0 : index
    %get3A_0 = arith.constant 0 : index
    %get3A_1 = vector.load %arg2[%get3A, %get3A_0] : memref<2000x1xf32, #tpu.memory_space<vmem>>, vector<2000x1xf32>
    %get3A_2 = arith.constant 0 : index
    %get3A_3 = arith.constant 0 : index
    %get3A_4 = arith.constant 0 : index
    %get3A_5 = vector.load %arg1[%get3A_2, %get3A_3, %get3A_4] : memref<2x2000x128xf32, #tpu.memory_space<vmem>>, vector<1x2000x128xf32>
    %get3A_6 = vector.shape_cast %get3A_5 : vector<1x2000x128xf32> to vector<2000x128xf32>
    %get3A_7 = arith.constant 1 : index
    %get3A_8 = arith.constant 0 : index
    %get3A_9 = arith.constant 0 : index
    %get3A_10 = vector.load %arg1[%get3A_7, %get3A_8, %get3A_9] : memref<2x2000x128xf32, #tpu.memory_space<vmem>>, vector<1x2000x128xf32>
    %get3A_11 = vector.shape_cast %get3A_10 : vector<1x2000x128xf32> to vector<2000x128xf32>
    %concatenate3A = tpu.concatenate %get3A_6, %get3A_11 in 1 : vector<2000x128xf32>, vector<2000x128xf32> -> vector<2000x256xf32>
    %mul3A = vector.broadcast %get3A_1 : vector<2000x1xf32> to vector<2000x256xf32>
    %mul3A_12 = arith.mulf %concatenate3A, %mul3A : vector<2000x256xf32>
    %get3A_13 = arith.constant 0 : index
    %get3A_14 = arith.constant 0 : index
    %get3A_15 = vector.load %arg3[%get3A_13, %get3A_14] : memref<1x256xf32, #tpu.memory_space<vmem>>, vector<1x256xf32>
    %add3A = vector.broadcast %get3A_15 : vector<1x256xf32> to vector<2000x256xf32>
    %add3A_16 = arith.addf %mul3A_12, %add3A : vector<2000x256xf32>
    %max3A = arith.constant 0.000000e+00 : f32
    %max3A_17 = vector.broadcast %max3A : f32 to vector<2000x256xf32>
    %max3A_18 = arith.maximumf %add3A_16, %max3A_17 : vector<2000x256xf32>
    %get3A_19 = arith.constant 0 : index
    %get3A_20 = arith.constant 0 : index
    %get3A_21 = vector.load %arg4[%get3A_19, %get3A_20] : memref<256x256xf32, #tpu.memory_space<vmem>>, vector<256x256xf32>
    %dot_general3A = arith.constant dense<0.000000e+00> : vector<2000x256xf32>
    %dot_general3A_22 = tpu.matmul %max3A_18, %get3A_21, %dot_general3A {dimension_numbers = #tpu.dot_dimension_numbers<[1], [0], [0], [1], [0, 0, 1, 1], [], []>, transpose_lhs_hint = false} : vector<2000x256xf32>, vector<256x256xf32>, vector<2000x256xf32> -> vector<2000x256xf32>
    %get3A_23 = arith.constant 0 : index
    %get3A_24 = arith.constant 0 : index
    %get3A_25 = vector.load %arg5[%get3A_23, %get3A_24] : memref<256x128xf32, #tpu.memory_space<vmem>>, vector<256x128xf32>
    %dot_general3A_26 = arith.constant dense<0.000000e+00> : vector<2000x128xf32>
    %dot_general3A_27 = tpu.matmul %dot_general3A_22, %get3A_25, %dot_general3A_26 {dimension_numbers = #tpu.dot_dimension_numbers<[1], [0], [0], [1], [0, 0, 1, 1], [], []>, transpose_lhs_hint = false} : vector<2000x256xf32>, vector<256x128xf32>, vector<2000x128xf32> -> vector<2000x128xf32>
    %mul3A_28 = vector.broadcast %get3A_1 : vector<2000x1xf32> to vector<2000x128xf32>
    %mul3A_29 = arith.mulf %dot_general3A_27, %mul3A_28 : vector<2000x128xf32>
    %swap3A = arith.constant 0 : index
    %swap3A_30 = arith.constant 0 : index
    %swap3A_31 = arith.constant 0 : index
    %swap3A_32 = vector.load %arg6[%swap3A, %swap3A_30, %swap3A_31] : memref<2x2000x128xf32, #tpu.memory_space<vmem>>, vector<1x2000x128xf32>
    %swap3A_33 = vector.shape_cast %swap3A_32 : vector<1x2000x128xf32> to vector<2000x128xf32>
    %swap3A_34 = vector.shape_cast %mul3A_29 : vector<2000x128xf32> to vector<1x2000x128xf32>
    tpu.vector_store %arg6[%swap3A, %swap3A_30, %swap3A_31], %swap3A_34 {strides = array<i32>} : memref<2x2000x128xf32, #tpu.memory_space<vmem>>, vector<1x2000x128xf32>,
    %swap3A_35 = arith.constant 1 : index
    %swap3A_36 = arith.constant 0 : index
    %swap3A_37 = arith.constant 0 : index
    %swap3A_38 = vector.load %arg6[%swap3A_35, %swap3A_36, %swap3A_37] : memref<2x2000x128xf32, #tpu.memory_space<vmem>>, vector<1x2000x128xf32>
    %swap3A_39 = vector.shape_cast %swap3A_38 : vector<1x2000x128xf32> to vector<2000x128xf32>
    %swap3A_40 = vector.shape_cast %mul3A_29 : vector<2000x128xf32> to vector<1x2000x128xf32>
    tpu.vector_store %arg6[%swap3A_35, %swap3A_36, %swap3A_37], %swap3A_40 {strides = array<i32>} : memref<2x2000x128xf32, #tpu.memory_space<vmem>>, vector<1x2000x128xf32>,
    return
  }
  func.func @transform_0(%arg0: i32) -> (i32, i32, i32) {
    %c0_i32 = arith.constant 0 : i32
    %c0_i32_0 = arith.constant 0 : i32
    %c0_i32_1 = arith.constant 0 : i32
    return %c0_i32, %arg0, %c0_i32_0 : i32, i32, i32
  }
  func.func @transform_1(%arg0: i32) -> (i32, i32) {
    %c0_i32 = arith.constant 0 : i32
    %c0_i32_0 = arith.constant 0 : i32
    return %arg0, %c0_i32 : i32, i32
  }
  func.func @transform_2(%arg0: i32) -> (i32, i32) {
    %c0_i32 = arith.constant 0 : i32
    %c0_i32_0 = arith.constant 0 : i32
    %c0_i32_1 = arith.constant 0 : i32
    return %c0_i32, %c0_i32_0 : i32, i32
  }
  func.func @transform_3(%arg0: i32) -> (i32, i32) {
    %c0_i32 = arith.constant 0 : i32
    %c0_i32_0 = arith.constant 0 : i32
    %c0_i32_1 = arith.constant 0 : i32
    return %c0_i32, %c0_i32_0 : i32, i32
  }
  func.func @transform_4(%arg0: i32) -> (i32, i32) {
    %c0_i32 = arith.constant 0 : i32
    %c0_i32_0 = arith.constant 0 : i32
    %c0_i32_1 = arith.constant 0 : i32
    return %c0_i32, %c0_i32_0 : i32, i32
  }
  func.func @transform_5(%arg0: i32) -> (i32, i32, i32) {
    %c0_i32 = arith.constant 0 : i32
    %c0_i32_0 = arith.constant 0 : i32
    %c0_i32_1 = arith.constant 0 : i32
    return %c0_i32, %arg0, %c0_i32_0 : i32, i32, i32
  }
}

module attributes {stable_mosaic.version = 14 : i64} {
  func.func @body(%arg0: i32, %arg1: memref<2x2000x128xf32, #tpu.memory_space<vmem>>, %arg2: memref<2x2000x128xf32, #tpu.memory_space<vmem>>, %arg3: memref<2000x1xf32, #tpu.memory_space<vmem>>, %arg4: memref<1x256xf32, #tpu.memory_space<vmem>>, %arg5: memref<256x40xf32, #tpu.memory_space<vmem>>, %arg6: memref<1x40xf32, #tpu.memory_space<vmem>>, %arg7: memref<2000x40xf32, #tpu.memory_space<vmem>>) attributes {dimension_semantics = [#tpu.dimension_semantics<arbitrary>], iteration_bounds = array<i64: 5>, scalar_prefetch = 0 : i64, scratch_operands = 0 : i64, tpu.core_type = #tpu.core_type<tc>, window_params = [{transform_indices = @transform_0, window_bounds = array<i64: 2, 2000, 128>}, {transform_indices = @transform_1, window_bounds = array<i64: 2, 2000, 128>}, {transform_indices = @transform_2, window_bounds = array<i64: 2000, 1>}, {pipeline_mode = #tpu.pipeline_mode<synchronous>, transform_indices = @transform_3, window_bounds = array<i64: 1, 256>}, {pipeline_mode = #tpu.pipeline_mode<synchronous>, transform_indices = @transform_4, window_bounds = array<i64: 256, 40>}, {pipeline_mode = #tpu.pipeline_mode<synchronous>, transform_indices = @transform_5, window_bounds = array<i64: 1, 40>}, {transform_indices = @transform_6, window_bounds = array<i64: 2000, 40>}]} {
    %get3A = arith.constant 0 : index
    %get3A_0 = arith.constant 0 : index
    %get3A_1 = arith.constant 0 : index
    %get3A_2 = vector.load %arg1[%get3A, %get3A_0, %get3A_1] : memref<2x2000x128xf32, #tpu.memory_space<vmem>>, vector<1x2000x128xf32>
    %get3A_3 = vector.shape_cast %get3A_2 : vector<1x2000x128xf32> to vector<2000x128xf32>
    %get3A_4 = arith.constant 1 : index
    %get3A_5 = arith.constant 0 : index
    %get3A_6 = arith.constant 0 : index
    %get3A_7 = vector.load %arg1[%get3A_4, %get3A_5, %get3A_6] : memref<2x2000x128xf32, #tpu.memory_space<vmem>>, vector<1x2000x128xf32>
    %get3A_8 = vector.shape_cast %get3A_7 : vector<1x2000x128xf32> to vector<2000x128xf32>
    %add3A = arith.addf %get3A_3, %get3A_8 : vector<2000x128xf32>
    %get3A_9 = arith.constant 0 : index
    %get3A_10 = arith.constant 0 : index
    %get3A_11 = arith.constant 0 : index
    %get3A_12 = vector.load %arg2[%get3A_9, %get3A_10, %get3A_11] : memref<2x2000x128xf32, #tpu.memory_space<vmem>>, vector<1x2000x128xf32>
    %get3A_13 = vector.shape_cast %get3A_12 : vector<1x2000x128xf32> to vector<2000x128xf32>
    %sub3A = arith.subf %add3A, %get3A_13 : vector<2000x128xf32>
    %get3A_14 = arith.constant 0 : index
    %get3A_15 = arith.constant 0 : index
    %get3A_16 = vector.load %arg3[%get3A_14, %get3A_15] : memref<2000x1xf32, #tpu.memory_space<vmem>>, vector<2000x1xf32>
    %mul3A = vector.broadcast %get3A_16 : vector<2000x1xf32> to vector<2000x128xf32>
    %mul3A_17 = arith.mulf %sub3A, %mul3A : vector<2000x128xf32>
    %get3A_18 = arith.constant 0 : index
    %get3A_19 = arith.constant 0 : index
    %get3A_20 = vector.load %arg4[%get3A_18, %get3A_19] : memref<1x256xf32, #tpu.memory_space<vmem>>, vector<1x256xf32>
    %get3A_21 = arith.constant 0 : index
    %get3A_22 = arith.constant 0 : index
    %get3A_23 = vector.load %arg5[%get3A_21, %get3A_22] : memref<256x40xf32, #tpu.memory_space<vmem>>, vector<256x40xf32>
    %dot_general3A = arith.constant dense<0.000000e+00> : vector<1x40xf32>
    %dot_general3A_24 = tpu.matmul %get3A_20, %get3A_23, %dot_general3A {dimension_numbers = #tpu.dot_dimension_numbers<[1], [0], [0], [1], [0, 0, 1, 1], [], []>, transpose_lhs_hint = false} : vector<1x256xf32>, vector<256x40xf32>, vector<1x40xf32> -> vector<1x40xf32>
    %get3A_25 = arith.constant 0 : index
    %get3A_26 = arith.constant 0 : index
    %get3A_27 = vector.load %arg6[%get3A_25, %get3A_26] : memref<1x40xf32, #tpu.memory_space<vmem>>, vector<1x40xf32>
    %add3A_28 = arith.addf %dot_general3A_24, %get3A_27 : vector<1x40xf32>
    %slice3A = vector.extract_strided_slice %mul3A_17 {offsets = [0, 0], sizes = [2000, 40], strides = [1, 1]} : vector<2000x128xf32> to vector<2000x40xf32>
    %add3A_29 = vector.broadcast %add3A_28 : vector<1x40xf32> to vector<2000x40xf32>
    %add3A_30 = arith.addf %slice3A, %add3A_29 : vector<2000x40xf32>
    %swap3A = arith.constant 0 : index
    %swap3A_31 = arith.constant 0 : index
    %swap3A_32 = vector.load %arg7[%swap3A, %swap3A_31] : memref<2000x40xf32, #tpu.memory_space<vmem>>, vector<2000x40xf32>
    tpu.vector_store %arg7[%swap3A, %swap3A_31], %add3A_30 {strides = array<i32>} : memref<2000x40xf32, #tpu.memory_space<vmem>>, vector<2000x40xf32>,
    return
  }
  func.func @transform_0(%arg0: i32) -> (i32, i32, i32) {
    %c0_i32 = arith.constant 0 : i32
    %c0_i32_0 = arith.constant 0 : i32
    %c0_i32_1 = arith.constant 0 : i32
    return %c0_i32, %arg0, %c0_i32_0 : i32, i32, i32
  }
  func.func @transform_1(%arg0: i32) -> (i32, i32, i32) {
    %c0_i32 = arith.constant 0 : i32
    %c0_i32_0 = arith.constant 0 : i32
    %c0_i32_1 = arith.constant 0 : i32
    return %c0_i32, %arg0, %c0_i32_0 : i32, i32, i32
  }
  func.func @transform_2(%arg0: i32) -> (i32, i32) {
    %c0_i32 = arith.constant 0 : i32
    %c0_i32_0 = arith.constant 0 : i32
    return %arg0, %c0_i32 : i32, i32
  }
  func.func @transform_3(%arg0: i32) -> (i32, i32) {
    %c0_i32 = arith.constant 0 : i32
    %c0_i32_0 = arith.constant 0 : i32
    %c0_i32_1 = arith.constant 0 : i32
    return %c0_i32, %c0_i32_0 : i32, i32
  }
  func.func @transform_4(%arg0: i32) -> (i32, i32) {
    %c0_i32 = arith.constant 0 : i32
    %c0_i32_0 = arith.constant 0 : i32
    %c0_i32_1 = arith.constant 0 : i32
    return %c0_i32, %c0_i32_0 : i32, i32
  }
  func.func @transform_5(%arg0: i32) -> (i32, i32) {
    %c0_i32 = arith.constant 0 : i32
    %c0_i32_0 = arith.constant 0 : i32
    %c0_i32_1 = arith.constant 0 : i32
    return %c0_i32, %c0_i32_0 : i32, i32
  }
  func.func @transform_6(%arg0: i32) -> (i32, i32) {
    %c0_i32 = arith.constant 0 : i32
    %c0_i32_0 = arith.constant 0 : i32
    return %arg0, %c0_i32 : i32, i32
  }
}

</mosaic_0001>

<sc_bundles>
// kernel: kernel.10.cloned.1.call-start
scs
__scs_entry_jumppad:
0x0: {  	(pc) =	sbr.rel $0x88, $3  }
0x1: {  	(tag) =	ssettag $0x0;
	lr =	simm.s32 $0x1  }
0x2: {  	[smem:$0x3F97] =	sst lr;
	_ =	strace $0xD0000000  }
0x3: {  	_ = 	snop  }
0x4: {  	_ = 	snop  }
0x5: {  	_ = 	snop  }
0x6: {  	_ = 	snop  }
0x7: {  	_ = 	snop  }
__scs_overlays_trampoline_lowered:
0x8: {  	[smem:$0x3FA6] =	sst s0  }
0x9: {  	[smem:$0x3FA7] =	sst s1  }
0xa: {  	[smem:$0x3FA8] =	sst s2  }
0xb: {  	[smem:$0x3FA9] =	sst s3  }
0xc: {  	[smem:$0x3FAA] =	sst s4  }
0xd: {  	[smem:$0x3FAB] =	sst s5  }
0xe: {  	[smem:$0x3FAC] =	sst s6  }
0xf: {  	[smem:$0x3FAD] =	sst s7  }
0x10: {  	[smem:$0x3FAE] =	sst s8  }
0x11: {  	[smem:$0x3FAF] =	sst s9;
	s0 =	simm.s32 @!p0 $0x0  }
0x12: {  	s1 =	sld [smem:$0x3F95];
	s0 =	simm.s32 @p0 $0x1  }
0x13: {  	[smem:$0x3FB0] =	sst s0;
	s0 =	simm.s32 @!p1 $0x0  }
0x14: {  	s2 =	sld [smem:$0x3F94];
	s0 =	simm.s32 @p1 $0x1  }
0x15: {  	[smem:$0x3FB1] =	sst s0;
	s0 =	simm.s32 @!p2 $0x0  }
0x16: {  	s3 =	sld [smem:$0x3FDB];
	s0 =	simm.s32 @p2 $0x1  }
0x17: {  	s4 =	simm.s32 $0x1BF5;
	[smem:$0x3FB3] =	sst s0  }
0x18: {  	s0 =	sld [smem:$0x3F96];
	_ =	swait.ge [sflag:s4], $0x0  }
0x19: {  	s7 =	sld [smem:$0x3F97]  }
0x1a: {  	s8 =	sadd.s32 $0xFFFFE003, lr  }
0x1b: {  	s9 =	sadd.s32 $0xFFFFFEF7, lr;
	s5 =	simm.s32 $0xFFFFFFFF;
	p2 =	slt.u32 s8, $0xFFFFF086  }
0x1c: {  	p1 =	slt.u32 s9, $0xF7A;
	s5 =	simm.s32 @!p2 $0x0  }
0x1d: {  	s5 =	simm.s32 @p1 $0x1;
	p0 =	seq.s32 s7, s2  }
0x1e: {  	s7 =	smul.u32 @!p0 $0xF7A, s2;
	p2 =	seq.s32 @!p0 s5, $0x0  }
0x1f: {  	s9 =	smul.u32 $0xF7A, s1;
	s8 =	simm.s32 @!p0 $0x1BF5;
	p2 =	por !p2, p0  }
0x20: {  	[sflag:s8] =	ssyncset.s32 @!p0 $0xFFFFF086;
	s6 =	sadd.s32 @!p0 s3, s7;
	s7 =	simm.s32 @!p0 $0x108  }
0x21: {  	s3 =	sadd.s32 s3, s9;
	s6 =	sadd.s32 @!p0 $0x88, s6;
	s7 =	simm.s32 @p2 $0x1082  }
0x22: {  	[simem:s7], [sflag:s8] =	dma.local @!p0 [hbm:s6], $0xF7A  }
0x23: {  	s9 =	sor.u32 $0xD0000000, s2;
	s6 =	simm.s32 $0x108;
	_ =	swait.ge @!p0 [sflag:s8], $0x0  }
0x24: {  	s3 =	sadd.s32 $0x88, s3;
	s6 =	simm.s32 @!p1 $0x1082;
	[sflag:s4] =	ssyncset.s32 $0xFFFFF086  }
0x25: {  	[simem:s6], [sflag:s4] =	dma.local [hbm:s3], $0xF7A  }
0x26: {  	[smem:$0x3F97] =	sst s1;
	(tag) =	ssettag s2;
	_ =	strace s9  }
0x27: {  	s1 =	sld [smem:$0x3FA7]  }
0x28: {  	s2 =	sld [smem:$0x3FA8]  }
0x29: {  	s4 =	sld [smem:$0x3FAA]  }
0x2a: {  	p0 =	seq.s32 s5, $0x0;
	s5 =	sld [smem:$0x3FAB]  }
0x2b: {  	s6 =	sld [smem:$0x3FAC]  }
0x2c: {  	s7 =	sld [smem:$0x3FAD]  }
0x2d: {  	s3 =	simm.s32 $0x108;
	s8 =	sld [smem:$0x3FAE]  }
0x2e: {  	s3 =	simm.s32 @!p0 $0x1082;
	s9 =	sld [smem:$0x3FAF]  }
0x2f: {  	lr =	sadd.s32 s0, s3;
	s0 =	sld [smem:$0x3FA6]  }
0x30: {  	s3 =	sld [smem:$0x3FA9]  }
0x31: {  	[smem:$0x3FB2] =	sst s10  }
0x32: {  	s10 =	sld [smem:$0x3FB0];
	_ =	sdelay $0x3  }
0x33: {  	p0 =	seq.s32 s10, $0x1;
	s10 =	sld [smem:$0x3FB2];
	_ =	sdelay $0x3  }
0x34: {  	[smem:$0x3FB2] =	sst s10  }
0x35: {  	s10 =	sld [smem:$0x3FB1];
	_ =	sdelay $0x3  }
0x36: {  	p1 =	seq.s32 s10, $0x1;
	s10 =	sld [smem:$0x3FB2];
	_ =	sdelay $0x3  }
0x37: {  	[smem:$0x3FB2] =	sst s10  }
0x38: {  	s10 =	sld [smem:$0x3FB3]  }
0x39: {  	_ = 	snop;
	(pc) =	sbr.ind lr, $3  }
0x3a: {  	_ = 	snop  }
0x3b: {  	_ = 	snop  }
0x3c: {  	p2 =	seq.s32 s10, $0x1;
	s10 =	sld [smem:$0x3FB2]  }
0x3d: {  	_ =	shalt  }
0x3e: {  	_ =	shalt  }
0x3f: {  	_ =	shalt  }
0x40: {  	_ =	shalt  }
0x41: {  	_ =	shalt  }
0x42: {  	_ =	shalt  }
0x43: {  	_ =	shalt  }
0x44: {  	_ =	shalt  }
0x45: {  	_ =	shalt  }
0x46: {  	_ =	shalt  }
0x47: {  	_ =	shalt  }
0x48: {  	_ =	shalt  }
0x49: {  	_ =	shalt  }
0x4a: {  	_ =	shalt  }
0x4b: {  	_ =	shalt  }
0x4c: {  	_ =	shalt  }
0x4d: {  	_ =	shalt  }
0x4e: {  	_ =	shalt  }
0x4f: {  	_ =	shalt  }
0x50: {  	_ =	shalt  }
0x51: {  	_ =	shalt  }
0x52: {  	_ =	shalt  }
0x53: {  	_ =	shalt  }
0x54: {  	_ =	shalt  }
0x55: {  	_ =	shalt  }
0x56: {  	_ =	shalt  }
0x57: {  	_ =	shalt  }
0x58: {  	_ =	shalt  }
0x59: {  	_ =	shalt  }
0x5a: {  	_ =	shalt  }
0x5b: {  	_ =	shalt  }
0x5c: {  	_ =	shalt  }
0x5d: {  	_ =	shalt  }
0x5e: {  	_ =	shalt  }
0x5f: {  	_ =	shalt  }
0x60: {  	_ =	shalt  }
0x61: {  	_ =	shalt  }
0x62: {  	_ =	shalt  }
0x63: {  	_ =	shalt  }
0x64: {  	_ =	shalt  }
0x65: {  	_ =	shalt  }
0x66: {  	_ =	shalt  }
0x67: {  	_ =	shalt  }
0x68: {  	_ =	shalt  }
0x69: {  	_ =	shalt  }
0x6a: {  	_ =	shalt  }
0x6b: {  	_ =	shalt  }
0x6c: {  	_ =	shalt  }
0x6d: {  	_ =	shalt  }
0x6e: {  	_ =	shalt  }
0x6f: {  	_ =	shalt  }
0x70: {  	_ =	shalt  }
0x71: {  	_ =	shalt  }
0x72: {  	_ =	shalt  }
0x73: {  	_ =	shalt  }
0x74: {  	_ =	shalt  }
0x75: {  	_ =	shalt  }
0x76: {  	_ =	shalt  }
0x77: {  	_ =	shalt  }
0x78: {  	_ =	shalt  }
0x79: {  	_ =	shalt  }
0x7a: {  	_ =	shalt  }
0x7b: {  	_ =	shalt  }
0x7c: {  	_ =	shalt  }
0x7d: {  	_ =	shalt  }
0x7e: {  	_ =	shalt  }
0x7f: {  	_ =	shalt  }
0x80: {  	_ =	shalt  }
0x81: {  	_ =	shalt  }
0x82: {  	_ =	shalt  }
0x83: {  	_ =	shalt  }
0x84: {  	_ =	shalt  }
0x85: {  	_ =	shalt  }
0x86: {  	_ =	shalt  }
0x87: {  	_ =	shalt  }
.Lfunc_end0:
.L_simem_size_0:
called_computation_lowered:
.L_overlay_start_0:
0x88: {  	s2 =	sld [smem:$0x3FD9]  }
0x89: {  	s3 =	sld [smem:$0x3FFE];
	_ =	sdelay $0x1  }
0x8a: {  	s1 =	srdreg.scid  }
0x8b: {  	s0 =	sand.u32 $0x1, s1  }
0x8c: {  	s16 =	sshll.u32 s0, $0xA;
	s2 =	sadd.s32 s3, s2  }
0x8d: {  	s2 =	sadd.s32 s2, s16  }
0x8e: {  	[smem:$0x3FBE] =	sst s2  }
0x8f: {  	_ = 	snop  }
0x90: {  	(tm) =	ssettm $0x1  }
0x91: {  	s17 =	sld [smem:$0x3FFB];
	_ =	sdelay $0x3  }
0x92: {  	_ =	strace s17  }
0x93: {  	s2 =	sld [smem:$0x3FFC];
	_ =	sdelay $0x3  }
0x94: {  	_ =	strace s2  }
0x95: {  	s2 =	sld [smem:$0x3FFD];
	_ =	sdelay $0x3  }
0x96: {  	_ =	strace s2  }
0x97: {  	_ =	strace $0x8FFFFFFF  }
0x98: {  	s18 =	sld [smem:$0x3FDB];
	_ =	sdelay $0x1  }
0x99: {  	s19 =	simm.s32 $_scs_section_size  }
0x9a: {  	s4 =	simm.s32 $_size__tile_overlayer_lowered;
	s5 =	simm.s32 $_tile_overlayer_lowered  }
0x9b: {  	s22 =	simm.s32 $0x1BFF;
	s21 =	sshll.u32 s5, $0x1;
	s2 =	sadd.s32 s19, s18  }
0x9c: {  	s6 =	simm.s32 $0x0;
	s20 =	sshll.u32 s4, $0x1;
	s4 =	sadd.s32 s21, s2  }
0x9d: {  	[timem:s6], [sflag:s22] =	dma.local [hbm:s4], s20  }
0x9e: {  	_ =	swait.ge [sflag:s22], s20  }
0x9f: {  	s3 =	ssub.s32 $0x0, s20;
	[sflag:s22] =	ssyncset.done $0x0  }
0xa0: {  	[sflag:s22] =	ssyncadd.s32 s3;
	_ =	sdelay $0x1  }
0xa1: {  	s23 =	simm.s32 $0x1B8B  }
0xa2: {  	_ =	swait.ge [sflag:s23], $0x1  }
0xa3: {  	[sflag:s23] =	ssyncset.done $0x0  }
0xa4: {  	s25 =	simm.s32 $0x1B8E;
	s24 =	sld [smem:$0x3FFE];
	[sflag:s23] =	ssyncadd.s32 $0xFFFFFFFF  }
0xa5: {  	s26 =	simm.s32 $execute0_lowered;
	[smem:$0x3FD2] =	sst s25  }
0xa6: {  	s4 =	sshll.u32 s26, $0x1;
	_ =	strace $0x80000046;
	[dreg:$0x1] =	wrdreg $0xFFFFFFFF  }
0xa7: {  	s28 =	simm.s32 $_size_execute0_lowered;
	s2 =	sadd.s32 s2, s4;
	[dreg:$0x0] =	wrdreg $0x0  }
0xa8: {  	s4 =	sshll.u32 s28, $0x1;
	[dreg:$0x2] =	wrdreg s2  }
0xa9: {  	[dreg:$0x3] =	wrdreg s4  }
0xaa: {  	[dreg:$0x4] =	wrdreg $0xC0  }
0xab: {  	_ =	task [dreg:s6], $0x5FFFF  }
0xac: {  	[dreg:$0x1] =	wrdreg $0xFFFFFFFF  }
0xad: {  	[dreg:$0x0] =	wrdreg $0x60  }
0xae: {  	[dreg:$0x2] =	wrdreg s24  }
0xaf: {  	[dreg:$0x3] =	wrdreg $0x9  }
0xb0: {  	_ =	task.clear_ibuf [dreg:s6], $0x4FFFF;
	_ =	strace $0x90000046  }
0xb1: {  	s29 =	simm.s32 $0x9;
	_ =	strace $0x80000048  }
0xb2: {  	_ =	swait.ge [sflag:s29], $0x1  }
0xb3: {  	[sflag:s29] =	ssyncadd.s32 $0xFFFFFFFF  }
0xb4: {  	_ =	strace $0x90000048  }
0xb5: {  	_ =	sfence  }
0xb6: {  	s30 =	sld [smem:$0x0];
	_ =	sdelay $0x2  }
0xb7: {  	s31 =	sshll.u32 s1, $0xD;
	s1 =	sshrl.u32 s1, $0x2  }
0xb8: {  	s3 =	sand.u32 $0x4000, s31;
	s1 =	sadd.s32 s1, s30  }
0xb9: {  	s0 =	sor.u32 s3, s0;
	s1 =	sshll.u32 s1, $0x11  }
0xba: {  	s0 =	sor.u32 s1, s0  }
0xbb: {  	s0 =	sadd.s32 $0x8F2B, s0  }
0xbc: {  	[sflag:s0] =	ssyncadd.remote.s32 $0x1  }
0xbd: {  	_ =	sfence.sel $0xFFFF  }
0xbe: {  	[dreg:$0x0] =	wrdreg $0xFFFFFFFF;
	(pc) =	sbr.abs _section_cstart, $3  }
0xbf: {  	[dreg:$0x1] =	wrdreg $0xFFFFFFFF  }
0xc0: {  	_ =	task.clear_ibuf [dreg:s6], $0x2FFFF;
	_ =	strace $0x9FFFFFFF  }
0xc1: {  	(tm) =	ssettm $0x7FFFFFFF  }
tec
execute0_lowered:
.L_overlay_start_1:
0x0: {  	(tag) =	ssettag $0x1  }
0x1: {  	s1 =	srdreg.scid  }
0x2: {  	s3 =	rddreg [dreg:$0x0];
	s0 =	stileid.u32;
	s4 =	sand.u32 $0x1, s1  }
0x3: {  	s26 =	sshrl.u32 s0, $0x2;
	s2 =	sshll.u32 s0, $0x8;
	s1 =	rddreg [dreg:$0x1]  }
0x4: {  	s29 =	sshrl.u32 s0, $0x3;
	s8 =	sshll.u32 s0, $0x7;
	s5 =	smul.u32 $0x13C00, s26  }
0x5: {  	s6 =	sshll.u32 s4, $0x7;
	s7 =	sand.u32 $0x300, s2;
	s2 =	simm.s32 $0x0  }
0x6: {  	s28 =	smul.u32 $0x4F00, s4;
	s4 =	ssub.s32 $0x2, s4;
	s8 =	sand.u32 $0x380, s8  }
0x7: {  	s6 =	sor.u32 s6, s7;
	[smem:$0x7FF] =	sst s2;
	s7 =	smul.u32 $0x13C00, s29  }
0x8: {  	s30 =	sshrl.u32 s4, $0x1;
	s5 =	sor.u32 s5, s6;
	_ =	strace $0x80000047  }
0x9: {  	vm2 =	vcmask $0x3F30;
	s6 =	sadd.s32 s28, s3;
	s4 =	ssub.s32 s4, s30;
	s5 =	sshrl.u32 s5, $0x3  }
0xa: {  	s31 =	sor.u32 s8, s7;
	s9 =	sadd.s32 $0xC400, s6;
	s4 =	smax.u32 s4, $0x1  }
0xb: {  	v0 =	vlaneseq.u32;
	s6 =	simm.s32 $0x400;
	s7 =	simm.s32 $0x9E00;
	s5 =	sadd.s32 s5, s3  }
0xc: {  	v2 =	vimm.f32 $1.000000000e+00;
	vm0 =	vcmask $0x1F10;
	v1 =	vand.u32 $0x3, v0;
	s8 =	simm.s32 $0x1;
	s10 =	sshrl.u32 s31, $0x3;
	s3 =	sadd.s32 $0x2600, s5  }
0xd: {  	vm1 =	vcmask $0x2F20;
	v0 =	vimm.f32 $0.0e+00;
	v1 =	vmul.u32 $0x80, v1;
	s5 =	simm.s32 $0x80;
	s9 =	sadd.s32 s10, s9;
	s10 =	simm.s32 $0x0  }
.LBB2_1:
0xe: {  	s11 =	sand.u32 $0x70, s2;
	s12 =	sand.u32 $0xFE00, s2  }
0xf: {  	s13 =	sor.u32 s11, s12  }
0x10: {  	[tilespmem:s13+$0x180] =	vst v0  }
0x11: {  	[tilespmem:s13+$0x0] =	vst v0  }
0x12: {  	s11 =	simm.s32 $0x10;
	s12 =	simm.s32 $0x0;
	[tilespmem:s13+$0x80] =	vst v0  }
.LBB2_2:
0x13: {  	s14 =	sand.u32 $0x70, s11;
	[tilespmem:s13+$0x100] =	vst v0;
	s12 =	sadd.s32 $0x40, s12;
	p0 =	sne.s32 s11, $0x2770  }
.Ltmp0:
0x14: {  	s11 =	sadd.s32 $0x10, s11;
	s13 =	sand.u32 $0xFE00, s12;
	(pc) =	sbr.rel @p0 .LBB2_2-.Ltmp0, $4  }
0x15: {  	s13 =	sor.u32 s14, s13  }
0x16: {  	[tilespmem:s13+$0x180] =	vst v0  }
0x17: {  	[tilespmem:s13+$0x0] =	vst v0  }
0x18: {  	[tilespmem:s13+$0x80] =	vst v0  }
0x19: {  	[tilespmem:s13+$0x100] =	vst v0  }
0x1a: {  	[tilespmem:s7], [sflag:$0x1] =	stream.strided.gather [hbm4b:s3+s5], $0x2780, s6, s5, $0x38;
	[tilespmem:$0xC580] =	vst v63  }
0x1b: {  	_ =	swait.ge [sflag:s8], $0x2780  }
0x1c: {  	[sflag:s8] =	ssyncset.done $0x0  }
0x1d: {  	s11 =	simm.s32 $0x0;
	[sflag:s8] =	ssyncadd.s32 $0xFFFFD880  }
0x1e: {  	v3 =	vld [tilespmem:s11+$0x9E00];
	_ =	sdelay $0x4  }
0x1f: {  	v4 =	vshll.u32 v3, $0x2  }
0x20: {  	v3 =	vand.u32 $0x7F, v3;
	v4 =	vand.u32 $0xFFFFFE00, v4  }
0x21: {  	v3 =	vor.u32 v4, v3  }
0x22: {  	v3 =	vor.u32 v1, v3;
	_ =	sdelay $0x3  }
0x23: {  	s12 =	simm.s32 $0x0  }
0x24: {  	[tilespmem:v3+s12+$0x0] =	vst.idx.add.f32.msk $0xf, v2  }
0x25: {  	[tilespmem:v3+s12+$0x0] =	vst.idx.add.f32.msk vm0, v2  }
0x26: {  	s13 =	simm.s32 $0x80;
	s14 =	simm.s32 $0x40;
	s11 =	simm.s32 $0x40;
	[tilespmem:v3+s12+$0x0] =	vst.idx.add.f32.msk vm1, v2  }
.LBB2_4:
0x27: {  	p0 =	sne.s32 s13, $0x9DC0  }
0x28: {  	s15 =	sshra.s32 s14, $0x2;
	[tilespmem:v3+s12+$0x0] =	vst.idx.add.f32.msk vm2, v2;
	s14 =	smov.u32 s13;
	s13 =	sadd.s32 $0x40, s13  }
0x29: {  	v3 =	vld [tilespmem:s15+$0x9E00];
	_ =	sdelay $0x4  }
0x2a: {  	v4 =	vshll.u32 v3, $0x2  }
0x2b: {  	v3 =	vand.u32 $0x7F, v3;
	v4 =	vand.u32 $0xFFFFFE00, v4  }
0x2c: {  	v3 =	vor.u32 v4, v3  }
0x2d: {  	v3 =	vor.u32 v1, v3;
	_ =	sdelay $0x2  }
.Ltmp1:
0x2e: {  	(pc) =	sbr.rel @p0 .LBB2_4-.Ltmp1, $4  }
0x2f: {  	_ = 	snop  }
0x30: {  	[tilespmem:v3+s12+$0x0] =	vst.idx.add.f32.msk $0xf, v2  }
0x31: {  	[tilespmem:v3+s12+$0x0] =	vst.idx.add.f32.msk vm0, v2  }
0x32: {  	[tilespmem:v3+s12+$0x0] =	vst.idx.add.f32.msk vm1, v2  }
0x33: {  	_ =	sdelay $0x4  }
0x34: {  	s13 =	sshra.s32 s14, $0x2;
	[tilespmem:v3+s12+$0x0] =	vst.idx.add.f32.msk vm2, v2  }
0x35: {  	v3 =	vld [tilespmem:s13+$0x9E00];
	_ =	sdelay $0x4  }
0x36: {  	v4 =	vshll.u32 v3, $0x2  }
0x37: {  	v3 =	vand.u32 $0x7F, v3;
	v4 =	vand.u32 $0xFFFFFE00, v4  }
0x38: {  	v3 =	vor.u32 v4, v3  }
0x39: {  	v3 =	vor.u32 v1, v3;
	_ =	sdelay $0x4  }
0x3a: {  	[tilespmem:v3+s12+$0x0] =	vst.idx.add.f32.msk $0xf, v2  }
0x3b: {  	[tilespmem:v3+s12+$0x0] =	vst.idx.add.f32.msk vm0, v2  }
0x3c: {  	s28 =	sand.u32 $0x70, s12;
	s29 =	sand.u32 $0xFE00, s12;
	[tilespmem:v3+s12+$0x0] =	vst.idx.add.f32.msk vm1, v2  }
0x3d: {  	[tilespmem:v3+s12+$0x0] =	vst.idx.add.f32.msk vm2, v2;
	s12 =	sor.u32 s28, s29  }
0x3e: {  	v3 =	vld [tilespmem:s12+$0x80]  }
0x3f: {  	v4 =	vld [tilespmem:s12+$0x100]  }
0x40: {  	v5 =	vld [tilespmem:s12+$0x180]  }
0x41: {  	v6 =	vld [tilespmem:s12+$0x0];
	_ =	sdelay $0x3  }
0x42: {  	s30 =	simm.s32 $0x10  }
0x43: {  	s31 =	sand.u32 $0xFE00, s11;
	s13 =	sand.u32 $0x70, s30;
	v6 =	vadd.f32 v3, v6;
	v4 =	vadd.f32 v5, v4  }
0x44: {  	s14 =	sor.u32 s13, s31  }
0x45: {  	v3 =	vld [tilespmem:s14+$0x80];
	v5 =	vadd.f32 v4, v6  }
0x46: {  	s13 =	simm.s32 $0x20;
	v4 =	vld [tilespmem:s14+$0x100]  }
.LBB2_6:
0x47: {  	p0 =	sne.s32 s13, $0x2770;
	v6 =	vld [tilespmem:s14+$0x180];
	[tilespmem:s12+$0x0] =	vst v5;
	s12 =	smov.u32 s14  }
0x48: {  	v5 =	vld [tilespmem:s12+$0x0];
	_ =	sdelay $0x3  }
.Ltmp2:
0x49: {  	s11 =	sadd.s32 $0x40, s11;
	(pc) =	sbr.rel @p0 .LBB2_6-.Ltmp2, $4  }
0x4a: {  	s14 =	sand.u32 $0x70, s13;
	s15 =	sand.u32 $0xFE00, s11;
	v4 =	vadd.f32 v6, v4;
	v5 =	vadd.f32 v3, v5  }
0x4b: {  	s14 =	sor.u32 s14, s15  }
0x4c: {  	v3 =	vld [tilespmem:s14+$0x80];
	v5 =	vadd.f32 v4, v5  }
0x4d: {  	s13 =	sadd.s32 $0x10, s13;
	v4 =	vld [tilespmem:s14+$0x100]  }
0x4e: {  	v6 =	vld [tilespmem:s14+$0x180];
	[tilespmem:s12+$0x0] =	vst v5  }
0x4f: {  	v5 =	vld [tilespmem:s14+$0x0];
	_ =	sdelay $0x4  }
0x50: {  	v4 =	vadd.f32 v6, v4;
	v3 =	vadd.f32 v3, v5;
	_ =	sdelay $0x1  }
0x51: {  	v3 =	vadd.f32 v4, v3  }
0x52: {  	s11 =	simm.s32 $0x0  }
0x53: {  	s12 =	simm.s32 $0x80;
	s13 =	simm.s32 $0x200;
	[tilespmem:s14+$0x0] =	vst v3;
	s14 =	sadd.s32 $0x0, s9  }
.LBB2_8:
0x54: {  	[hbm4b:s14+s2] =	stream.linear.scatter [tilespmem:s11], [sflag:$0x1], $0x80, $0x38;
	[tilespmem:$0xC580] =	vst v63  }
0x55: {  	s14 =	smov.u32 s12;
	s11 =	smov.u32 s13;
	p0 =	sne.s32 s12, $0x2700  }
.Ltmp3:
0x56: {  	s12 =	sadd.s32 $0x80, s12;
	(pc) =	sbr.rel @p0 .LBB2_8-.Ltmp3, $2  }
0x57: {  	_ =	sdelay $0x2  }
0x58: {  	s13 =	sadd.s32 $0x200, s13;
	s14 =	sadd.s32 s14, s9  }
0x59: {  	s10 =	sadd.s32 $0x1, s10  }
0x5a: {  	p0 =	sne.s32 s10, s4  }
.Ltmp4:
0x5b: {  	_ = 	snop;
	(pc) =	sbr.rel @p0 .LBB2_1-.Ltmp4, $4  }
0x5c: {  	[hbm4b:s14+s2] =	stream.linear.scatter [tilespmem:s11], [sflag:$0x1], $0x80, $0x38;
	[tilespmem:$0xC580] =	vst v63  }
0x5d: {  	_ =	swait.ge [sflag:s8], $0x2780  }
0x5e: {  	[sflag:s8] =	ssyncset.done $0x0  }
0x5f: {  	[sflag:s8] =	ssyncadd.s32 $0xFFFFD880  }
0x60: {  	_ =	sfence.sel $0x180000  }
0x61: {  	[bflag:$0x0] =	sbarrier.arrive $0xFFFF  }
0x62: {  	p0 =	sne.s32 s0, $0x0;
	_ =	strace $0x90000047  }
0x63: {  	s0 =	sadd.s32 @!p0 $0x100000, s1;
	[bflag:$0x2] =	sbarrier.arrive $0xFFFF  }
0x64: {  	[sflag:s0] =	ssyncadd.tile.s32 @!p0 $0x1;
	_ =	shalt  }
.Lfunc_end2:
_tile_overlayer_lowered:
.L_overlay_start_2:
0x65: {  	(tag) =	ssettag $0x2  }
0x66: {  	s0 =	rddreg [dreg:$0x0];
	s2 =	stileid.u32  }
0x67: {  	s1 =	rddreg [dreg:$0x1];
	p0 =	sne.s32 s2, $0x0  }
0x68: {  	s3 =	rddreg [dreg:$0x2];
	[bflag:$0x3] =	sbarrier.arrive $0xFFFF;
	s2 =	simm.s32 @!p0 $0x1C01  }
0x69: {  	[timem:s3], [sflag:s2] =	dma.local @!p0 [hbm:s0], s1  }
0x6a: {  	s0 =	simm.s32 @!p0 $0x1  }
0x6b: {  	_ =	swait.ge @!p0 [sflag:s0], s1  }
0x6c: {  	s1 =	ssub.s32 @!p0 $0x0, s1;
	[sflag:s0] =	ssyncset.done @!p0 $0x0  }
0x6d: {  	[sflag:s0] =	ssyncadd.s32 @!p0 s1  }
0x6e: {  	[bflag:$0x3] =	sbarrier.arrive $0xFFFF  }
0x6f: {  	_ =	shalt  }

// kernel: kernel.13.cloned.1.call-start
scs
__scs_entry_jumppad:
0x0: {  	(pc) =	sbr.rel $0x88, $3  }
0x1: {  	(tag) =	ssettag $0x0;
	lr =	simm.s32 $0x1  }
0x2: {  	[smem:$0x3F97] =	sst lr;
	_ =	strace $0xD0000000  }
0x3: {  	_ = 	snop  }
0x4: {  	_ = 	snop  }
0x5: {  	_ = 	snop  }
0x6: {  	_ = 	snop  }
0x7: {  	_ = 	snop  }
__scs_overlays_trampoline_lowered:
0x8: {  	[smem:$0x3FA6] =	sst s0  }
0x9: {  	[smem:$0x3FA7] =	sst s1  }
0xa: {  	[smem:$0x3FA8] =	sst s2  }
0xb: {  	[smem:$0x3FA9] =	sst s3  }
0xc: {  	[smem:$0x3FAA] =	sst s4  }
0xd: {  	[smem:$0x3FAB] =	sst s5  }
0xe: {  	[smem:$0x3FAC] =	sst s6  }
0xf: {  	[smem:$0x3FAD] =	sst s7  }
0x10: {  	[smem:$0x3FAE] =	sst s8  }
0x11: {  	[smem:$0x3FAF] =	sst s9;
	s0 =	simm.s32 @!p0 $0x0  }
0x12: {  	s1 =	sld [smem:$0x3F95];
	s0 =	simm.s32 @p0 $0x1  }
0x13: {  	[smem:$0x3FB0] =	sst s0;
	s0 =	simm.s32 @!p1 $0x0  }
0x14: {  	s2 =	sld [smem:$0x3F94];
	s0 =	simm.s32 @p1 $0x1  }
0x15: {  	[smem:$0x3FB1] =	sst s0;
	s0 =	simm.s32 @!p2 $0x0  }
0x16: {  	s3 =	sld [smem:$0x3FDB];
	s0 =	simm.s32 @p2 $0x1  }
0x17: {  	s4 =	simm.s32 $0x1BF5;
	[smem:$0x3FB3] =	sst s0  }
0x18: {  	s0 =	sld [smem:$0x3F96];
	_ =	swait.ge [sflag:s4], $0x0  }
0x19: {  	s7 =	sld [smem:$0x3F97]  }
0x1a: {  	s8 =	sadd.s32 $0xFFFFE003, lr  }
0x1b: {  	s9 =	sadd.s32 $0xFFFFFEF7, lr;
	s5 =	simm.s32 $0xFFFFFFFF;
	p2 =	slt.u32 s8, $0xFFFFF086  }
0x1c: {  	p1 =	slt.u32 s9, $0xF7A;
	s5 =	simm.s32 @!p2 $0x0  }
0x1d: {  	s5 =	simm.s32 @p1 $0x1;
	p0 =	seq.s32 s7, s2  }
0x1e: {  	s7 =	smul.u32 @!p0 $0xF7A, s2;
	p2 =	seq.s32 @!p0 s5, $0x0  }
0x1f: {  	s9 =	smul.u32 $0xF7A, s1;
	s8 =	simm.s32 @!p0 $0x1BF5;
	p2 =	por !p2, p0  }
0x20: {  	[sflag:s8] =	ssyncset.s32 @!p0 $0xFFFFF086;
	s6 =	sadd.s32 @!p0 s3, s7;
	s7 =	simm.s32 @!p0 $0x108  }
0x21: {  	s3 =	sadd.s32 s3, s9;
	s6 =	sadd.s32 @!p0 $0x88, s6;
	s7 =	simm.s32 @p2 $0x1082  }
0x22: {  	[simem:s7], [sflag:s8] =	dma.local @!p0 [hbm:s6], $0xF7A  }
0x23: {  	s9 =	sor.u32 $0xD0000000, s2;
	s6 =	simm.s32 $0x108;
	_ =	swait.ge @!p0 [sflag:s8], $0x0  }
0x24: {  	s3 =	sadd.s32 $0x88, s3;
	s6 =	simm.s32 @!p1 $0x1082;
	[sflag:s4] =	ssyncset.s32 $0xFFFFF086  }
0x25: {  	[simem:s6], [sflag:s4] =	dma.local [hbm:s3], $0xF7A  }
0x26: {  	[smem:$0x3F97] =	sst s1;
	(tag) =	ssettag s2;
	_ =	strace s9  }
0x27: {  	s1 =	sld [smem:$0x3FA7]  }
0x28: {  	s2 =	sld [smem:$0x3FA8]  }
0x29: {  	s4 =	sld [smem:$0x3FAA]  }
0x2a: {  	p0 =	seq.s32 s5, $0x0;
	s5 =	sld [smem:$0x3FAB]  }
0x2b: {  	s6 =	sld [smem:$0x3FAC]  }
0x2c: {  	s7 =	sld [smem:$0x3FAD]  }
0x2d: {  	s3 =	simm.s32 $0x108;
	s8 =	sld [smem:$0x3FAE]  }
0x2e: {  	s3 =	simm.s32 @!p0 $0x1082;
	s9 =	sld [smem:$0x3FAF]  }
0x2f: {  	lr =	sadd.s32 s0, s3;
	s0 =	sld [smem:$0x3FA6]  }
0x30: {  	s3 =	sld [smem:$0x3FA9]  }
0x31: {  	[smem:$0x3FB2] =	sst s10  }
0x32: {  	s10 =	sld [smem:$0x3FB0];
	_ =	sdelay $0x3  }
0x33: {  	p0 =	seq.s32 s10, $0x1;
	s10 =	sld [smem:$0x3FB2];
	_ =	sdelay $0x3  }
0x34: {  	[smem:$0x3FB2] =	sst s10  }
0x35: {  	s10 =	sld [smem:$0x3FB1];
	_ =	sdelay $0x3  }
0x36: {  	p1 =	seq.s32 s10, $0x1;
	s10 =	sld [smem:$0x3FB2];
	_ =	sdelay $0x3  }
0x37: {  	[smem:$0x3FB2] =	sst s10  }
0x38: {  	s10 =	sld [smem:$0x3FB3]  }
0x39: {  	_ = 	snop;
	(pc) =	sbr.ind lr, $3  }
0x3a: {  	_ = 	snop  }
0x3b: {  	_ = 	snop  }
0x3c: {  	p2 =	seq.s32 s10, $0x1;
	s10 =	sld [smem:$0x3FB2]  }
0x3d: {  	_ =	shalt  }
0x3e: {  	_ =	shalt  }
0x3f: {  	_ =	shalt  }
0x40: {  	_ =	shalt  }
0x41: {  	_ =	shalt  }
0x42: {  	_ =	shalt  }
0x43: {  	_ =	shalt  }
0x44: {  	_ =	shalt  }
0x45: {  	_ =	shalt  }
0x46: {  	_ =	shalt  }
0x47: {  	_ =	shalt  }
0x48: {  	_ =	shalt  }
0x49: {  	_ =	shalt  }
0x4a: {  	_ =	shalt  }
0x4b: {  	_ =	shalt  }
0x4c: {  	_ =	shalt  }
0x4d: {  	_ =	shalt  }
0x4e: {  	_ =	shalt  }
0x4f: {  	_ =	shalt  }
0x50: {  	_ =	shalt  }
0x51: {  	_ =	shalt  }
0x52: {  	_ =	shalt  }
0x53: {  	_ =	shalt  }
0x54: {  	_ =	shalt  }
0x55: {  	_ =	shalt  }
0x56: {  	_ =	shalt  }
0x57: {  	_ =	shalt  }
0x58: {  	_ =	shalt  }
0x59: {  	_ =	shalt  }
0x5a: {  	_ =	shalt  }
0x5b: {  	_ =	shalt  }
0x5c: {  	_ =	shalt  }
0x5d: {  	_ =	shalt  }
0x5e: {  	_ =	shalt  }
0x5f: {  	_ =	shalt  }
0x60: {  	_ =	shalt  }
0x61: {  	_ =	shalt  }
0x62: {  	_ =	shalt  }
0x63: {  	_ =	shalt  }
0x64: {  	_ =	shalt  }
0x65: {  	_ =	shalt  }
0x66: {  	_ =	shalt  }
0x67: {  	_ =	shalt  }
0x68: {  	_ =	shalt  }
0x69: {  	_ =	shalt  }
0x6a: {  	_ =	shalt  }
0x6b: {  	_ =	shalt  }
0x6c: {  	_ =	shalt  }
0x6d: {  	_ =	shalt  }
0x6e: {  	_ =	shalt  }
0x6f: {  	_ =	shalt  }
0x70: {  	_ =	shalt  }
0x71: {  	_ =	shalt  }
0x72: {  	_ =	shalt  }
0x73: {  	_ =	shalt  }
0x74: {  	_ =	shalt  }
0x75: {  	_ =	shalt  }
0x76: {  	_ =	shalt  }
0x77: {  	_ =	shalt  }
0x78: {  	_ =	shalt  }
0x79: {  	_ =	shalt  }
0x7a: {  	_ =	shalt  }
0x7b: {  	_ =	shalt  }
0x7c: {  	_ =	shalt  }
0x7d: {  	_ =	shalt  }
0x7e: {  	_ =	shalt  }
0x7f: {  	_ =	shalt  }
0x80: {  	_ =	shalt  }
0x81: {  	_ =	shalt  }
0x82: {  	_ =	shalt  }
0x83: {  	_ =	shalt  }
0x84: {  	_ =	shalt  }
0x85: {  	_ =	shalt  }
0x86: {  	_ =	shalt  }
0x87: {  	_ =	shalt  }
.Lfunc_end0:
.L_simem_size_0:
called_computation.1_lowered:
.L_overlay_start_0:
0x88: {  	s2 =	sld [smem:$0x3FD9]  }
0x89: {  	s3 =	sld [smem:$0x3FFE];
	_ =	sdelay $0x1  }
0x8a: {  	s1 =	srdreg.scid  }
0x8b: {  	s0 =	sand.u32 $0x1, s1  }
0x8c: {  	s17 =	sshll.u32 s0, $0xA;
	s2 =	sadd.s32 s3, s2  }
0x8d: {  	s2 =	sadd.s32 s2, s17  }
0x8e: {  	[smem:$0x3FBE] =	sst s2  }
0x8f: {  	_ = 	snop  }
0x90: {  	s2 =	sld [smem:$0x3FD0];
	(tm) =	ssettm $0x1  }
0x91: {  	s18 =	sld [smem:$0x3FFB];
	_ =	sdelay $0x3  }
0x92: {  	_ =	strace s18  }
0x93: {  	s3 =	sld [smem:$0x3FFC];
	_ =	sdelay $0x3  }
0x94: {  	_ =	strace s3  }
0x95: {  	s3 =	sld [smem:$0x3FFD];
	_ =	sdelay $0x3  }
0x96: {  	_ =	strace s3  }
0x97: {  	_ =	strace $0x8FFFFFFF  }
0x98: {  	s19 =	sld [smem:$0x3FDB];
	_ =	sdelay $0x1  }
0x99: {  	s4 =	simm.s32 $_scs_section_size  }
0x9a: {  	s5 =	simm.s32 $_size__tile_overlayer_lowered;
	s6 =	simm.s32 $_tile_overlayer_lowered  }
0x9b: {  	s22 =	simm.s32 $0x1BFF;
	s21 =	sshll.u32 s6, $0x1;
	s3 =	sadd.s32 s4, s19  }
0x9c: {  	s7 =	simm.s32 $0x0;
	s20 =	sshll.u32 s5, $0x1;
	s5 =	sadd.s32 s21, s3  }
0x9d: {  	[timem:s7], [sflag:s22] =	dma.local [hbm:s5], s20  }
0x9e: {  	_ =	swait.ge [sflag:s22], s20  }
0x9f: {  	s4 =	ssub.s32 $0x0, s20;
	[sflag:s22] =	ssyncset.done $0x0  }
0xa0: {  	[sflag:s22] =	ssyncadd.s32 s4;
	_ =	sdelay $0x1  }
0xa1: {  	s23 =	simm.s32 $0x1B8B  }
0xa2: {  	_ =	swait.ge [sflag:s23], $0x1  }
0xa3: {  	[sflag:s23] =	ssyncset.done $0x0  }
0xa4: {  	s25 =	simm.s32 $0x1B8E;
	s24 =	sld [smem:$0x3FFE];
	[sflag:s23] =	ssyncadd.s32 $0xFFFFFFFF  }
0xa5: {  	s26 =	simm.s32 $execute0_lowered;
	[smem:$0x3FD2] =	sst s25  }
0xa6: {  	s5 =	sshll.u32 s26, $0x1;
	_ =	strace $0x80000049;
	[dreg:$0x1] =	wrdreg $0xFFFFFFFF  }
0xa7: {  	s28 =	simm.s32 $_size_execute0_lowered;
	s3 =	sadd.s32 s3, s5;
	[dreg:$0x0] =	wrdreg $0x0  }
0xa8: {  	s5 =	sshll.u32 s28, $0x1;
	[dreg:$0x2] =	wrdreg s3  }
0xa9: {  	[dreg:$0x3] =	wrdreg s5  }
0xaa: {  	[dreg:$0x4] =	wrdreg $0xC0  }
0xab: {  	_ =	task [dreg:s7], $0x5FFFF  }
0xac: {  	[dreg:$0x1] =	wrdreg $0xFFFFFFFF  }
0xad: {  	[dreg:$0x0] =	wrdreg $0x60  }
0xae: {  	[dreg:$0x2] =	wrdreg s24  }
0xaf: {  	[dreg:$0x3] =	wrdreg s2  }
0xb0: {  	[dreg:$0x4] =	wrdreg $0x0  }
0xb1: {  	[dreg:$0x5] =	wrdreg $0x9  }
0xb2: {  	_ =	task.clear_ibuf [dreg:s7], $0x6FFFF;
	_ =	strace $0x90000049  }
0xb3: {  	s29 =	simm.s32 $0x9;
	_ =	strace $0x8000004B  }
0xb4: {  	_ =	swait.ge [sflag:s29], $0x1  }
0xb5: {  	[sflag:s29] =	ssyncadd.s32 $0xFFFFFFFF  }
0xb6: {  	_ =	strace $0x9000004B  }
0xb7: {  	_ =	sfence  }
0xb8: {  	s30 =	sld [smem:$0x0];
	_ =	sdelay $0x2  }
0xb9: {  	s31 =	sshll.u32 s1, $0xD;
	s1 =	sshrl.u32 s1, $0x2  }
0xba: {  	s3 =	sand.u32 $0x4000, s31;
	s1 =	sadd.s32 s1, s30  }
0xbb: {  	s0 =	sor.u32 s3, s0;
	s1 =	sshll.u32 s1, $0x11  }
0xbc: {  	s0 =	sor.u32 s1, s0  }
0xbd: {  	s0 =	sadd.s32 $0x8F2B, s0  }
0xbe: {  	[sflag:s0] =	ssyncadd.remote.s32 $0x1  }
0xbf: {  	_ =	sfence.sel $0xFFFF  }
0xc0: {  	[dreg:$0x0] =	wrdreg $0xFFFFFFFF;
	(pc) =	sbr.abs _section_cstart, $3  }
0xc1: {  	[dreg:$0x1] =	wrdreg $0xFFFFFFFF  }
0xc2: {  	_ =	task.clear_ibuf [dreg:s7], $0x2FFFF;
	_ =	strace $0x9FFFFFFF  }
0xc3: {  	(tm) =	ssettm $0x7FFFFFFF  }
tec
execute0_lowered:
.L_overlay_start_1:
0x0: {  	(tag) =	ssettag $0x1  }
0x1: {  	s4 =	rddreg [dreg:$0x0]  }
0x2: {  	s10 =	rddreg [dreg:$0x1]  }
0x3: {  	s2 =	rddreg [dreg:$0x2]  }
0x4: {  	s0 =	rddreg [dreg:$0x3];
	s1 =	stileid.u32  }
0x5: {  	s5 =	srdreg.scid;
	s3 =	simm.s32 $0x0;
	s17 =	simm.s32 $0x13900  }
0x6: {  	s18 =	simm.s32 $0x13980;
	s19 =	simm.s32 $0x80;
	s20 =	simm.s32 $0x13A00  }
0x7: {  	s21 =	simm.s32 $0x1;
	s23 =	simm.s32 $0x0;
	s11 =	smul.u32 $0xA00, s1  }
0x8: {  	s5 =	sand.u32 $0x1, s5;
	[smem:$0x7FF] =	sst s3;
	s30 =	smul.u32 $0x4E000, s1  }
0x9: {  	s22 =	smul.u32 $0x2700, s1;
	s8 =	sshll.u32 s1, $0x6;
	s16 =	sadd.s32 $0x138000, s2  }
0xa: {  	s6 =	smul.u32 $0x27100, s5;
	_ =	strace $0x8000004A;
	s7 =	ssub.s32 $0x2, s5  }
0xb: {  	s28 =	ssub.s32 $0x0, s5;
	p0 =	seq.s32 s5, $0x0;
	s5 =	simm.s32 $0x3000  }
0xc: {  	s8 =	sor.u32 $0x1C02, s8;
	s12 =	sadd.s32 s11, s4;
	s29 =	sshrl.u32 s7, $0x1  }
0xd: {  	s5 =	simm.s32 @!p0 $0x1F00;
	s31 =	sshrl.u32 s30, $0x2;
	s10 =	sadd.s32 s10, s11  }
0xe: {  	p0 =	sne.s32 s1, $0xF;
	s13 =	sadd.s32 s6, s4;
	s14 =	ssub.s32 s7, s29  }
0xf: {  	s4 =	sand.u32 $0x3000, s28;
	s15 =	sadd.s32 s31, s2;
	s11 =	sadd.s32 $0x16200, s12  }
0x10: {  	s16 =	sshrl.u32 @!p0 s16, $0x3;
	s6 =	sadd.s32 $0x20200, s13;
	s9 =	sadd.s32 $0x47200, s13  }
0x11: {  	s12 =	sadd.s32 $0x6E400, s13;
	s13 =	smax.u32 s14, $0x1;
	s14 =	sshrl.u32 s15, $0x3  }
0x12: {  	s15 =	simm.s32 $0x2;
	s7 =	sadd.s32 s22, s6;
	s22 =	sadd.s32 s22, s12  }
.LBB2_1:
0x13: {  	[spmem:s14], [sflag:s8] =	dma.local [hbm:s7], $0x2700  }
0x14: {  	_ =	swait.ge [sflag:s15], $0x2700  }
0x15: {  	[sflag:s15] =	ssyncset.done $0x0  }
0x16: {  	s24 =	simm.s32 @!p0 $0x2;
	p2 =	sne.s32 s5, $0x80;
	[sflag:s15] =	ssyncadd.s32 $0xFFFFD900  }
0x17: {  	[spmem:s16], [sflag:s8] =	dma.local @!p0 [hbm:s9], $0x100  }
.Ltmp0:
0x18: {  	_ =	swait.ge @!p0 [sflag:s24], $0x100;
	(pc) =	sbr.rel @!p2 .LBB2_4-.Ltmp0, $4  }
0x19: {  	[sflag:s24] =	ssyncset.done @!p0 $0x0  }
0x1a: {  	s25 =	sadd.s32 $0x0, s4;
	[sflag:s24] =	ssyncadd.s32 @!p0 $0xFFFFFF00  }
0x1b: {  	s28 =	sand.u32 $0x380, s3;
	s25 =	sand.u32 $0xFFFFFC00, s25;
	[bflag:$0x0] =	sbarrier.arrive $0xFFFF  }
0x1c: {  	s26 =	simm.s32 $0x80;
	p1 =	por $0x0, $0x0;
	s28 =	sor.u32 s28, s25  }
0x1d: {  	s25 =	sshrl.u32 s28, $0x3  }
0x1e: {  	s28 =	sadd.s32 s25, s10  }
0x1f: {  	[tilespmem:s17], [sflag:$0x2] =	stream.linear.gather [hbm4b:s28+s3], $0x80, $0x38;
	[tilespmem:$0x17A00] =	vst v63  }
0x20: {  	_ =	swait.ge [sflag:s15], $0x80  }
0x21: {  	[sflag:s15] =	ssyncset.done $0x0  }
0x22: {  	s25 =	sadd.s32 s25, s11;
	[sflag:s15] =	ssyncadd.s32 $0xFFFFFF80  }
0x23: {  	[tilespmem:s18], [sflag:$0x2] =	stream.linear.gather [hbm4b:s25+s3], $0x80, $0x38;
	[tilespmem:$0x17A00] =	vst v63  }
0x24: {  	_ =	swait.ge [sflag:s15], $0x80  }
0x25: {  	[sflag:s15] =	ssyncset.done $0x0  }
0x26: {  	[sflag:s15] =	ssyncadd.s32 $0xFFFFFF80  }
0x27: {  	[tilespmem:s20], [sflag:$0x1] =	stream.indirect.gather [hbm4b:s6+s19], $0x80, s17, s19, $0xb8;
	[tilespmem:$0x17A00] =	vst v63  }
0x28: {  	p2 =	sne.s32 s5, $0x100;
	_ =	swait.ge [sflag:s21], $0x4000  }
.Ltmp1:
0x29: {  	[sflag:s21] =	ssyncset.done $0x0;
	(pc) =	sbr.rel @!p2 .LBB2_4-.Ltmp1, $4  }
0x2a: {  	s26 =	sand.u32 $0x380, s26;
	s28 =	sadd.s32 $0x80, s4;
	[sflag:s21] =	ssyncadd.s32 $0xFFFFC000  }
0x2b: {  	[spmem:s2] =	stream.indirect.scatter.add.f32 [tilespmem:s20], [sflag:$0x2], $0x80, s18, s19, $0xb8;
	[tilespmem:$0x17A00] =	vst v63  }
0x2c: {  	p1 =	por $0x1, $0x1;
	s28 =	sand.u32 $0xFFFFFC00, s28;
	_ =	swait.ge [sflag:s15], $0x4000  }
0x2d: {  	s28 =	sor.u32 s26, s28;
	s25 =	simm.s32 $0x100;
	[sflag:s15] =	ssyncset.done $0x0  }
.LBB2_3:
0x2e: {  	s26 =	sshrl.u32 s28, $0x3  }
0x2f: {  	[sflag:s15] =	ssyncadd.s32 $0xFFFFC000;
	s28 =	smov.u32 s25;
	s25 =	sadd.s32 $0x80, s25  }
0x30: {  	p2 =	sne.s32 s5, s25;
	s29 =	sadd.s32 s26, s10  }
0x31: {  	[tilespmem:s17], [sflag:$0x2] =	stream.linear.gather [hbm4b:s29+s3], $0x80, $0x38;
	[tilespmem:$0x17A00] =	vst v63  }
0x32: {  	_ =	swait.ge [sflag:s15], $0x80  }
0x33: {  	[sflag:s15] =	ssyncset.done $0x0  }
0x34: {  	s26 =	sadd.s32 s26, s11;
	[sflag:s15] =	ssyncadd.s32 $0xFFFFFF80  }
0x35: {  	[tilespmem:s18], [sflag:$0x2] =	stream.linear.gather [hbm4b:s26+s3], $0x80, $0x38;
	[tilespmem:$0x17A00] =	vst v63  }
0x36: {  	_ =	swait.ge [sflag:s15], $0x80  }
0x37: {  	[sflag:s15] =	ssyncset.done $0x0  }
0x38: {  	[sflag:s15] =	ssyncadd.s32 $0xFFFFFF80  }
0x39: {  	[tilespmem:s20], [sflag:$0x1] =	stream.indirect.gather [hbm4b:s6+s19], $0x80, s17, s19, $0xb8;
	[tilespmem:$0x17A00] =	vst v63  }
0x3a: {  	_ =	swait.ge [sflag:s21], $0x4000  }
.Ltmp2:
0x3b: {  	[sflag:s21] =	ssyncset.done $0x0;
	(pc) =	sbr.rel @p2 .LBB2_3-.Ltmp2, $4  }
0x3c: {  	s26 =	sadd.s32 s28, s4;
	[sflag:s21] =	ssyncadd.s32 $0xFFFFC000  }
0x3d: {  	[spmem:s2] =	stream.indirect.scatter.add.f32 [tilespmem:s20], [sflag:$0x2], $0x80, s18, s19, $0xb8;
	[tilespmem:$0x17A00] =	vst v63  }
0x3e: {  	s28 =	sand.u32 $0x380, s28;
	s26 =	sand.u32 $0xFFFFFC00, s26;
	_ =	swait.ge [sflag:s15], $0x4000  }
0x3f: {  	s28 =	sor.u32 s28, s26;
	[sflag:s15] =	ssyncset.done $0x0  }
.LBB2_4:
0x40: {  	s25 =	sshrl.u32 s28, $0x3  }
0x41: {  	[sflag:s15] =	ssyncadd.s32 @p1 $0xFFFFC000;
	s26 =	sadd.s32 s25, s10  }
0x42: {  	[tilespmem:s17], [sflag:$0x2] =	stream.linear.gather [hbm4b:s26+s3], $0x80, $0x38;
	[tilespmem:$0x17A00] =	vst v63  }
0x43: {  	_ =	swait.ge [sflag:s15], $0x80  }
0x44: {  	[sflag:s15] =	ssyncset.done $0x0  }
0x45: {  	s25 =	sadd.s32 s25, s11;
	[sflag:s15] =	ssyncadd.s32 $0xFFFFFF80  }
0x46: {  	[tilespmem:s18], [sflag:$0x2] =	stream.linear.gather [hbm4b:s25+s3], $0x80, $0x38;
	[tilespmem:$0x17A00] =	vst v63  }
0x47: {  	_ =	swait.ge [sflag:s15], $0x80  }
0x48: {  	[sflag:s15] =	ssyncset.done $0x0  }
0x49: {  	[sflag:s15] =	ssyncadd.s32 $0xFFFFFF80  }
0x4a: {  	[tilespmem:s20], [sflag:$0x1] =	stream.indirect.gather [hbm4b:s6+s19], $0x80, s17, s19, $0xb8;
	[tilespmem:$0x17A00] =	vst v63  }
0x4b: {  	_ =	swait.ge [sflag:s21], $0x4000  }
0x4c: {  	[sflag:s21] =	ssyncset.done $0x0  }
0x4d: {  	[sflag:s21] =	ssyncadd.s32 $0xFFFFC000  }
0x4e: {  	[spmem:s2] =	stream.indirect.scatter.add.f32 [tilespmem:s20], [sflag:$0x2], $0x80, s18, s19, $0xb8;
	[tilespmem:$0x17A00] =	vst v63  }
0x4f: {  	_ =	swait.ge [sflag:s15], $0x4000  }
0x50: {  	[sflag:s15] =	ssyncset.done $0x0  }
0x51: {  	[sflag:s15] =	ssyncadd.s32 $0xFFFFC000  }
0x52: {  	[bflag:$0x0] =	sbarrier.arrive $0xFFFF  }
0x53: {  	[hbm:s22], [sflag:s8] =	dma.local [spmem:s14], $0x2700  }
0x54: {  	s23 =	sadd.s32 $0x1, s23;
	_ =	swait.ge [sflag:s15], $0x2700  }
0x55: {  	p1 =	sne.s32 s23, s13;
	[sflag:s15] =	ssyncset.done $0x0  }
.Ltmp3:
0x56: {  	s25 =	sadd.s32 @!p0 $0x27000, s12;
	[sflag:s15] =	ssyncadd.s32 $0xFFFFD900;
	(pc) =	sbr.rel @p1 .LBB2_1-.Ltmp3, $4  }
0x57: {  	[hbm:s25], [sflag:s8] =	dma.local @!p0 [spmem:s16], $0x100  }
0x58: {  	_ =	swait.ge @!p0 [sflag:s24], $0x100  }
0x59: {  	[sflag:s24] =	ssyncset.done @!p0 $0x0  }
0x5a: {  	[sflag:s24] =	ssyncadd.s32 @!p0 $0xFFFFFF00  }
0x5b: {  	_ =	sfence.sel $0x180000  }
0x5c: {  	[bflag:$0x0] =	sbarrier.arrive $0xFFFF  }
0x5d: {  	p0 =	sne.s32 s1, $0x0;
	_ =	strace $0x9000004A  }
0x5e: {  	s0 =	sadd.s32 @!p0 $0x100000, s0;
	[bflag:$0x2] =	sbarrier.arrive $0xFFFF  }
0x5f: {  	[sflag:s0] =	ssyncadd.tile.s32 @!p0 $0x1;
	_ =	shalt  }
.Lfunc_end2:
_tile_overlayer_lowered:
.L_overlay_start_2:
0x60: {  	(tag) =	ssettag $0x2  }
0x61: {  	s0 =	rddreg [dreg:$0x0];
	s2 =	stileid.u32  }
0x62: {  	s1 =	rddreg [dreg:$0x1];
	p0 =	sne.s32 s2, $0x0  }
0x63: {  	s3 =	rddreg [dreg:$0x2];
	[bflag:$0x3] =	sbarrier.arrive $0xFFFF;
	s2 =	simm.s32 @!p0 $0x1C02  }
0x64: {  	[timem:s3], [sflag:s2] =	dma.local @!p0 [hbm:s0], s1  }
0x65: {  	s0 =	simm.s32 @!p0 $0x2  }
0x66: {  	_ =	swait.ge @!p0 [sflag:s0], s1  }
0x67: {  	s1 =	ssub.s32 @!p0 $0x0, s1;
	[sflag:s0] =	ssyncset.done @!p0 $0x0  }
0x68: {  	[sflag:s0] =	ssyncadd.s32 @!p0 s1  }
0x69: {  	[bflag:$0x3] =	sbarrier.arrive $0xFFFF  }
0x6a: {  	_ =	shalt  }

// kernel: kernel.16.cloned.1.call-start
scs
__scs_entry_jumppad:
0x0: {  	(pc) =	sbr.rel $0x88, $3  }
0x1: {  	(tag) =	ssettag $0x0;
	lr =	simm.s32 $0x1  }
0x2: {  	[smem:$0x3F97] =	sst lr;
	_ =	strace $0xD0000000  }
0x3: {  	_ = 	snop  }
0x4: {  	_ = 	snop  }
0x5: {  	_ = 	snop  }
0x6: {  	_ = 	snop  }
0x7: {  	_ = 	snop  }
__scs_overlays_trampoline_lowered:
0x8: {  	[smem:$0x3FA6] =	sst s0  }
0x9: {  	[smem:$0x3FA7] =	sst s1  }
0xa: {  	[smem:$0x3FA8] =	sst s2  }
0xb: {  	[smem:$0x3FA9] =	sst s3  }
0xc: {  	[smem:$0x3FAA] =	sst s4  }
0xd: {  	[smem:$0x3FAB] =	sst s5  }
0xe: {  	[smem:$0x3FAC] =	sst s6  }
0xf: {  	[smem:$0x3FAD] =	sst s7  }
0x10: {  	[smem:$0x3FAE] =	sst s8  }
0x11: {  	[smem:$0x3FAF] =	sst s9;
	s0 =	simm.s32 @!p0 $0x0  }
0x12: {  	s1 =	sld [smem:$0x3F95];
	s0 =	simm.s32 @p0 $0x1  }
0x13: {  	[smem:$0x3FB0] =	sst s0;
	s0 =	simm.s32 @!p1 $0x0  }
0x14: {  	s2 =	sld [smem:$0x3F94];
	s0 =	simm.s32 @p1 $0x1  }
0x15: {  	[smem:$0x3FB1] =	sst s0;
	s0 =	simm.s32 @!p2 $0x0  }
0x16: {  	s3 =	sld [smem:$0x3FDB];
	s0 =	simm.s32 @p2 $0x1  }
0x17: {  	s4 =	simm.s32 $0x1BF5;
	[smem:$0x3FB3] =	sst s0  }
0x18: {  	s0 =	sld [smem:$0x3F96];
	_ =	swait.ge [sflag:s4], $0x0  }
0x19: {  	s7 =	sld [smem:$0x3F97]  }
0x1a: {  	s8 =	sadd.s32 $0xFFFFE003, lr  }
0x1b: {  	s9 =	sadd.s32 $0xFFFFFEF7, lr;
	s5 =	simm.s32 $0xFFFFFFFF;
	p2 =	slt.u32 s8, $0xFFFFF086  }
0x1c: {  	p1 =	slt.u32 s9, $0xF7A;
	s5 =	simm.s32 @!p2 $0x0  }
0x1d: {  	s5 =	simm.s32 @p1 $0x1;
	p0 =	seq.s32 s7, s2  }
0x1e: {  	s7 =	smul.u32 @!p0 $0xF7A, s2;
	p2 =	seq.s32 @!p0 s5, $0x0  }
0x1f: {  	s9 =	smul.u32 $0xF7A, s1;
	s8 =	simm.s32 @!p0 $0x1BF5;
	p2 =	por !p2, p0  }
0x20: {  	[sflag:s8] =	ssyncset.s32 @!p0 $0xFFFFF086;
	s6 =	sadd.s32 @!p0 s3, s7;
	s7 =	simm.s32 @!p0 $0x108  }
0x21: {  	s3 =	sadd.s32 s3, s9;
	s6 =	sadd.s32 @!p0 $0x88, s6;
	s7 =	simm.s32 @p2 $0x1082  }
0x22: {  	[simem:s7], [sflag:s8] =	dma.local @!p0 [hbm:s6], $0xF7A  }
0x23: {  	s9 =	sor.u32 $0xD0000000, s2;
	s6 =	simm.s32 $0x108;
	_ =	swait.ge @!p0 [sflag:s8], $0x0  }
0x24: {  	s3 =	sadd.s32 $0x88, s3;
	s6 =	simm.s32 @!p1 $0x1082;
	[sflag:s4] =	ssyncset.s32 $0xFFFFF086  }
0x25: {  	[simem:s6], [sflag:s4] =	dma.local [hbm:s3], $0xF7A  }
0x26: {  	[smem:$0x3F97] =	sst s1;
	(tag) =	ssettag s2;
	_ =	strace s9  }
0x27: {  	s1 =	sld [smem:$0x3FA7]  }
0x28: {  	s2 =	sld [smem:$0x3FA8]  }
0x29: {  	s4 =	sld [smem:$0x3FAA]  }
0x2a: {  	p0 =	seq.s32 s5, $0x0;
	s5 =	sld [smem:$0x3FAB]  }
0x2b: {  	s6 =	sld [smem:$0x3FAC]  }
0x2c: {  	s7 =	sld [smem:$0x3FAD]  }
0x2d: {  	s3 =	simm.s32 $0x108;
	s8 =	sld [smem:$0x3FAE]  }
0x2e: {  	s3 =	simm.s32 @!p0 $0x1082;
	s9 =	sld [smem:$0x3FAF]  }
0x2f: {  	lr =	sadd.s32 s0, s3;
	s0 =	sld [smem:$0x3FA6]  }
0x30: {  	s3 =	sld [smem:$0x3FA9]  }
0x31: {  	[smem:$0x3FB2] =	sst s10  }
0x32: {  	s10 =	sld [smem:$0x3FB0];
	_ =	sdelay $0x3  }
0x33: {  	p0 =	seq.s32 s10, $0x1;
	s10 =	sld [smem:$0x3FB2];
	_ =	sdelay $0x3  }
0x34: {  	[smem:$0x3FB2] =	sst s10  }
0x35: {  	s10 =	sld [smem:$0x3FB1];
	_ =	sdelay $0x3  }
0x36: {  	p1 =	seq.s32 s10, $0x1;
	s10 =	sld [smem:$0x3FB2];
	_ =	sdelay $0x3  }
0x37: {  	[smem:$0x3FB2] =	sst s10  }
0x38: {  	s10 =	sld [smem:$0x3FB3]  }
0x39: {  	_ = 	snop;
	(pc) =	sbr.ind lr, $3  }
0x3a: {  	_ = 	snop  }
0x3b: {  	_ = 	snop  }
0x3c: {  	p2 =	seq.s32 s10, $0x1;
	s10 =	sld [smem:$0x3FB2]  }
0x3d: {  	_ =	shalt  }
0x3e: {  	_ =	shalt  }
0x3f: {  	_ =	shalt  }
0x40: {  	_ =	shalt  }
0x41: {  	_ =	shalt  }
0x42: {  	_ =	shalt  }
0x43: {  	_ =	shalt  }
0x44: {  	_ =	shalt  }
0x45: {  	_ =	shalt  }
0x46: {  	_ =	shalt  }
0x47: {  	_ =	shalt  }
0x48: {  	_ =	shalt  }
0x49: {  	_ =	shalt  }
0x4a: {  	_ =	shalt  }
0x4b: {  	_ =	shalt  }
0x4c: {  	_ =	shalt  }
0x4d: {  	_ =	shalt  }
0x4e: {  	_ =	shalt  }
0x4f: {  	_ =	shalt  }
0x50: {  	_ =	shalt  }
0x51: {  	_ =	shalt  }
0x52: {  	_ =	shalt  }
0x53: {  	_ =	shalt  }
0x54: {  	_ =	shalt  }
0x55: {  	_ =	shalt  }
0x56: {  	_ =	shalt  }
0x57: {  	_ =	shalt  }
0x58: {  	_ =	shalt  }
0x59: {  	_ =	shalt  }
0x5a: {  	_ =	shalt  }
0x5b: {  	_ =	shalt  }
0x5c: {  	_ =	shalt  }
0x5d: {  	_ =	shalt  }
0x5e: {  	_ =	shalt  }
0x5f: {  	_ =	shalt  }
0x60: {  	_ =	shalt  }
0x61: {  	_ =	shalt  }
0x62: {  	_ =	shalt  }
0x63: {  	_ =	shalt  }
0x64: {  	_ =	shalt  }
0x65: {  	_ =	shalt  }
0x66: {  	_ =	shalt  }
0x67: {  	_ =	shalt  }
0x68: {  	_ =	shalt  }
0x69: {  	_ =	shalt  }
0x6a: {  	_ =	shalt  }
0x6b: {  	_ =	shalt  }
0x6c: {  	_ =	shalt  }
0x6d: {  	_ =	shalt  }
0x6e: {  	_ =	shalt  }
0x6f: {  	_ =	shalt  }
0x70: {  	_ =	shalt  }
0x71: {  	_ =	shalt  }
0x72: {  	_ =	shalt  }
0x73: {  	_ =	shalt  }
0x74: {  	_ =	shalt  }
0x75: {  	_ =	shalt  }
0x76: {  	_ =	shalt  }
0x77: {  	_ =	shalt  }
0x78: {  	_ =	shalt  }
0x79: {  	_ =	shalt  }
0x7a: {  	_ =	shalt  }
0x7b: {  	_ =	shalt  }
0x7c: {  	_ =	shalt  }
0x7d: {  	_ =	shalt  }
0x7e: {  	_ =	shalt  }
0x7f: {  	_ =	shalt  }
0x80: {  	_ =	shalt  }
0x81: {  	_ =	shalt  }
0x82: {  	_ =	shalt  }
0x83: {  	_ =	shalt  }
0x84: {  	_ =	shalt  }
0x85: {  	_ =	shalt  }
0x86: {  	_ =	shalt  }
0x87: {  	_ =	shalt  }
.Lfunc_end0:
.L_simem_size_0:
called_computation.2_lowered:
.L_overlay_start_0:
0x88: {  	s2 =	sld [smem:$0x3FD9]  }
0x89: {  	s3 =	sld [smem:$0x3FFE];
	_ =	sdelay $0x1  }
0x8a: {  	s1 =	srdreg.scid  }
0x8b: {  	s0 =	sand.u32 $0x1, s1  }
0x8c: {  	s17 =	sshll.u32 s0, $0xA;
	s2 =	sadd.s32 s3, s2  }
0x8d: {  	s2 =	sadd.s32 s2, s17  }
0x8e: {  	[smem:$0x3FBE] =	sst s2  }
0x8f: {  	_ = 	snop  }
0x90: {  	s2 =	sld [smem:$0x3FD0];
	(tm) =	ssettm $0x1  }
0x91: {  	s18 =	sld [smem:$0x3FFB];
	_ =	sdelay $0x3  }
0x92: {  	_ =	strace s18  }
0x93: {  	s3 =	sld [smem:$0x3FFC];
	_ =	sdelay $0x3  }
0x94: {  	_ =	strace s3  }
0x95: {  	s3 =	sld [smem:$0x3FFD];
	_ =	sdelay $0x3  }
0x96: {  	_ =	strace s3  }
0x97: {  	_ =	strace $0x8FFFFFFF  }
0x98: {  	s19 =	sld [smem:$0x3FDB];
	_ =	sdelay $0x1  }
0x99: {  	s4 =	simm.s32 $_scs_section_size  }
0x9a: {  	s5 =	simm.s32 $_size__tile_overlayer_lowered;
	s6 =	simm.s32 $_tile_overlayer_lowered  }
0x9b: {  	s22 =	simm.s32 $0x1BFF;
	s21 =	sshll.u32 s6, $0x1;
	s3 =	sadd.s32 s4, s19  }
0x9c: {  	s7 =	simm.s32 $0x0;
	s20 =	sshll.u32 s5, $0x1;
	s5 =	sadd.s32 s21, s3  }
0x9d: {  	[timem:s7], [sflag:s22] =	dma.local [hbm:s5], s20  }
0x9e: {  	_ =	swait.ge [sflag:s22], s20  }
0x9f: {  	s4 =	ssub.s32 $0x0, s20;
	[sflag:s22] =	ssyncset.done $0x0  }
0xa0: {  	[sflag:s22] =	ssyncadd.s32 s4;
	_ =	sdelay $0x1  }
0xa1: {  	s23 =	simm.s32 $0x1B8B  }
0xa2: {  	_ =	swait.ge [sflag:s23], $0x1  }
0xa3: {  	[sflag:s23] =	ssyncset.done $0x0  }
0xa4: {  	s25 =	simm.s32 $0x1B8E;
	s24 =	sld [smem:$0x3FFE];
	[sflag:s23] =	ssyncadd.s32 $0xFFFFFFFF  }
0xa5: {  	s26 =	simm.s32 $execute0_lowered;
	[smem:$0x3FD2] =	sst s25  }
0xa6: {  	s5 =	sshll.u32 s26, $0x1;
	_ =	strace $0x8000004C;
	[dreg:$0x1] =	wrdreg $0xFFFFFFFF  }
0xa7: {  	s28 =	simm.s32 $_size_execute0_lowered;
	s3 =	sadd.s32 s3, s5;
	[dreg:$0x0] =	wrdreg $0x0  }
0xa8: {  	s5 =	sshll.u32 s28, $0x1;
	[dreg:$0x2] =	wrdreg s3  }
0xa9: {  	[dreg:$0x3] =	wrdreg s5  }
0xaa: {  	[dreg:$0x4] =	wrdreg $0xC0  }
0xab: {  	_ =	task [dreg:s7], $0x5FFFF  }
0xac: {  	[dreg:$0x1] =	wrdreg $0xFFFFFFFF  }
0xad: {  	[dreg:$0x0] =	wrdreg $0x60  }
0xae: {  	[dreg:$0x2] =	wrdreg s24  }
0xaf: {  	[dreg:$0x3] =	wrdreg s2  }
0xb0: {  	[dreg:$0x4] =	wrdreg $0x0  }
0xb1: {  	[dreg:$0x5] =	wrdreg $0x9  }
0xb2: {  	_ =	task.clear_ibuf [dreg:s7], $0x6FFFF;
	_ =	strace $0x9000004C  }
0xb3: {  	s29 =	simm.s32 $0x9;
	_ =	strace $0x8000004E  }
0xb4: {  	_ =	swait.ge [sflag:s29], $0x1  }
0xb5: {  	[sflag:s29] =	ssyncadd.s32 $0xFFFFFFFF  }
0xb6: {  	_ =	strace $0x9000004E  }
0xb7: {  	_ =	sfence  }
0xb8: {  	s30 =	sld [smem:$0x0];
	_ =	sdelay $0x2  }
0xb9: {  	s31 =	sshll.u32 s1, $0xD;
	s1 =	sshrl.u32 s1, $0x2  }
0xba: {  	s3 =	sand.u32 $0x4000, s31;
	s1 =	sadd.s32 s1, s30  }
0xbb: {  	s0 =	sor.u32 s3, s0;
	s1 =	sshll.u32 s1, $0x11  }
0xbc: {  	s0 =	sor.u32 s1, s0  }
0xbd: {  	s0 =	sadd.s32 $0x8F2B, s0  }
0xbe: {  	[sflag:s0] =	ssyncadd.remote.s32 $0x1  }
0xbf: {  	_ =	sfence.sel $0xFFFF  }
0xc0: {  	[dreg:$0x0] =	wrdreg $0xFFFFFFFF;
	(pc) =	sbr.abs _section_cstart, $3  }
0xc1: {  	[dreg:$0x1] =	wrdreg $0xFFFFFFFF  }
0xc2: {  	_ =	task.clear_ibuf [dreg:s7], $0x2FFFF;
	_ =	strace $0x9FFFFFFF  }
0xc3: {  	(tm) =	ssettm $0x7FFFFFFF  }
tec
execute0_lowered:
.L_overlay_start_1:
0x0: {  	(tag) =	ssettag $0x1  }
0x1: {  	s4 =	rddreg [dreg:$0x0]  }
0x2: {  	s8 =	rddreg [dreg:$0x1]  }
0x3: {  	s2 =	rddreg [dreg:$0x2]  }
0x4: {  	s0 =	rddreg [dreg:$0x3]  }
0x5: {  	s3 =	simm.s32 $0x0;
	s1 =	stileid.u32;
	s5 =	srdreg.scid  }
0x6: {  	s15 =	simm.s32 $0x13980;
	s16 =	simm.s32 $0x80;
	s17 =	simm.s32 $0x13A00  }
0x7: {  	s18 =	simm.s32 $0x1;
	s21 =	simm.s32 $0x0;
	s9 =	smul.u32 $0xA00, s1  }
0x8: {  	[smem:$0x7FF] =	sst s3;
	s5 =	sand.u32 $0x1, s5;
	s11 =	smul.u32 $0x4E000, s1  }
0x9: {  	s19 =	smul.u32 $0x2700, s1;
	s31 =	sshll.u32 s1, $0x6;
	s14 =	sadd.s32 $0x138000, s2  }
0xa: {  	p0 =	sne.s32 s1, $0xF;
	s6 =	smul.u32 $0x27100, s5;
	s5 =	ssub.s32 $0x2, s5  }
0xb: {  	_ =	strace $0x8000004D;
	s10 =	sadd.s32 s9, s4;
	s7 =	sshrl.u32 s5, $0x1  }
0xc: {  	s30 =	sshrl.u32 s11, $0x2;
	s8 =	sadd.s32 s8, s9;
	s12 =	sadd.s32 s6, s4  }
0xd: {  	s13 =	ssub.s32 s5, s7;
	s11 =	sadd.s32 s30, s2;
	s6 =	sor.u32 $0x1C02, s31  }
0xe: {  	s9 =	sadd.s32 $0x16200, s10;
	s4 =	sadd.s32 $0x20200, s12;
	s7 =	sadd.s32 $0x47200, s12  }
0xf: {  	s20 =	sadd.s32 $0x6E400, s12;
	s10 =	smax.u32 s13, $0x1;
	s11 =	sshrl.u32 s11, $0x3  }
0x10: {  	s12 =	simm.s32 $0x2;
	s13 =	sshrl.u32 @!p0 s14, $0x3;
	s14 =	simm.s32 $0x13900  }
0x11: {  	s5 =	sadd.s32 s19, s4;
	s19 =	sadd.s32 s19, s20;
	s20 =	sadd.s32 @!p0 $0x27000, s20  }
.LBB2_1:
0x12: {  	[spmem:s11], [sflag:s6] =	dma.local [hbm:s5], $0x2700  }
0x13: {  	_ =	swait.ge [sflag:s12], $0x2700  }
0x14: {  	[sflag:s12] =	ssyncset.done $0x0  }
0x15: {  	s22 =	simm.s32 @!p0 $0x2;
	[sflag:s12] =	ssyncadd.s32 $0xFFFFD900  }
0x16: {  	[spmem:s13], [sflag:s6] =	dma.local @!p0 [hbm:s7], $0x100  }
0x17: {  	_ =	swait.ge @!p0 [sflag:s22], $0x100  }
0x18: {  	[sflag:s22] =	ssyncset.done @!p0 $0x0  }
0x19: {  	[sflag:s22] =	ssyncadd.s32 @!p0 $0xFFFFFF00  }
0x1a: {  	s30 =	sadd.s32 $0x0, s8;
	[bflag:$0x0] =	sbarrier.arrive $0xFFFF  }
0x1b: {  	[tilespmem:s14], [sflag:$0x2] =	stream.linear.gather [hbm4b:s30+s3], $0x80, $0x38;
	[tilespmem:$0x17A00] =	vst v63  }
0x1c: {  	_ =	swait.ge [sflag:s12], $0x80  }
0x1d: {  	[sflag:s12] =	ssyncset.done $0x0  }
0x1e: {  	s31 =	sadd.s32 $0x0, s9;
	[sflag:s12] =	ssyncadd.s32 $0xFFFFFF80  }
0x1f: {  	[tilespmem:s15], [sflag:$0x2] =	stream.linear.gather [hbm4b:s31+s3], $0x80, $0x38;
	[tilespmem:$0x17A00] =	vst v63  }
0x20: {  	_ =	swait.ge [sflag:s12], $0x80  }
0x21: {  	[sflag:s12] =	ssyncset.done $0x0  }
0x22: {  	[sflag:s12] =	ssyncadd.s32 $0xFFFFFF80  }
0x23: {  	[tilespmem:s17], [sflag:$0x1] =	stream.indirect.gather [hbm4b:s4+s16], $0x80, s14, s16, $0xb8;
	[tilespmem:$0x17A00] =	vst v63  }
0x24: {  	_ =	swait.ge [sflag:s18], $0x4000  }
0x25: {  	[sflag:s18] =	ssyncset.done $0x0  }
0x26: {  	[sflag:s18] =	ssyncadd.s32 $0xFFFFC000  }
0x27: {  	[spmem:s2] =	stream.indirect.scatter.add.f32 [tilespmem:s17], [sflag:$0x2], $0x80, s15, s16, $0xb8;
	[tilespmem:$0x17A00] =	vst v63  }
0x28: {  	_ =	swait.ge [sflag:s12], $0x4000  }
0x29: {  	s23 =	simm.s32 $0x20;
	s22 =	simm.s32 $0x10;
	[sflag:s12] =	ssyncset.done $0x0  }
.LBB2_2:
0x2a: {  	s24 =	sadd.s32 s22, s8  }
0x2b: {  	[sflag:s12] =	ssyncadd.s32 $0xFFFFC000;
	s25 =	smov.u32 s23;
	s26 =	sadd.s32 $0x10, s23  }
0x2c: {  	[tilespmem:s14], [sflag:$0x2] =	stream.linear.gather [hbm4b:s24+s3], $0x80, $0x38;
	[tilespmem:$0x17A00] =	vst v63  }
0x2d: {  	p1 =	sne.s32 s23, $0x9D0;
	_ =	swait.ge [sflag:s12], $0x80  }
0x2e: {  	[sflag:s12] =	ssyncset.done $0x0  }
0x2f: {  	s23 =	sadd.s32 s22, s9;
	s22 =	smov.u32 s25;
	[sflag:s12] =	ssyncadd.s32 $0xFFFFFF80  }
0x30: {  	[tilespmem:s15], [sflag:$0x2] =	stream.linear.gather [hbm4b:s23+s3], $0x80, $0x38;
	[tilespmem:$0x17A00] =	vst v63  }
0x31: {  	_ =	swait.ge [sflag:s12], $0x80  }
0x32: {  	[sflag:s12] =	ssyncset.done $0x0  }
0x33: {  	[sflag:s12] =	ssyncadd.s32 $0xFFFFFF80  }
0x34: {  	[tilespmem:s17], [sflag:$0x1] =	stream.indirect.gather [hbm4b:s4+s16], $0x80, s14, s16, $0xb8;
	[tilespmem:$0x17A00] =	vst v63  }
0x35: {  	_ =	swait.ge [sflag:s18], $0x4000  }
.Ltmp0:
0x36: {  	[sflag:s18] =	ssyncset.done $0x0;
	(pc) =	sbr.rel @p1 .LBB2_2-.Ltmp0, $4  }
0x37: {  	[sflag:s18] =	ssyncadd.s32 $0xFFFFC000  }
0x38: {  	[spmem:s2] =	stream.indirect.scatter.add.f32 [tilespmem:s17], [sflag:$0x2], $0x80, s15, s16, $0xb8;
	[tilespmem:$0x17A00] =	vst v63  }
0x39: {  	_ =	swait.ge [sflag:s12], $0x4000  }
0x3a: {  	s23 =	smov.u32 s26;
	[sflag:s12] =	ssyncset.done $0x0  }
0x3b: {  	s23 =	sadd.s32 s22, s8;
	[sflag:s12] =	ssyncadd.s32 $0xFFFFC000  }
0x3c: {  	[tilespmem:s14], [sflag:$0x2] =	stream.linear.gather [hbm4b:s23+s3], $0x80, $0x38;
	[tilespmem:$0x17A00] =	vst v63  }
0x3d: {  	_ =	swait.ge [sflag:s12], $0x80  }
0x3e: {  	[sflag:s12] =	ssyncset.done $0x0  }
0x3f: {  	s31 =	sadd.s32 s22, s9;
	[sflag:s12] =	ssyncadd.s32 $0xFFFFFF80  }
0x40: {  	[tilespmem:s15], [sflag:$0x2] =	stream.linear.gather [hbm4b:s31+s3], $0x80, $0x38;
	[tilespmem:$0x17A00] =	vst v63  }
0x41: {  	_ =	swait.ge [sflag:s12], $0x80  }
0x42: {  	[sflag:s12] =	ssyncset.done $0x0  }
0x43: {  	[sflag:s12] =	ssyncadd.s32 $0xFFFFFF80  }
0x44: {  	[tilespmem:s17], [sflag:$0x1] =	stream.indirect.gather [hbm4b:s4+s16], $0x80, s14, s16, $0xb8;
	[tilespmem:$0x17A00] =	vst v63  }
0x45: {  	_ =	swait.ge [sflag:s18], $0x4000  }
0x46: {  	[sflag:s18] =	ssyncset.done $0x0  }
0x47: {  	[sflag:s18] =	ssyncadd.s32 $0xFFFFC000  }
0x48: {  	[spmem:s2] =	stream.indirect.scatter.add.f32 [tilespmem:s17], [sflag:$0x2], $0x80, s15, s16, $0xb8;
	[tilespmem:$0x17A00] =	vst v63  }
0x49: {  	_ =	swait.ge [sflag:s12], $0x4000  }
0x4a: {  	[sflag:s12] =	ssyncset.done $0x0  }
0x4b: {  	[sflag:s12] =	ssyncadd.s32 $0xFFFFC000  }
0x4c: {  	[bflag:$0x0] =	sbarrier.arrive $0xFFFF  }
0x4d: {  	[hbm:s19], [sflag:s6] =	dma.local [spmem:s11], $0x2700  }
0x4e: {  	s21 =	sadd.s32 $0x1, s21;
	_ =	swait.ge [sflag:s12], $0x2700  }
0x4f: {  	p1 =	sne.s32 s21, s10;
	[sflag:s12] =	ssyncset.done $0x0  }
.Ltmp1:
0x50: {  	s22 =	simm.s32 @!p0 $0x2;
	[sflag:s12] =	ssyncadd.s32 $0xFFFFD900;
	(pc) =	sbr.rel @p1 .LBB2_1-.Ltmp1, $4  }
0x51: {  	[hbm:s20], [sflag:s6] =	dma.local @!p0 [spmem:s13], $0x100  }
0x52: {  	_ =	swait.ge @!p0 [sflag:s22], $0x100  }
0x53: {  	[sflag:s22] =	ssyncset.done @!p0 $0x0  }
0x54: {  	[sflag:s22] =	ssyncadd.s32 @!p0 $0xFFFFFF00  }
0x55: {  	_ =	sfence.sel $0x180000  }
0x56: {  	[bflag:$0x0] =	sbarrier.arrive $0xFFFF  }
0x57: {  	p0 =	sne.s32 s1, $0x0;
	_ =	strace $0x9000004D  }
0x58: {  	s0 =	sadd.s32 @!p0 $0x100000, s0;
	[bflag:$0x2] =	sbarrier.arrive $0xFFFF  }
0x59: {  	[sflag:s0] =	ssyncadd.tile.s32 @!p0 $0x1;
	_ =	shalt  }
.Lfunc_end2:
_tile_overlayer_lowered:
.L_overlay_start_2:
0x5a: {  	(tag) =	ssettag $0x2  }
0x5b: {  	s0 =	rddreg [dreg:$0x0];
	s2 =	stileid.u32  }
0x5c: {  	s1 =	rddreg [dreg:$0x1];
	p0 =	sne.s32 s2, $0x0  }
0x5d: {  	s3 =	rddreg [dreg:$0x2];
	[bflag:$0x3] =	sbarrier.arrive $0xFFFF;
	s2 =	simm.s32 @!p0 $0x1C02  }
0x5e: {  	[timem:s3], [sflag:s2] =	dma.local @!p0 [hbm:s0], s1  }
0x5f: {  	s0 =	simm.s32 @!p0 $0x2  }
0x60: {  	_ =	swait.ge @!p0 [sflag:s0], s1  }
0x61: {  	s1 =	ssub.s32 @!p0 $0x0, s1;
	[sflag:s0] =	ssyncset.done @!p0 $0x0  }
0x62: {  	[sflag:s0] =	ssyncadd.s32 @!p0 s1  }
0x63: {  	[bflag:$0x3] =	sbarrier.arrive $0xFFFF  }
0x64: {  	_ =	shalt  }

// kernel: kernel.19.cloned.1.call-start
scs
__scs_entry_jumppad:
0x0: {  	(pc) =	sbr.rel $0x88, $3  }
0x1: {  	(tag) =	ssettag $0x0;
	lr =	simm.s32 $0x1  }
0x2: {  	[smem:$0x3F97] =	sst lr;
	_ =	strace $0xD0000000  }
0x3: {  	_ = 	snop  }
0x4: {  	_ = 	snop  }
0x5: {  	_ = 	snop  }
0x6: {  	_ = 	snop  }
0x7: {  	_ = 	snop  }
__scs_overlays_trampoline_lowered:
0x8: {  	[smem:$0x3FA6] =	sst s0  }
0x9: {  	[smem:$0x3FA7] =	sst s1  }
0xa: {  	[smem:$0x3FA8] =	sst s2  }
0xb: {  	[smem:$0x3FA9] =	sst s3  }
0xc: {  	[smem:$0x3FAA] =	sst s4  }
0xd: {  	[smem:$0x3FAB] =	sst s5  }
0xe: {  	[smem:$0x3FAC] =	sst s6  }
0xf: {  	[smem:$0x3FAD] =	sst s7  }
0x10: {  	[smem:$0x3FAE] =	sst s8  }
0x11: {  	[smem:$0x3FAF] =	sst s9;
	s0 =	simm.s32 @!p0 $0x0  }
0x12: {  	s1 =	sld [smem:$0x3F95];
	s0 =	simm.s32 @p0 $0x1  }
0x13: {  	[smem:$0x3FB0] =	sst s0;
	s0 =	simm.s32 @!p1 $0x0  }
0x14: {  	s2 =	sld [smem:$0x3F94];
	s0 =	simm.s32 @p1 $0x1  }
0x15: {  	[smem:$0x3FB1] =	sst s0;
	s0 =	simm.s32 @!p2 $0x0  }
0x16: {  	s3 =	sld [smem:$0x3FDB];
	s0 =	simm.s32 @p2 $0x1  }
0x17: {  	s4 =	simm.s32 $0x1BF5;
	[smem:$0x3FB3] =	sst s0  }
0x18: {  	s0 =	sld [smem:$0x3F96];
	_ =	swait.ge [sflag:s4], $0x0  }
0x19: {  	s7 =	sld [smem:$0x3F97]  }
0x1a: {  	s8 =	sadd.s32 $0xFFFFE003, lr  }
0x1b: {  	s9 =	sadd.s32 $0xFFFFFEF7, lr;
	s5 =	simm.s32 $0xFFFFFFFF;
	p2 =	slt.u32 s8, $0xFFFFF086  }
0x1c: {  	p1 =	slt.u32 s9, $0xF7A;
	s5 =	simm.s32 @!p2 $0x0  }
0x1d: {  	s5 =	simm.s32 @p1 $0x1;
	p0 =	seq.s32 s7, s2  }
0x1e: {  	s7 =	smul.u32 @!p0 $0xF7A, s2;
	p2 =	seq.s32 @!p0 s5, $0x0  }
0x1f: {  	s9 =	smul.u32 $0xF7A, s1;
	s8 =	simm.s32 @!p0 $0x1BF5;
	p2 =	por !p2, p0  }
0x20: {  	[sflag:s8] =	ssyncset.s32 @!p0 $0xFFFFF086;
	s6 =	sadd.s32 @!p0 s3, s7;
	s7 =	simm.s32 @!p0 $0x108  }
0x21: {  	s3 =	sadd.s32 s3, s9;
	s6 =	sadd.s32 @!p0 $0x88, s6;
	s7 =	simm.s32 @p2 $0x1082  }
0x22: {  	[simem:s7], [sflag:s8] =	dma.local @!p0 [hbm:s6], $0xF7A  }
0x23: {  	s9 =	sor.u32 $0xD0000000, s2;
	s6 =	simm.s32 $0x108;
	_ =	swait.ge @!p0 [sflag:s8], $0x0  }
0x24: {  	s3 =	sadd.s32 $0x88, s3;
	s6 =	simm.s32 @!p1 $0x1082;
	[sflag:s4] =	ssyncset.s32 $0xFFFFF086  }
0x25: {  	[simem:s6], [sflag:s4] =	dma.local [hbm:s3], $0xF7A  }
0x26: {  	[smem:$0x3F97] =	sst s1;
	(tag) =	ssettag s2;
	_ =	strace s9  }
0x27: {  	s1 =	sld [smem:$0x3FA7]  }
0x28: {  	s2 =	sld [smem:$0x3FA8]  }
0x29: {  	s4 =	sld [smem:$0x3FAA]  }
0x2a: {  	p0 =	seq.s32 s5, $0x0;
	s5 =	sld [smem:$0x3FAB]  }
0x2b: {  	s6 =	sld [smem:$0x3FAC]  }
0x2c: {  	s7 =	sld [smem:$0x3FAD]  }
0x2d: {  	s3 =	simm.s32 $0x108;
	s8 =	sld [smem:$0x3FAE]  }
0x2e: {  	s3 =	simm.s32 @!p0 $0x1082;
	s9 =	sld [smem:$0x3FAF]  }
0x2f: {  	lr =	sadd.s32 s0, s3;
	s0 =	sld [smem:$0x3FA6]  }
0x30: {  	s3 =	sld [smem:$0x3FA9]  }
0x31: {  	[smem:$0x3FB2] =	sst s10  }
0x32: {  	s10 =	sld [smem:$0x3FB0];
	_ =	sdelay $0x3  }
0x33: {  	p0 =	seq.s32 s10, $0x1;
	s10 =	sld [smem:$0x3FB2];
	_ =	sdelay $0x3  }
0x34: {  	[smem:$0x3FB2] =	sst s10  }
0x35: {  	s10 =	sld [smem:$0x3FB1];
	_ =	sdelay $0x3  }
0x36: {  	p1 =	seq.s32 s10, $0x1;
	s10 =	sld [smem:$0x3FB2];
	_ =	sdelay $0x3  }
0x37: {  	[smem:$0x3FB2] =	sst s10  }
0x38: {  	s10 =	sld [smem:$0x3FB3]  }
0x39: {  	_ = 	snop;
	(pc) =	sbr.ind lr, $3  }
0x3a: {  	_ = 	snop  }
0x3b: {  	_ = 	snop  }
0x3c: {  	p2 =	seq.s32 s10, $0x1;
	s10 =	sld [smem:$0x3FB2]  }
0x3d: {  	_ =	shalt  }
0x3e: {  	_ =	shalt  }
0x3f: {  	_ =	shalt  }
0x40: {  	_ =	shalt  }
0x41: {  	_ =	shalt  }
0x42: {  	_ =	shalt  }
0x43: {  	_ =	shalt  }
0x44: {  	_ =	shalt  }
0x45: {  	_ =	shalt  }
0x46: {  	_ =	shalt  }
0x47: {  	_ =	shalt  }
0x48: {  	_ =	shalt  }
0x49: {  	_ =	shalt  }
0x4a: {  	_ =	shalt  }
0x4b: {  	_ =	shalt  }
0x4c: {  	_ =	shalt  }
0x4d: {  	_ =	shalt  }
0x4e: {  	_ =	shalt  }
0x4f: {  	_ =	shalt  }
0x50: {  	_ =	shalt  }
0x51: {  	_ =	shalt  }
0x52: {  	_ =	shalt  }
0x53: {  	_ =	shalt  }
0x54: {  	_ =	shalt  }
0x55: {  	_ =	shalt  }
0x56: {  	_ =	shalt  }
0x57: {  	_ =	shalt  }
0x58: {  	_ =	shalt  }
0x59: {  	_ =	shalt  }
0x5a: {  	_ =	shalt  }
0x5b: {  	_ =	shalt  }
0x5c: {  	_ =	shalt  }
0x5d: {  	_ =	shalt  }
0x5e: {  	_ =	shalt  }
0x5f: {  	_ =	shalt  }
0x60: {  	_ =	shalt  }
0x61: {  	_ =	shalt  }
0x62: {  	_ =	shalt  }
0x63: {  	_ =	shalt  }
0x64: {  	_ =	shalt  }
0x65: {  	_ =	shalt  }
0x66: {  	_ =	shalt  }
0x67: {  	_ =	shalt  }
0x68: {  	_ =	shalt  }
0x69: {  	_ =	shalt  }
0x6a: {  	_ =	shalt  }
0x6b: {  	_ =	shalt  }
0x6c: {  	_ =	shalt  }
0x6d: {  	_ =	shalt  }
0x6e: {  	_ =	shalt  }
0x6f: {  	_ =	shalt  }
0x70: {  	_ =	shalt  }
0x71: {  	_ =	shalt  }
0x72: {  	_ =	shalt  }
0x73: {  	_ =	shalt  }
0x74: {  	_ =	shalt  }
0x75: {  	_ =	shalt  }
0x76: {  	_ =	shalt  }
0x77: {  	_ =	shalt  }
0x78: {  	_ =	shalt  }
0x79: {  	_ =	shalt  }
0x7a: {  	_ =	shalt  }
0x7b: {  	_ =	shalt  }
0x7c: {  	_ =	shalt  }
0x7d: {  	_ =	shalt  }
0x7e: {  	_ =	shalt  }
0x7f: {  	_ =	shalt  }
0x80: {  	_ =	shalt  }
0x81: {  	_ =	shalt  }
0x82: {  	_ =	shalt  }
0x83: {  	_ =	shalt  }
0x84: {  	_ =	shalt  }
0x85: {  	_ =	shalt  }
0x86: {  	_ =	shalt  }
0x87: {  	_ =	shalt  }
.Lfunc_end0:
.L_simem_size_0:
called_computation.3_lowered:
.L_overlay_start_0:
0x88: {  	s2 =	sld [smem:$0x3FD9]  }
0x89: {  	s3 =	sld [smem:$0x3FFE];
	_ =	sdelay $0x1  }
0x8a: {  	s1 =	srdreg.scid  }
0x8b: {  	s0 =	sand.u32 $0x1, s1  }
0x8c: {  	s17 =	sshll.u32 s0, $0xA;
	s2 =	sadd.s32 s3, s2  }
0x8d: {  	s2 =	sadd.s32 s2, s17  }
0x8e: {  	[smem:$0x3FBE] =	sst s2  }
0x8f: {  	_ = 	snop  }
0x90: {  	s2 =	sld [smem:$0x3FD0];
	(tm) =	ssettm $0x1  }
0x91: {  	s18 =	sld [smem:$0x3FFB];
	_ =	sdelay $0x3  }
0x92: {  	_ =	strace s18  }
0x93: {  	s3 =	sld [smem:$0x3FFC];
	_ =	sdelay $0x3  }
0x94: {  	_ =	strace s3  }
0x95: {  	s3 =	sld [smem:$0x3FFD];
	_ =	sdelay $0x3  }
0x96: {  	_ =	strace s3  }
0x97: {  	_ =	strace $0x8FFFFFFF  }
0x98: {  	s19 =	sld [smem:$0x3FDB];
	_ =	sdelay $0x1  }
0x99: {  	s4 =	simm.s32 $_scs_section_size  }
0x9a: {  	s5 =	simm.s32 $_size__tile_overlayer_lowered;
	s6 =	simm.s32 $_tile_overlayer_lowered  }
0x9b: {  	s22 =	simm.s32 $0x1BFF;
	s21 =	sshll.u32 s6, $0x1;
	s3 =	sadd.s32 s4, s19  }
0x9c: {  	s7 =	simm.s32 $0x0;
	s20 =	sshll.u32 s5, $0x1;
	s5 =	sadd.s32 s21, s3  }
0x9d: {  	[timem:s7], [sflag:s22] =	dma.local [hbm:s5], s20  }
0x9e: {  	_ =	swait.ge [sflag:s22], s20  }
0x9f: {  	s4 =	ssub.s32 $0x0, s20;
	[sflag:s22] =	ssyncset.done $0x0  }
0xa0: {  	[sflag:s22] =	ssyncadd.s32 s4;
	_ =	sdelay $0x1  }
0xa1: {  	s23 =	simm.s32 $0x1B8B  }
0xa2: {  	_ =	swait.ge [sflag:s23], $0x1  }
0xa3: {  	[sflag:s23] =	ssyncset.done $0x0  }
0xa4: {  	s25 =	simm.s32 $0x1B8E;
	s24 =	sld [smem:$0x3FFE];
	[sflag:s23] =	ssyncadd.s32 $0xFFFFFFFF  }
0xa5: {  	s26 =	simm.s32 $execute0_lowered;
	[smem:$0x3FD2] =	sst s25  }
0xa6: {  	s5 =	sshll.u32 s26, $0x1;
	_ =	strace $0x8000004F;
	[dreg:$0x1] =	wrdreg $0xFFFFFFFF  }
0xa7: {  	s28 =	simm.s32 $_size_execute0_lowered;
	s3 =	sadd.s32 s3, s5;
	[dreg:$0x0] =	wrdreg $0x0  }
0xa8: {  	s5 =	sshll.u32 s28, $0x1;
	[dreg:$0x2] =	wrdreg s3  }
0xa9: {  	[dreg:$0x3] =	wrdreg s5  }
0xaa: {  	[dreg:$0x4] =	wrdreg $0xC0  }
0xab: {  	_ =	task [dreg:s7], $0x5FFFF  }
0xac: {  	[dreg:$0x1] =	wrdreg $0xFFFFFFFF  }
0xad: {  	[dreg:$0x0] =	wrdreg $0x60  }
0xae: {  	[dreg:$0x2] =	wrdreg s24  }
0xaf: {  	[dreg:$0x3] =	wrdreg s2  }
0xb0: {  	[dreg:$0x4] =	wrdreg $0x0  }
0xb1: {  	[dreg:$0x5] =	wrdreg $0x9  }
0xb2: {  	_ =	task.clear_ibuf [dreg:s7], $0x6FFFF;
	_ =	strace $0x9000004F  }
0xb3: {  	s29 =	simm.s32 $0x9;
	_ =	strace $0x80000051  }
0xb4: {  	_ =	swait.ge [sflag:s29], $0x1  }
0xb5: {  	[sflag:s29] =	ssyncadd.s32 $0xFFFFFFFF  }
0xb6: {  	_ =	strace $0x90000051  }
0xb7: {  	_ =	sfence  }
0xb8: {  	s30 =	sld [smem:$0x0];
	_ =	sdelay $0x2  }
0xb9: {  	s31 =	sshll.u32 s1, $0xD;
	s1 =	sshrl.u32 s1, $0x2  }
0xba: {  	s3 =	sand.u32 $0x4000, s31;
	s1 =	sadd.s32 s1, s30  }
0xbb: {  	s0 =	sor.u32 s3, s0;
	s1 =	sshll.u32 s1, $0x11  }
0xbc: {  	s0 =	sor.u32 s1, s0  }
0xbd: {  	s0 =	sadd.s32 $0x8F2B, s0  }
0xbe: {  	[sflag:s0] =	ssyncadd.remote.s32 $0x1  }
0xbf: {  	_ =	sfence.sel $0xFFFF  }
0xc0: {  	[dreg:$0x0] =	wrdreg $0xFFFFFFFF;
	(pc) =	sbr.abs _section_cstart, $3  }
0xc1: {  	[dreg:$0x1] =	wrdreg $0xFFFFFFFF  }
0xc2: {  	_ =	task.clear_ibuf [dreg:s7], $0x2FFFF;
	_ =	strace $0x9FFFFFFF  }
0xc3: {  	(tm) =	ssettm $0x7FFFFFFF  }
tec
execute0_lowered:
.L_overlay_start_1:
0x0: {  	(tag) =	ssettag $0x1  }
0x1: {  	s4 =	rddreg [dreg:$0x0]  }
0x2: {  	s10 =	rddreg [dreg:$0x1]  }
0x3: {  	s2 =	rddreg [dreg:$0x2]  }
0x4: {  	s0 =	rddreg [dreg:$0x3];
	s1 =	stileid.u32  }
0x5: {  	s5 =	srdreg.scid;
	s3 =	simm.s32 $0x0;
	s17 =	simm.s32 $0x13900  }
0x6: {  	s18 =	simm.s32 $0x13980;
	s19 =	simm.s32 $0x80;
	s20 =	simm.s32 $0x13A00  }
0x7: {  	s21 =	simm.s32 $0x1;
	s23 =	simm.s32 $0x0;
	s11 =	smul.u32 $0xA00, s1  }
0x8: {  	s5 =	sand.u32 $0x1, s5;
	[smem:$0x7FF] =	sst s3;
	s30 =	smul.u32 $0x4E000, s1  }
0x9: {  	s22 =	smul.u32 $0x2700, s1;
	s8 =	sshll.u32 s1, $0x6;
	s16 =	sadd.s32 $0x138000, s2  }
0xa: {  	s6 =	smul.u32 $0x27100, s5;
	_ =	strace $0x80000050;
	s7 =	ssub.s32 $0x2, s5  }
0xb: {  	s28 =	ssub.s32 $0x0, s5;
	p0 =	seq.s32 s5, $0x0;
	s5 =	simm.s32 $0x3000  }
0xc: {  	s8 =	sor.u32 $0x1C02, s8;
	s12 =	sadd.s32 s11, s4;
	s29 =	sshrl.u32 s7, $0x1  }
0xd: {  	s5 =	simm.s32 @!p0 $0x1F00;
	s31 =	sshrl.u32 s30, $0x2;
	s10 =	sadd.s32 s10, s11  }
0xe: {  	p0 =	sne.s32 s1, $0xF;
	s13 =	sadd.s32 s6, s4;
	s14 =	ssub.s32 s7, s29  }
0xf: {  	s4 =	sand.u32 $0x3000, s28;
	s15 =	sadd.s32 s31, s2;
	s11 =	sadd.s32 $0x16200, s12  }
0x10: {  	s16 =	sshrl.u32 @!p0 s16, $0x3;
	s6 =	sadd.s32 $0x20200, s13;
	s9 =	sadd.s32 $0x47200, s13  }
0x11: {  	s12 =	sadd.s32 $0x6E400, s13;
	s13 =	smax.u32 s14, $0x1;
	s14 =	sshrl.u32 s15, $0x3  }
0x12: {  	s15 =	simm.s32 $0x2;
	s7 =	sadd.s32 s22, s6;
	s22 =	sadd.s32 s22, s12  }
.LBB2_1:
0x13: {  	[spmem:s14], [sflag:s8] =	dma.local [hbm:s7], $0x2700  }
0x14: {  	_ =	swait.ge [sflag:s15], $0x2700  }
0x15: {  	[sflag:s15] =	ssyncset.done $0x0  }
0x16: {  	s24 =	simm.s32 @!p0 $0x2;
	p2 =	sne.s32 s5, $0x80;
	[sflag:s15] =	ssyncadd.s32 $0xFFFFD900  }
0x17: {  	[spmem:s16], [sflag:s8] =	dma.local @!p0 [hbm:s9], $0x100  }
.Ltmp0:
0x18: {  	_ =	swait.ge @!p0 [sflag:s24], $0x100;
	(pc) =	sbr.rel @!p2 .LBB2_4-.Ltmp0, $4  }
0x19: {  	[sflag:s24] =	ssyncset.done @!p0 $0x0  }
0x1a: {  	s25 =	sadd.s32 $0x0, s4;
	[sflag:s24] =	ssyncadd.s32 @!p0 $0xFFFFFF00  }
0x1b: {  	s28 =	sand.u32 $0x380, s3;
	s25 =	sand.u32 $0xFFFFFC00, s25;
	[bflag:$0x0] =	sbarrier.arrive $0xFFFF  }
0x1c: {  	s26 =	simm.s32 $0x80;
	p1 =	por $0x0, $0x0;
	s28 =	sor.u32 s28, s25  }
0x1d: {  	s25 =	sshrl.u32 s28, $0x3  }
0x1e: {  	s28 =	sadd.s32 s25, s10  }
0x1f: {  	[tilespmem:s17], [sflag:$0x2] =	stream.linear.gather [hbm4b:s28+s3], $0x80, $0x38;
	[tilespmem:$0x17A00] =	vst v63  }
0x20: {  	_ =	swait.ge [sflag:s15], $0x80  }
0x21: {  	[sflag:s15] =	ssyncset.done $0x0  }
0x22: {  	s25 =	sadd.s32 s25, s11;
	[sflag:s15] =	ssyncadd.s32 $0xFFFFFF80  }
0x23: {  	[tilespmem:s18], [sflag:$0x2] =	stream.linear.gather [hbm4b:s25+s3], $0x80, $0x38;
	[tilespmem:$0x17A00] =	vst v63  }
0x24: {  	_ =	swait.ge [sflag:s15], $0x80  }
0x25: {  	[sflag:s15] =	ssyncset.done $0x0  }
0x26: {  	[sflag:s15] =	ssyncadd.s32 $0xFFFFFF80  }
0x27: {  	[tilespmem:s20], [sflag:$0x1] =	stream.indirect.gather [hbm4b:s6+s19], $0x80, s17, s19, $0xb8;
	[tilespmem:$0x17A00] =	vst v63  }
0x28: {  	p2 =	sne.s32 s5, $0x100;
	_ =	swait.ge [sflag:s21], $0x4000  }
.Ltmp1:
0x29: {  	[sflag:s21] =	ssyncset.done $0x0;
	(pc) =	sbr.rel @!p2 .LBB2_4-.Ltmp1, $4  }
0x2a: {  	s26 =	sand.u32 $0x380, s26;
	s28 =	sadd.s32 $0x80, s4;
	[sflag:s21] =	ssyncadd.s32 $0xFFFFC000  }
0x2b: {  	[spmem:s2] =	stream.indirect.scatter.add.f32 [tilespmem:s20], [sflag:$0x2], $0x80, s18, s19, $0xb8;
	[tilespmem:$0x17A00] =	vst v63  }
0x2c: {  	p1 =	por $0x1, $0x1;
	s28 =	sand.u32 $0xFFFFFC00, s28;
	_ =	swait.ge [sflag:s15], $0x4000  }
0x2d: {  	s28 =	sor.u32 s26, s28;
	s25 =	simm.s32 $0x100;
	[sflag:s15] =	ssyncset.done $0x0  }
.LBB2_3:
0x2e: {  	s26 =	sshrl.u32 s28, $0x3  }
0x2f: {  	[sflag:s15] =	ssyncadd.s32 $0xFFFFC000;
	s28 =	smov.u32 s25;
	s25 =	sadd.s32 $0x80, s25  }
0x30: {  	p2 =	sne.s32 s5, s25;
	s29 =	sadd.s32 s26, s10  }
0x31: {  	[tilespmem:s17], [sflag:$0x2] =	stream.linear.gather [hbm4b:s29+s3], $0x80, $0x38;
	[tilespmem:$0x17A00] =	vst v63  }
0x32: {  	_ =	swait.ge [sflag:s15], $0x80  }
0x33: {  	[sflag:s15] =	ssyncset.done $0x0  }
0x34: {  	s26 =	sadd.s32 s26, s11;
	[sflag:s15] =	ssyncadd.s32 $0xFFFFFF80  }
0x35: {  	[tilespmem:s18], [sflag:$0x2] =	stream.linear.gather [hbm4b:s26+s3], $0x80, $0x38;
	[tilespmem:$0x17A00] =	vst v63  }
0x36: {  	_ =	swait.ge [sflag:s15], $0x80  }
0x37: {  	[sflag:s15] =	ssyncset.done $0x0  }
0x38: {  	[sflag:s15] =	ssyncadd.s32 $0xFFFFFF80  }
0x39: {  	[tilespmem:s20], [sflag:$0x1] =	stream.indirect.gather [hbm4b:s6+s19], $0x80, s17, s19, $0xb8;
	[tilespmem:$0x17A00] =	vst v63  }
0x3a: {  	_ =	swait.ge [sflag:s21], $0x4000  }
.Ltmp2:
0x3b: {  	[sflag:s21] =	ssyncset.done $0x0;
	(pc) =	sbr.rel @p2 .LBB2_3-.Ltmp2, $4  }
0x3c: {  	s26 =	sadd.s32 s28, s4;
	[sflag:s21] =	ssyncadd.s32 $0xFFFFC000  }
0x3d: {  	[spmem:s2] =	stream.indirect.scatter.add.f32 [tilespmem:s20], [sflag:$0x2], $0x80, s18, s19, $0xb8;
	[tilespmem:$0x17A00] =	vst v63  }
0x3e: {  	s28 =	sand.u32 $0x380, s28;
	s26 =	sand.u32 $0xFFFFFC00, s26;
	_ =	swait.ge [sflag:s15], $0x4000  }
0x3f: {  	s28 =	sor.u32 s28, s26;
	[sflag:s15] =	ssyncset.done $0x0  }
.LBB2_4:
0x40: {  	s25 =	sshrl.u32 s28, $0x3  }
0x41: {  	[sflag:s15] =	ssyncadd.s32 @p1 $0xFFFFC000;
	s26 =	sadd.s32 s25, s10  }
0x42: {  	[tilespmem:s17], [sflag:$0x2] =	stream.linear.gather [hbm4b:s26+s3], $0x80, $0x38;
	[tilespmem:$0x17A00] =	vst v63  }
0x43: {  	_ =	swait.ge [sflag:s15], $0x80  }
0x44: {  	[sflag:s15] =	ssyncset.done $0x0  }
0x45: {  	s25 =	sadd.s32 s25, s11;
	[sflag:s15] =	ssyncadd.s32 $0xFFFFFF80  }
0x46: {  	[tilespmem:s18], [sflag:$0x2] =	stream.linear.gather [hbm4b:s25+s3], $0x80, $0x38;
	[tilespmem:$0x17A00] =	vst v63  }
0x47: {  	_ =	swait.ge [sflag:s15], $0x80  }
0x48: {  	[sflag:s15] =	ssyncset.done $0x0  }
0x49: {  	[sflag:s15] =	ssyncadd.s32 $0xFFFFFF80  }
0x4a: {  	[tilespmem:s20], [sflag:$0x1] =	stream.indirect.gather [hbm4b:s6+s19], $0x80, s17, s19, $0xb8;
	[tilespmem:$0x17A00] =	vst v63  }
0x4b: {  	_ =	swait.ge [sflag:s21], $0x4000  }
0x4c: {  	[sflag:s21] =	ssyncset.done $0x0  }
0x4d: {  	[sflag:s21] =	ssyncadd.s32 $0xFFFFC000  }
0x4e: {  	[spmem:s2] =	stream.indirect.scatter.add.f32 [tilespmem:s20], [sflag:$0x2], $0x80, s18, s19, $0xb8;
	[tilespmem:$0x17A00] =	vst v63  }
0x4f: {  	_ =	swait.ge [sflag:s15], $0x4000  }
0x50: {  	[sflag:s15] =	ssyncset.done $0x0  }
0x51: {  	[sflag:s15] =	ssyncadd.s32 $0xFFFFC000  }
0x52: {  	[bflag:$0x0] =	sbarrier.arrive $0xFFFF  }
0x53: {  	[hbm:s22], [sflag:s8] =	dma.local [spmem:s14], $0x2700  }
0x54: {  	s23 =	sadd.s32 $0x1, s23;
	_ =	swait.ge [sflag:s15], $0x2700  }
0x55: {  	p1 =	sne.s32 s23, s13;
	[sflag:s15] =	ssyncset.done $0x0  }
.Ltmp3:
0x56: {  	s25 =	sadd.s32 @!p0 $0x27000, s12;
	[sflag:s15] =	ssyncadd.s32 $0xFFFFD900;
	(pc) =	sbr.rel @p1 .LBB2_1-.Ltmp3, $4  }
0x57: {  	[hbm:s25], [sflag:s8] =	dma.local @!p0 [spmem:s16], $0x100  }
0x58: {  	_ =	swait.ge @!p0 [sflag:s24], $0x100  }
0x59: {  	[sflag:s24] =	ssyncset.done @!p0 $0x0  }
0x5a: {  	[sflag:s24] =	ssyncadd.s32 @!p0 $0xFFFFFF00  }
0x5b: {  	_ =	sfence.sel $0x180000  }
0x5c: {  	[bflag:$0x0] =	sbarrier.arrive $0xFFFF  }
0x5d: {  	p0 =	sne.s32 s1, $0x0;
	_ =	strace $0x90000050  }
0x5e: {  	s0 =	sadd.s32 @!p0 $0x100000, s0;
	[bflag:$0x2] =	sbarrier.arrive $0xFFFF  }
0x5f: {  	[sflag:s0] =	ssyncadd.tile.s32 @!p0 $0x1;
	_ =	shalt  }
.Lfunc_end2:
_tile_overlayer_lowered:
.L_overlay_start_2:
0x60: {  	(tag) =	ssettag $0x2  }
0x61: {  	s0 =	rddreg [dreg:$0x0];
	s2 =	stileid.u32  }
0x62: {  	s1 =	rddreg [dreg:$0x1];
	p0 =	sne.s32 s2, $0x0  }
0x63: {  	s3 =	rddreg [dreg:$0x2];
	[bflag:$0x3] =	sbarrier.arrive $0xFFFF;
	s2 =	simm.s32 @!p0 $0x1C02  }
0x64: {  	[timem:s3], [sflag:s2] =	dma.local @!p0 [hbm:s0], s1  }
0x65: {  	s0 =	simm.s32 @!p0 $0x2  }
0x66: {  	_ =	swait.ge @!p0 [sflag:s0], s1  }
0x67: {  	s1 =	ssub.s32 @!p0 $0x0, s1;
	[sflag:s0] =	ssyncset.done @!p0 $0x0  }
0x68: {  	[sflag:s0] =	ssyncadd.s32 @!p0 s1  }
0x69: {  	[bflag:$0x3] =	sbarrier.arrive $0xFFFF  }
0x6a: {  	_ =	shalt  }

</sc_bundles>
